<compile_context>
chip_gen: v7x
topology: tpu7x:2x2x1
jax: 0.10.2.dev20260603
libtpu: 0.0.44.dev20260713+nightly
codegen_flags: <defaults>
</compile_context>

<pallas_src>
import functools

import jax
import jax.numpy as jnp
from jax import lax
from jax.experimental import pallas as pl
from jax.experimental.pallas import tpu as pltpu
from jax.experimental.pallas import tpu_sc as plsc

N = 10000
E = 320000
E2 = E + N
D_IN = 128
HID = 64
HEADS = 4
PER_HEAD = 16
NUM_GRAPHS = 64
NEG_SLOPE = 0.2

NC = 2
NS = 16
C = 128
KCH = 82
E_PAD = NC * NS * KCH * C
NCHUNK = E_PAD // C
NROW = 10016
RPT = NROW // NS

F32 = jnp.float32



def _prep(xp, As, Ad):
    asT = jnp.dot(xp, As, preferred_element_type=F32, precision=lax.Precision.HIGHEST)
    adT = jnp.dot(xp, Ad, preferred_element_type=F32, precision=lax.Precision.HIGHEST)
    maxS = jnp.max(asT, axis=0, keepdims=True)
    pre = maxS + adT
    M = jnp.where(pre >= 0.0, pre, NEG_SLOPE * pre)
    return asT, jnp.concatenate([adT, M], axis=1)


def _embed_body(x_ref, We_ref, be_ref, W0_ref, As_ref, Ad_ref,
                src_ref, dst_ref):
    h = jnp.dot(x_ref[...], We_ref[...], preferred_element_type=F32, precision=lax.Precision.HIGHEST) + be_ref[...]
    xp = jnp.dot(h, W0_ref[...], preferred_element_type=F32, precision=lax.Precision.HIGHEST)
    asT, dstT = _prep(xp, As_ref[...], Ad_ref[...])
    src_ref[...] = jnp.concatenate([xp, asT], axis=1)
    dst_ref[pl.ds(0, N), :] = dstT
    dst_ref[pl.ds(N, NROW - N), :] = jnp.zeros((NROW - N, 32), F32)


def _mid_body(p0_ref, p1_ref, bprev_ref, R_ref, W_ref, As_ref, Ad_ref,
              src_ref, dst_ref):
    num = p0_ref[pl.ds(0, N), pl.ds(0, 64)] + p1_ref[pl.ds(0, N), pl.ds(0, 64)]
    dens = p0_ref[pl.ds(0, N), pl.ds(64, 16)] + p1_ref[pl.ds(0, N), pl.ds(64, 16)]
    den = jnp.dot(dens, R_ref[...], preferred_element_type=F32, precision=lax.Precision.HIGHEST)
    hcur = jnp.maximum(num / (den + 1e-16) + bprev_ref[...], 0.0)
    xp = jnp.dot(hcur, W_ref[...], preferred_element_type=F32, precision=lax.Precision.HIGHEST)
    asT, dstT = _prep(xp, As_ref[...], Ad_ref[...])
    src_ref[...] = jnp.concatenate([xp, asT], axis=1)
    dst_ref[pl.ds(0, N), :] = dstT
    dst_ref[pl.ds(N, NROW - N), :] = jnp.zeros((NROW - N, 32), F32)


def _final_body(p0_ref, p1_ref, b2_ref, batch_ref, Wh1_ref, bh1_ref,
                Wh2_ref, bh2_ref, out_ref):
    num = p0_ref[pl.ds(0, N), pl.ds(0, 64)] + p1_ref[pl.ds(0, N), pl.ds(0, 64)]
    dens = p0_ref[pl.ds(0, N), pl.ds(64, 16)] + p1_ref[pl.ds(0, N), pl.ds(64, 16)]
    R = (jnp.arange(64, dtype=jnp.int32)[None, :] // PER_HEAD ==
         jnp.arange(16, dtype=jnp.int32)[:, None]).astype(F32)
    den = jnp.dot(dens, R, preferred_element_type=F32, precision=lax.Precision.HIGHEST)
    h3 = jnp.maximum(num / (den + 1e-16) + b2_ref[...], 0.0)
    gid = lax.broadcasted_iota(jnp.int32, (N, NUM_GRAPHS), 1)
    oh = (batch_ref[...] == gid).astype(F32)
    sum_pool = lax.dot_general(oh, h3, (((0,), (0,)), ((), ())),
                               preferred_element_type=F32, precision=lax.Precision.HIGHEST)
    ones = jnp.ones((N, 1), F32)
    cnt = lax.dot_general(oh, ones, (((0,), (0,)), ((), ())),
                          preferred_element_type=F32, precision=lax.Precision.HIGHEST)
    mean_pool = sum_pool / jnp.maximum(cnt, 1.0)
    g = jnp.concatenate([sum_pool, mean_pool], axis=1)
    z = jnp.maximum(jnp.dot(g, Wh1_ref[...], preferred_element_type=F32, precision=lax.Precision.HIGHEST)
                    + bh1_ref[...], 0.0)
    out_ref[...] = jnp.dot(z, Wh2_ref[...], preferred_element_type=F32, precision=lax.Precision.HIGHEST) + bh2_ref[...]


_embed_call = pl.pallas_call(
    _embed_body,
    out_shape=(jax.ShapeDtypeStruct((N, 80), F32),
               jax.ShapeDtypeStruct((NROW, 32), F32)),
)

_mid_call = pl.pallas_call(
    _mid_body,
    out_shape=(jax.ShapeDtypeStruct((N, 80), F32),
               jax.ShapeDtypeStruct((NROW, 32), F32)),
)

_final_call = pl.pallas_call(
    _final_body,
    out_shape=jax.ShapeDtypeStruct((NUM_GRAPHS, 1), F32),
)



def _sc_edge_body(src_tab, dst_tab, ei, out,
                  idx0, idx1, ds0, ds1, sr0, sr1, dr0, dr1, ov0, ov1,
                  nd_acc, semg0, semg1, sems0, sems1):
    c = lax.axis_index("c")
    s = lax.axis_index("s")
    r0 = s * RPT
    idxs, dss = (idx0, idx1), (ds0, ds1)
    srs, drs, ovs = (sr0, sr1), (dr0, dr1), (ov0, ov1)
    semgs, semss = (semg0, semg1), (sems0, sems1)

    zero16 = jnp.zeros((16,), F32)

    def zero_body(e, carry):
        for j in range(HEADS + 1):
            ov0[e, j] = zero16
        return carry

    lax.fori_loop(0, C, zero_body, 0)
    for t in range(RPT // C):
        pltpu.sync_copy(ov0, nd_acc.at[pl.ds(r0 + t * C, C)])
    rem = RPT % C
    pltpu.sync_copy(ov0.at[pl.ds(0, rem)],
                    nd_acc.at[pl.ds(r0 + (RPT // C) * C, rem)])
    plsc.subcore_barrier()

    i16 = lax.iota(jnp.int32, 16)
    tailf = jnp.where(i16 < HEADS, 1.0, 0.0).astype(F32)
    cid0 = (c * (NS * KCH) + s) * (2 * C)

    def prefetch(kq, b):
        off = cid0 + kq * (NS * 2 * C)
        pltpu.sync_copy(ei.at[pl.ds(off, 2 * C)], idxs[b])
        pltpu.async_copy(src_tab.at[idxs[b].at[pl.ds(0, C)]], srs[b], semgs[b])
        pltpu.async_copy(dst_tab.at[idxs[b].at[pl.ds(C, C)]], drs[b], semgs[b])

    prefetch(0, 0)

    def group_body(g, carry):
        for b in (0, 1):
            kq = 2 * g + b

            @pl.when(g >= 1)
            def _():
                pltpu.make_async_copy(ovs[b], nd_acc.at[pl.ds(0, C)],
                                      semss[b]).wait()

            if b == 0:
                prefetch(kq + 1, 1)
            else:
                @pl.when(g < KCH // 2 - 1)
                def _():
                    prefetch(kq + 1, 0)

            pltpu.make_async_copy(src_tab.at[pl.ds(0, C)], srs[b],
                                  semgs[b]).wait()
            pltpu.make_async_copy(dst_tab.at[pl.ds(0, C)], drs[b],
                                  semgs[b]).wait()

            sr_v, dr_v, out_v = srs[b], drs[b], ovs[b]

            def edge_body(e, carry2):
                a = sr_v[e, HEADS] + dr_v[e, 0]
                a = jnp.where(a >= 0.0, a, NEG_SLOPE * a)
                ex = jnp.exp(a - dr_v[e, 1])
                out_v[e, HEADS] = ex * tailf
                for h in range(HEADS):
                    out_v[e, h] = sr_v[e, h] * ex[h]
                return carry2

            lax.fori_loop(0, C, edge_body, 0)

            off = cid0 + kq * (NS * 2 * C)
            pltpu.sync_copy(ei.at[pl.ds(off + C, C)], dss[b])
            pltpu.async_copy(ovs[b], nd_acc.at[dss[b]], semss[b], add=True)
        return carry

    lax.fori_loop(0, KCH // 2, group_body, 0)
    for b in (0, 1):
        pltpu.make_async_copy(ovs[b], nd_acc.at[pl.ds(0, C)], semss[b]).wait()
    plsc.subcore_barrier()
    pltpu.sync_copy(nd_acc.at[pl.ds(r0, RPT)],
                    out.at[pl.ds(c * NROW + r0, RPT)])


_sc_edge_call = pl.kernel(
    _sc_edge_body,
    out_type=jax.ShapeDtypeStruct((NC * NROW, HEADS + 1, 16), F32),
    mesh=plsc.VectorSubcoreMesh(core_axis_name="c", subcore_axis_name="s",
                                num_cores=NC, num_subcores=NS),
    compiler_params=pltpu.CompilerParams(use_tc_tiling_on_sc=False),
    scratch_types=[
        pltpu.VMEM((2 * C,), jnp.int32),
        pltpu.VMEM((2 * C,), jnp.int32),
        pltpu.VMEM((C,), jnp.int32),
        pltpu.VMEM((C,), jnp.int32),
        pltpu.VMEM((C, HEADS + 1, 16), F32),
        pltpu.VMEM((C, HEADS + 1, 16), F32),
        pltpu.VMEM((C, 2, 16), F32),
        pltpu.VMEM((C, 2, 16), F32),
        pltpu.VMEM((C, HEADS + 1, 16), F32),
        pltpu.VMEM((C, HEADS + 1, 16), F32),
        pltpu.VMEM_SHARED((NROW, HEADS + 1, 16), F32),
        pltpu.SemaphoreType.DMA,
        pltpu.SemaphoreType.DMA,
        pltpu.SemaphoreType.DMA,
        pltpu.SemaphoreType.DMA,
    ],
)



def _blockdiag(att):
    v = att.reshape(HID).astype(F32)
    rows = jnp.arange(HID, dtype=jnp.int32) // PER_HEAD
    cols = jnp.arange(16, dtype=jnp.int32)
    return jnp.where(rows[:, None] == cols[None, :], v[:, None], 0.0)


def kernel(x, edge_index, edge_attr, batch, W_embed, b_embed,
           W0, att_src0, att_dst0, b0,
           W1, att_src1, att_dst1, b1,
           W2, att_src2, att_dst2, b2,
           W_h1, b_h1, W_h2, b_h2):
    del edge_attr
    loop = jnp.arange(N, dtype=jnp.int32)
    pad = E_PAD - E2
    src = jnp.concatenate([edge_index[0].astype(jnp.int32), loop,
                           jnp.zeros((pad,), jnp.int32)])
    dst = jnp.concatenate([edge_index[1].astype(jnp.int32), loop,
                           jnp.full((pad,), N, jnp.int32)])
    ei = jnp.stack([src.reshape(NCHUNK, C), dst.reshape(NCHUNK, C)],
                   axis=1).reshape(-1)
    R16 = (jnp.arange(64, dtype=jnp.int32)[None, :] // PER_HEAD ==
           jnp.arange(16, dtype=jnp.int32)[:, None]).astype(F32)

    srcT, dstT = _embed_call(
        x, W_embed, b_embed.reshape(1, HID).astype(F32), W0,
        _blockdiag(att_src0), _blockdiag(att_dst0))
    part = _sc_edge_call(srcT.reshape(N, HEADS + 1, 16),
                         dstT.reshape(NROW, 2, 16), ei)

    for (bprev, W, a_s, a_d) in ((b0, W1, att_src1, att_dst1),
                                 (b1, W2, att_src2, att_dst2)):
        srcT, dstT = _mid_call(
            part.reshape(NC, NROW, 80)[0], part.reshape(NC, NROW, 80)[1],
            bprev.reshape(1, HID).astype(F32), R16, W,
            _blockdiag(a_s), _blockdiag(a_d))
        part = _sc_edge_call(srcT.reshape(N, HEADS + 1, 16),
                             dstT.reshape(NROW, 2, 16), ei)

    out = _final_call(part.reshape(NC, NROW, 80)[0], part.reshape(NC, NROW, 80)[1],
                      b2.reshape(1, HID).astype(F32),
                      batch.reshape(N, 1).astype(jnp.int32),
                      W_h1, b_h1.reshape(1, HID).astype(F32),
                      W_h2, b_h2.reshape(1, 1).astype(F32))
    return out

# --- scband reference (transcript-rebuilt; emitter-appended) ---
"""Pipeline reference for scband-gat-58643483460245 (READ-ONLY COPY).

The authoritative reference and input builder live on the scoring server;
editing this copy changes nothing except your own understanding.
"""

import jax, jax.numpy as jnp
import numpy as np

N = 10000
E = 320000
D_IN = 128
HID = 64
HEADS = 4
PER_HEAD = 16
NUM_GRAPHS = 64
NEG_SLOPE = 0.2


def setup_inputs(seed: int = 0) -> dict:
    key = jax.random.key(seed)
    ks = jax.random.split(key, 32)
    inp = {}
    inp["x"] = jax.random.normal(ks[0], (N, D_IN), dtype=jnp.float32)
    inp["edge_index"] = jax.random.randint(ks[1], (2, E), 0, N)
    inp["edge_attr"] = jax.random.normal(ks[2], (E, 16), dtype=jnp.float32)
    inp["batch"] = jnp.sort(jax.random.randint(ks[3], (N,), 0, NUM_GRAPHS))

    def dense(k, fi, fo):
        return jax.random.normal(k, (fi, fo), dtype=jnp.float32) * (1.0 / np.sqrt(fi))

    inp["W_embed"] = dense(ks[4], D_IN, HID)
    inp["b_embed"] = jnp.zeros((HID,), dtype=jnp.float32)
    for l in range(3):
        inp[f"W{l}"] = dense(ks[5 + 3 * l], HID, HEADS * PER_HEAD)
        inp[f"att_src{l}"] = jax.random.normal(ks[6 + 3 * l], (HEADS, PER_HEAD), dtype=jnp.float32) * 0.1
        inp[f"att_dst{l}"] = jax.random.normal(ks[7 + 3 * l], (HEADS, PER_HEAD), dtype=jnp.float32) * 0.1
        inp[f"b{l}"] = jnp.zeros((HEADS * PER_HEAD,), dtype=jnp.float32)
    inp["W_h1"] = dense(ks[20], 2 * HID, HID)
    inp["b_h1"] = jnp.zeros((HID,), dtype=jnp.float32)
    inp["W_h2"] = dense(ks[21], HID, 1)
    inp["b_h2"] = jnp.zeros((1,), dtype=jnp.float32)
    return inp


def _gat_conv(h, src, dst, W, a_s, a_d, b):
    # PyG-style GATConv: linear proj per head, additive attention, segment softmax over dst
    xp = (h @ W).reshape(N, HEADS, PER_HEAD)
    alpha_src = jnp.sum(xp * a_s[None, :, :], axis=-1)  # [N, H]
    alpha_dst = jnp.sum(xp * a_d[None, :, :], axis=-1)  # [N, H]
    alpha = alpha_src[src] + alpha_dst[dst]  # [E2, H]
    alpha = jax.nn.leaky_relu(alpha, NEG_SLOPE)
    amax = jax.ops.segment_max(alpha, dst, num_segments=N)
    amax = jnp.where(jnp.isfinite(amax), amax, 0.0)
    ex = jnp.exp(alpha - amax[dst])
    denom = jax.ops.segment_sum(ex, dst, num_segments=N)
    coef = ex / (denom[dst] + 1e-16)  # softmax weights per dst
    msg = xp[src] * coef[:, :, None]
    out = jax.ops.segment_sum(msg, dst, num_segments=N)
    return out.reshape(N, HEADS * PER_HEAD) + b


def reference(x, edge_index, edge_attr, batch, W_embed, b_embed,
              W0, att_src0, att_dst0, b0,
              W1, att_src1, att_dst1, b1,
              W2, att_src2, att_dst2, b2,
              W_h1, b_h1, W_h2, b_h2):
    # edge_attr is accepted but unused, matching the torch forward signature
    loop = jnp.arange(N)
    src = jnp.concatenate([edge_index[0], loop])  # add self loops (PyG default)
    dst = jnp.concatenate([edge_index[1], loop])
    h = x @ W_embed + b_embed
    for (W, a_s, a_d, b) in ((W0, att_src0, att_dst0, b0),
                             (W1, att_src1, att_dst1, b1),
                             (W2, att_src2, att_dst2, b2)):
        h = jax.nn.relu(_gat_conv(h, src, dst, W, a_s, a_d, b))
    sum_pool = jax.ops.segment_sum(h, batch, num_segments=NUM_GRAPHS)
    cnt = jax.ops.segment_sum(jnp.ones((N,), dtype=jnp.float32), batch, num_segments=NUM_GRAPHS)
    mean_pool = sum_pool / jnp.maximum(cnt, 1.0)[:, None]
    g = jnp.concatenate([sum_pool, mean_pool], axis=-1)  # sum_mean pooling
    out = jax.nn.relu(g @ W_h1 + b_h1) @ W_h2 + b_h2
    return out

if __name__ == "__main__":
    import jax
    _d = setup_inputs()
    print(jax.jit(kernel)(*tuple(_d.values())))

</pallas_src>

<mosaic_0001>
#map = affine_map<(d0, d1) -> (0, 0, 0)>
#map1 = affine_map<(d0, d1) -> (0)>
module attributes {stable_mosaic.version = 14 : i64} {
  func.func @_sc_edge_body(%arg0: i32, %arg1: i32, %arg2: memref<10000x5x16xf32, #tpu.memory_space<hbm>>, %arg3: memref<10016x2x16xf32, #tpu.memory_space<hbm>>, %arg4: memref<671744xi32, #tpu.memory_space<hbm>>, %arg5: memref<20032x5x16xf32, #tpu.memory_space<hbm>>, %arg6: memref<256xi32, #tpu.memory_space<vmem>>, %arg7: memref<256xi32, #tpu.memory_space<vmem>>, %arg8: memref<128xi32, #tpu.memory_space<vmem>>, %arg9: memref<128xi32, #tpu.memory_space<vmem>>, %arg10: memref<128x5x16xf32, #tpu.memory_space<vmem>>, %arg11: memref<128x5x16xf32, #tpu.memory_space<vmem>>, %arg12: memref<128x2x16xf32, #tpu.memory_space<vmem>>, %arg13: memref<128x2x16xf32, #tpu.memory_space<vmem>>, %arg14: memref<128x5x16xf32, #tpu.memory_space<vmem>>, %arg15: memref<128x5x16xf32, #tpu.memory_space<vmem>>, %arg16: memref<10016x5x16xf32, #tpu.memory_space<vmem_shared>>, %arg17: memref<!tpu.dma_semaphore, #tpu.memory_space<semaphore_mem>>, %arg18: memref<!tpu.dma_semaphore, #tpu.memory_space<semaphore_mem>>, %arg19: memref<!tpu.dma_semaphore, #tpu.memory_space<semaphore_mem>>, %arg20: memref<!tpu.dma_semaphore, #tpu.memory_space<semaphore_mem>>) attributes {dimension_semantics = [#tpu.dimension_semantics<core_parallel>, #tpu.dimension_semantics<subcore_parallel>], iteration_bounds = array<i64: 2, 16>, scalar_prefetch = 0 : i64, scratch_operands = 15 : i64, tpu.core_type = #tpu.core_type<sc_vector_subcore>, window_params = [{transform_indices = #map}, {transform_indices = #map}, {transform_indices = #map1}, {transform_indices = #map}]} {
    %mul3A = arith.constant 626 : i32
    %mul3A_0 = arith.muli %arg1, %mul3A : i32
    %broadcast_in_dim3A = arith.constant 0.000000e+00 : f32
    %broadcast_in_dim3A_1 = vector.broadcast %broadcast_in_dim3A : f32 to vector<16xf32>
    %scan3A = arith.constant 0 : i32
    %scan3A_2 = arith.constant 0 : i32
    %scan3A_3 = arith.constant 128 : i32
    %scan3A_4 = arith.addi %scan3A_2, %scan3A_3 : i32
    %scan3A_5 = arith.constant 1 : i32
    scf.for %scan3A_64 = %scan3A_2 to %scan3A_4 step %scan3A_5  : i32 {
      %swap3A = arith.constant 0 : i32
      %swap3A_65 = arith.index_cast %scan3A_64 : i32 to index
      %swap3A_66 = arith.index_cast %swap3A : i32 to index
      %swap3A_67 = arith.constant 0 : index
      %swap3A_68 = tpu.vector_load %arg14[%swap3A_65, %swap3A_66, %swap3A_67] {strides = array<i32>} : memref<128x5x16xf32, #tpu.memory_space<vmem>>, vector<1x1x16xf32>,
      %swap3A_69 = vector.shape_cast %swap3A_68 : vector<1x1x16xf32> to vector<16xf32>
      %swap3A_70 = vector.shape_cast %broadcast_in_dim3A_1 : vector<16xf32> to vector<1x1x16xf32>
      tpu.vector_store %arg14[%swap3A_65, %swap3A_66, %swap3A_67], %swap3A_70 {strides = array<i32>} : memref<128x5x16xf32, #tpu.memory_space<vmem>>, vector<1x1x16xf32>,
      %swap3A_71 = arith.constant 1 : i32
      %swap3A_72 = arith.index_cast %scan3A_64 : i32 to index
      %swap3A_73 = arith.index_cast %swap3A_71 : i32 to index
      %swap3A_74 = arith.constant 0 : index
      %swap3A_75 = tpu.vector_load %arg14[%swap3A_72, %swap3A_73, %swap3A_74] {strides = array<i32>} : memref<128x5x16xf32, #tpu.memory_space<vmem>>, vector<1x1x16xf32>,
      %swap3A_76 = vector.shape_cast %swap3A_75 : vector<1x1x16xf32> to vector<16xf32>
      %swap3A_77 = vector.shape_cast %broadcast_in_dim3A_1 : vector<16xf32> to vector<1x1x16xf32>
      tpu.vector_store %arg14[%swap3A_72, %swap3A_73, %swap3A_74], %swap3A_77 {strides = array<i32>} : memref<128x5x16xf32, #tpu.memory_space<vmem>>, vector<1x1x16xf32>,
      %swap3A_78 = arith.constant 2 : i32
      %swap3A_79 = arith.index_cast %scan3A_64 : i32 to index
      %swap3A_80 = arith.index_cast %swap3A_78 : i32 to index
      %swap3A_81 = arith.constant 0 : index
      %swap3A_82 = tpu.vector_load %arg14[%swap3A_79, %swap3A_80, %swap3A_81] {strides = array<i32>} : memref<128x5x16xf32, #tpu.memory_space<vmem>>, vector<1x1x16xf32>,
      %swap3A_83 = vector.shape_cast %swap3A_82 : vector<1x1x16xf32> to vector<16xf32>
      %swap3A_84 = vector.shape_cast %broadcast_in_dim3A_1 : vector<16xf32> to vector<1x1x16xf32>
      tpu.vector_store %arg14[%swap3A_79, %swap3A_80, %swap3A_81], %swap3A_84 {strides = array<i32>} : memref<128x5x16xf32, #tpu.memory_space<vmem>>, vector<1x1x16xf32>,
      %swap3A_85 = arith.constant 3 : i32
      %swap3A_86 = arith.index_cast %scan3A_64 : i32 to index
      %swap3A_87 = arith.index_cast %swap3A_85 : i32 to index
      %swap3A_88 = arith.constant 0 : index
      %swap3A_89 = tpu.vector_load %arg14[%swap3A_86, %swap3A_87, %swap3A_88] {strides = array<i32>} : memref<128x5x16xf32, #tpu.memory_space<vmem>>, vector<1x1x16xf32>,
      %swap3A_90 = vector.shape_cast %swap3A_89 : vector<1x1x16xf32> to vector<16xf32>
      %swap3A_91 = vector.shape_cast %broadcast_in_dim3A_1 : vector<16xf32> to vector<1x1x16xf32>
      tpu.vector_store %arg14[%swap3A_86, %swap3A_87, %swap3A_88], %swap3A_91 {strides = array<i32>} : memref<128x5x16xf32, #tpu.memory_space<vmem>>, vector<1x1x16xf32>,
      %swap3A_92 = arith.constant 4 : i32
      %swap3A_93 = arith.index_cast %scan3A_64 : i32 to index
      %swap3A_94 = arith.index_cast %swap3A_92 : i32 to index
      %swap3A_95 = arith.constant 0 : index
      %swap3A_96 = tpu.vector_load %arg14[%swap3A_93, %swap3A_94, %swap3A_95] {strides = array<i32>} : memref<128x5x16xf32, #tpu.memory_space<vmem>>, vector<1x1x16xf32>,
      %swap3A_97 = vector.shape_cast %swap3A_96 : vector<1x1x16xf32> to vector<16xf32>
      %swap3A_98 = vector.shape_cast %broadcast_in_dim3A_1 : vector<16xf32> to vector<1x1x16xf32>
      tpu.vector_store %arg14[%swap3A_93, %swap3A_94, %swap3A_95], %swap3A_98 {strides = array<i32>} : memref<128x5x16xf32, #tpu.memory_space<vmem>>, vector<1x1x16xf32>,
    }
    %scan3A_6 = arith.constant 128 : i32
    %add3A = arith.constant 0 : i32
    %add3A_7 = arith.addi %mul3A_0, %add3A : i32
    "tpu.region"() ({
      %run_scoped3A = tpu.sem_alloc : memref<!tpu.dma_semaphore, #tpu.memory_space<semaphore_mem>>
      %dma_start3A_64 = arith.constant 0 : i32
      %dma_start3A_65 = arith.constant 0 : i32
      %dma_start3A_66 = tpu.memref_slice %arg16[%add3A_7, %dma_start3A_64, %dma_start3A_65] : memref<10016x5x16xf32, #tpu.memory_space<vmem_shared>> -> memref<128x5x16xf32, #tpu.memory_space<vmem_shared>>
      %dma_start3A_67 = arith.constant 0 : i32
      %dma_start3A_68 = arith.constant 0 : i32
      %dma_start3A_69 = tpu.memref_slice %arg16[%add3A_7, %dma_start3A_67, %dma_start3A_68] : memref<10016x5x16xf32, #tpu.memory_space<vmem_shared>> -> memref<128x5x16xf32, #tpu.memory_space<vmem_shared>>
      tpu.enqueue_dma source(%arg14 : memref<128x5x16xf32, #tpu.memory_space<vmem>>) target(%dma_start3A_69 : memref<128x5x16xf32, #tpu.memory_space<vmem_shared>>) target_semaphore(%run_scoped3A : memref<!tpu.dma_semaphore, #tpu.memory_space<semaphore_mem>>)
      %dma_wait3A_70 = arith.constant 0 : i32
      %dma_wait3A_71 = arith.constant 0 : i32
      %dma_wait3A_72 = tpu.memref_slice %arg16[%add3A_7, %dma_wait3A_70, %dma_wait3A_71] : memref<10016x5x16xf32, #tpu.memory_space<vmem_shared>> -> memref<128x5x16xf32, #tpu.memory_space<vmem_shared>>
      %dma_wait3A_73 = arith.constant 0 : i32
      %dma_wait3A_74 = arith.constant 0 : i32
      %dma_wait3A_75 = tpu.memref_slice %arg16[%add3A_7, %dma_wait3A_73, %dma_wait3A_74] : memref<10016x5x16xf32, #tpu.memory_space<vmem_shared>> -> memref<128x5x16xf32, #tpu.memory_space<vmem_shared>>
      tpu.wait_dma2 semaphore(%run_scoped3A : memref<!tpu.dma_semaphore, #tpu.memory_space<semaphore_mem>>) src(%arg14 : memref<128x5x16xf32, #tpu.memory_space<vmem>>) dst(%dma_wait3A_75 : memref<128x5x16xf32, #tpu.memory_space<vmem_shared>>)
      tpu.yield
    }) : () -> ()
    %add3A_8 = arith.constant 128 : i32
    %add3A_9 = arith.addi %mul3A_0, %add3A_8 : i32
    "tpu.region"() ({
      %run_scoped3A = tpu.sem_alloc : memref<!tpu.dma_semaphore, #tpu.memory_space<semaphore_mem>>
      %dma_start3A_64 = arith.constant 0 : i32
      %dma_start3A_65 = arith.constant 0 : i32
      %dma_start3A_66 = tpu.memref_slice %arg16[%add3A_9, %dma_start3A_64, %dma_start3A_65] : memref<10016x5x16xf32, #tpu.memory_space<vmem_shared>> -> memref<128x5x16xf32, #tpu.memory_space<vmem_shared>>
      %dma_start3A_67 = arith.constant 0 : i32
      %dma_start3A_68 = arith.constant 0 : i32
      %dma_start3A_69 = tpu.memref_slice %arg16[%add3A_9, %dma_start3A_67, %dma_start3A_68] : memref<10016x5x16xf32, #tpu.memory_space<vmem_shared>> -> memref<128x5x16xf32, #tpu.memory_space<vmem_shared>>
      tpu.enqueue_dma source(%arg14 : memref<128x5x16xf32, #tpu.memory_space<vmem>>) target(%dma_start3A_69 : memref<128x5x16xf32, #tpu.memory_space<vmem_shared>>) target_semaphore(%run_scoped3A : memref<!tpu.dma_semaphore, #tpu.memory_space<semaphore_mem>>)
      %dma_wait3A_70 = arith.constant 0 : i32
      %dma_wait3A_71 = arith.constant 0 : i32
      %dma_wait3A_72 = tpu.memref_slice %arg16[%add3A_9, %dma_wait3A_70, %dma_wait3A_71] : memref<10016x5x16xf32, #tpu.memory_space<vmem_shared>> -> memref<128x5x16xf32, #tpu.memory_space<vmem_shared>>
      %dma_wait3A_73 = arith.constant 0 : i32
      %dma_wait3A_74 = arith.constant 0 : i32
      %dma_wait3A_75 = tpu.memref_slice %arg16[%add3A_9, %dma_wait3A_73, %dma_wait3A_74] : memref<10016x5x16xf32, #tpu.memory_space<vmem_shared>> -> memref<128x5x16xf32, #tpu.memory_space<vmem_shared>>
      tpu.wait_dma2 semaphore(%run_scoped3A : memref<!tpu.dma_semaphore, #tpu.memory_space<semaphore_mem>>) src(%arg14 : memref<128x5x16xf32, #tpu.memory_space<vmem>>) dst(%dma_wait3A_75 : memref<128x5x16xf32, #tpu.memory_space<vmem_shared>>)
      tpu.yield
    }) : () -> ()
    %add3A_10 = arith.constant 256 : i32
    %add3A_11 = arith.addi %mul3A_0, %add3A_10 : i32
    "tpu.region"() ({
      %run_scoped3A = tpu.sem_alloc : memref<!tpu.dma_semaphore, #tpu.memory_space<semaphore_mem>>
      %dma_start3A_64 = arith.constant 0 : i32
      %dma_start3A_65 = arith.constant 0 : i32
      %dma_start3A_66 = tpu.memref_slice %arg16[%add3A_11, %dma_start3A_64, %dma_start3A_65] : memref<10016x5x16xf32, #tpu.memory_space<vmem_shared>> -> memref<128x5x16xf32, #tpu.memory_space<vmem_shared>>
      %dma_start3A_67 = arith.constant 0 : i32
      %dma_start3A_68 = arith.constant 0 : i32
      %dma_start3A_69 = tpu.memref_slice %arg16[%add3A_11, %dma_start3A_67, %dma_start3A_68] : memref<10016x5x16xf32, #tpu.memory_space<vmem_shared>> -> memref<128x5x16xf32, #tpu.memory_space<vmem_shared>>
      tpu.enqueue_dma source(%arg14 : memref<128x5x16xf32, #tpu.memory_space<vmem>>) target(%dma_start3A_69 : memref<128x5x16xf32, #tpu.memory_space<vmem_shared>>) target_semaphore(%run_scoped3A : memref<!tpu.dma_semaphore, #tpu.memory_space<semaphore_mem>>)
      %dma_wait3A_70 = arith.constant 0 : i32
      %dma_wait3A_71 = arith.constant 0 : i32
      %dma_wait3A_72 = tpu.memref_slice %arg16[%add3A_11, %dma_wait3A_70, %dma_wait3A_71] : memref<10016x5x16xf32, #tpu.memory_space<vmem_shared>> -> memref<128x5x16xf32, #tpu.memory_space<vmem_shared>>
      %dma_wait3A_73 = arith.constant 0 : i32
      %dma_wait3A_74 = arith.constant 0 : i32
      %dma_wait3A_75 = tpu.memref_slice %arg16[%add3A_11, %dma_wait3A_73, %dma_wait3A_74] : memref<10016x5x16xf32, #tpu.memory_space<vmem_shared>> -> memref<128x5x16xf32, #tpu.memory_space<vmem_shared>>
      tpu.wait_dma2 semaphore(%run_scoped3A : memref<!tpu.dma_semaphore, #tpu.memory_space<semaphore_mem>>) src(%arg14 : memref<128x5x16xf32, #tpu.memory_space<vmem>>) dst(%dma_wait3A_75 : memref<128x5x16xf32, #tpu.memory_space<vmem_shared>>)
      tpu.yield
    }) : () -> ()
    %add3A_12 = arith.constant 384 : i32
    %add3A_13 = arith.addi %mul3A_0, %add3A_12 : i32
    "tpu.region"() ({
      %run_scoped3A = tpu.sem_alloc : memref<!tpu.dma_semaphore, #tpu.memory_space<semaphore_mem>>
      %dma_start3A_64 = arith.constant 0 : i32
      %dma_start3A_65 = arith.constant 0 : i32
      %dma_start3A_66 = tpu.memref_slice %arg16[%add3A_13, %dma_start3A_64, %dma_start3A_65] : memref<10016x5x16xf32, #tpu.memory_space<vmem_shared>> -> memref<128x5x16xf32, #tpu.memory_space<vmem_shared>>
      %dma_start3A_67 = arith.constant 0 : i32
      %dma_start3A_68 = arith.constant 0 : i32
      %dma_start3A_69 = tpu.memref_slice %arg16[%add3A_13, %dma_start3A_67, %dma_start3A_68] : memref<10016x5x16xf32, #tpu.memory_space<vmem_shared>> -> memref<128x5x16xf32, #tpu.memory_space<vmem_shared>>
      tpu.enqueue_dma source(%arg14 : memref<128x5x16xf32, #tpu.memory_space<vmem>>) target(%dma_start3A_69 : memref<128x5x16xf32, #tpu.memory_space<vmem_shared>>) target_semaphore(%run_scoped3A : memref<!tpu.dma_semaphore, #tpu.memory_space<semaphore_mem>>)
      %dma_wait3A_70 = arith.constant 0 : i32
      %dma_wait3A_71 = arith.constant 0 : i32
      %dma_wait3A_72 = tpu.memref_slice %arg16[%add3A_13, %dma_wait3A_70, %dma_wait3A_71] : memref<10016x5x16xf32, #tpu.memory_space<vmem_shared>> -> memref<128x5x16xf32, #tpu.memory_space<vmem_shared>>
      %dma_wait3A_73 = arith.constant 0 : i32
      %dma_wait3A_74 = arith.constant 0 : i32
      %dma_wait3A_75 = tpu.memref_slice %arg16[%add3A_13, %dma_wait3A_73, %dma_wait3A_74] : memref<10016x5x16xf32, #tpu.memory_space<vmem_shared>> -> memref<128x5x16xf32, #tpu.memory_space<vmem_shared>>
      tpu.wait_dma2 semaphore(%run_scoped3A : memref<!tpu.dma_semaphore, #tpu.memory_space<semaphore_mem>>) src(%arg14 : memref<128x5x16xf32, #tpu.memory_space<vmem>>) dst(%dma_wait3A_75 : memref<128x5x16xf32, #tpu.memory_space<vmem_shared>>)
      tpu.yield
    }) : () -> ()
    %add3A_14 = arith.constant 512 : i32
    %add3A_15 = arith.addi %mul3A_0, %add3A_14 : i32
    "tpu.region"() ({
      %run_scoped3A = tpu.sem_alloc : memref<!tpu.dma_semaphore, #tpu.memory_space<semaphore_mem>>
      %dma_start3A_64 = arith.constant 0 : i32
      %dma_start3A_65 = arith.constant 0 : i32
      %dma_start3A_66 = arith.constant 0 : i32
      %dma_start3A_67 = tpu.memref_slice %arg14[%dma_start3A_64, %dma_start3A_65, %dma_start3A_66] : memref<128x5x16xf32, #tpu.memory_space<vmem>> -> memref<114x5x16xf32, #tpu.memory_space<vmem>>
      %dma_start3A_68 = arith.constant 0 : i32
      %dma_start3A_69 = arith.constant 0 : i32
      %dma_start3A_70 = tpu.memref_slice %arg16[%add3A_15, %dma_start3A_68, %dma_start3A_69] : memref<10016x5x16xf32, #tpu.memory_space<vmem_shared>> -> memref<114x5x16xf32, #tpu.memory_space<vmem_shared>>
      %dma_start3A_71 = arith.constant 0 : i32
      %dma_start3A_72 = arith.constant 0 : i32
      %dma_start3A_73 = tpu.memref_slice %arg16[%add3A_15, %dma_start3A_71, %dma_start3A_72] : memref<10016x5x16xf32, #tpu.memory_space<vmem_shared>> -> memref<114x5x16xf32, #tpu.memory_space<vmem_shared>>
      %dma_start3A_74 = arith.constant 0 : i32
      %dma_start3A_75 = arith.constant 0 : i32
      %dma_start3A_76 = arith.constant 0 : i32
      %dma_start3A_77 = tpu.memref_slice %arg14[%dma_start3A_74, %dma_start3A_75, %dma_start3A_76] : memref<128x5x16xf32, #tpu.memory_space<vmem>> -> memref<114x5x16xf32, #tpu.memory_space<vmem>>
      tpu.enqueue_dma source(%dma_start3A_77 : memref<114x5x16xf32, #tpu.memory_space<vmem>>) target(%dma_start3A_73 : memref<114x5x16xf32, #tpu.memory_space<vmem_shared>>) target_semaphore(%run_scoped3A : memref<!tpu.dma_semaphore, #tpu.memory_space<semaphore_mem>>)
      %dma_wait3A_78 = arith.constant 0 : i32
      %dma_wait3A_79 = arith.constant 0 : i32
      %dma_wait3A_80 = arith.constant 0 : i32
      %dma_wait3A_81 = tpu.memref_slice %arg14[%dma_wait3A_78, %dma_wait3A_79, %dma_wait3A_80] : memref<128x5x16xf32, #tpu.memory_space<vmem>> -> memref<114x5x16xf32, #tpu.memory_space<vmem>>
      %dma_wait3A_82 = arith.constant 0 : i32
      %dma_wait3A_83 = arith.constant 0 : i32
      %dma_wait3A_84 = tpu.memref_slice %arg16[%add3A_15, %dma_wait3A_82, %dma_wait3A_83] : memref<10016x5x16xf32, #tpu.memory_space<vmem_shared>> -> memref<114x5x16xf32, #tpu.memory_space<vmem_shared>>
      %dma_wait3A_85 = arith.constant 0 : i32
      %dma_wait3A_86 = arith.constant 0 : i32
      %dma_wait3A_87 = tpu.memref_slice %arg16[%add3A_15, %dma_wait3A_85, %dma_wait3A_86] : memref<10016x5x16xf32, #tpu.memory_space<vmem_shared>> -> memref<114x5x16xf32, #tpu.memory_space<vmem_shared>>
      %dma_wait3A_88 = arith.constant 0 : i32
      %dma_wait3A_89 = arith.constant 0 : i32
      %dma_wait3A_90 = arith.constant 0 : i32
      %dma_wait3A_91 = tpu.memref_slice %arg14[%dma_wait3A_88, %dma_wait3A_89, %dma_wait3A_90] : memref<128x5x16xf32, #tpu.memory_space<vmem>> -> memref<114x5x16xf32, #tpu.memory_space<vmem>>
      tpu.wait_dma2 semaphore(%run_scoped3A : memref<!tpu.dma_semaphore, #tpu.memory_space<semaphore_mem>>) src(%dma_wait3A_91 : memref<114x5x16xf32, #tpu.memory_space<vmem>>) dst(%dma_wait3A_87 : memref<114x5x16xf32, #tpu.memory_space<vmem_shared>>)
      tpu.yield
    }) : () -> ()
    %barrier3A = arith.constant 0 : index
    tpu.barrier barrier_id(%barrier3A)
    %iota3A = tpu.iota {dimensions = array<i32: 0>} : vector<16xi32>
    %lt3A = arith.constant 4 : i32
    %lt3A_16 = vector.broadcast %lt3A : i32 to vector<16xi32>
    %lt3A_17 = arith.cmpi slt, %iota3A, %lt3A_16 : vector<16xi32>
    %jit3A = arith.constant 1.000000e+00 : f32
    %jit3A_18 = arith.constant 0.000000e+00 : f32
    %broadcast_in_dim3A_19 = vector.broadcast %jit3A : f32 to vector<16xf32>
    %broadcast_in_dim3A_20 = vector.broadcast %jit3A_18 : f32 to vector<16xf32>
    %select_n3A = arith.select %lt3A_17, %broadcast_in_dim3A_19, %broadcast_in_dim3A_20 : vector<16xi1>, vector<16xf32>
    %mul3A_21 = arith.constant 1312 : i32
    %mul3A_22 = arith.muli %arg0, %mul3A_21 : i32
    %add3A_23 = arith.addi %mul3A_22, %arg1 : i32
    %mul3A_24 = arith.constant 256 : i32
    %mul3A_25 = arith.muli %add3A_23, %mul3A_24 : i32
    %add3A_26 = arith.constant 0 : i32
    %add3A_27 = arith.addi %mul3A_25, %add3A_26 : i32
    "tpu.region"() ({
      %run_scoped3A = tpu.sem_alloc : memref<!tpu.dma_semaphore, #tpu.memory_space<semaphore_mem>>
      %dma_start3A_64 = tpu.memref_slice %arg4[%add3A_27] : memref<671744xi32, #tpu.memory_space<hbm>> -> memref<256xi32, #tpu.memory_space<hbm>>
      %dma_start3A_65 = tpu.memref_slice %arg4[%add3A_27] : memref<671744xi32, #tpu.memory_space<hbm>> -> memref<256xi32, #tpu.memory_space<hbm>>
      tpu.enqueue_dma source(%dma_start3A_65 : memref<256xi32, #tpu.memory_space<hbm>>) target(%arg6 : memref<256xi32, #tpu.memory_space<vmem>>) target_semaphore(%run_scoped3A : memref<!tpu.dma_semaphore, #tpu.memory_space<semaphore_mem>>)
      %dma_wait3A_66 = tpu.memref_slice %arg4[%add3A_27] : memref<671744xi32, #tpu.memory_space<hbm>> -> memref<256xi32, #tpu.memory_space<hbm>>
      %dma_wait3A_67 = tpu.memref_slice %arg4[%add3A_27] : memref<671744xi32, #tpu.memory_space<hbm>> -> memref<256xi32, #tpu.memory_space<hbm>>
      tpu.wait_dma2 semaphore(%run_scoped3A : memref<!tpu.dma_semaphore, #tpu.memory_space<semaphore_mem>>) src(%dma_wait3A_67 : memref<256xi32, #tpu.memory_space<hbm>>) dst(%arg6 : memref<256xi32, #tpu.memory_space<vmem>>)
      tpu.yield
    }) : () -> ()
    %dma_start3A = arith.constant 0 : i32
    %dma_start3A_28 = tpu.memref_slice %arg6[%dma_start3A] : memref<256xi32, #tpu.memory_space<vmem>> -> memref<128xi32, #tpu.memory_space<vmem>>
    %dma_start3A_29 = arith.constant 0 : i32
    %dma_start3A_30 = arith.constant 0 : i32
    %dma_start3A_31 = arith.constant 0 : i32
    %dma_start3A_32 = tpu.memref_slice %arg2[%dma_start3A_29, %dma_start3A_30, %dma_start3A_31] : memref<10000x5x16xf32, #tpu.memory_space<hbm>> -> memref<10000x5x16xf32, #tpu.memory_space<hbm>>
    tpu.enqueue_indirect_dma source(%dma_start3A_32 : memref<10000x5x16xf32, #tpu.memory_space<hbm>>) target(%arg10 : memref<128x5x16xf32, #tpu.memory_space<vmem>>) offsets(%dma_start3A_28 : memref<128xi32, #tpu.memory_space<vmem>>) semaphore(%arg17 : memref<!tpu.dma_semaphore, #tpu.memory_space<semaphore_mem>>)
    %dma_start3A_33 = arith.constant 128 : i32
    %dma_start3A_34 = tpu.memref_slice %arg6[%dma_start3A_33] : memref<256xi32, #tpu.memory_space<vmem>> -> memref<128xi32, #tpu.memory_space<vmem>>
    %dma_start3A_35 = arith.constant 0 : i32
    %dma_start3A_36 = arith.constant 0 : i32
    %dma_start3A_37 = arith.constant 0 : i32
    %dma_start3A_38 = tpu.memref_slice %arg3[%dma_start3A_35, %dma_start3A_36, %dma_start3A_37] : memref<10016x2x16xf32, #tpu.memory_space<hbm>> -> memref<10016x2x16xf32, #tpu.memory_space<hbm>>
    tpu.enqueue_indirect_dma source(%dma_start3A_38 : memref<10016x2x16xf32, #tpu.memory_space<hbm>>) target(%arg12 : memref<128x2x16xf32, #tpu.memory_space<vmem>>) offsets(%dma_start3A_34 : memref<128xi32, #tpu.memory_space<vmem>>) semaphore(%arg17 : memref<!tpu.dma_semaphore, #tpu.memory_space<semaphore_mem>>)
    %scan3A_39 = arith.constant 0 : i32
    %scan3A_40 = arith.constant 0 : i32
    %scan3A_41 = arith.constant 41 : i32
    %scan3A_42 = arith.addi %scan3A_40, %scan3A_41 : i32
    %scan3A_43 = arith.constant 1 : i32
    scf.for %scan3A_64 = %scan3A_40 to %scan3A_42 step %scan3A_43  : i32 {
      %mul3A_65 = arith.constant 2 : i32
      %mul3A_66 = arith.muli %mul3A_65, %scan3A_64 : i32
      %add3A_67 = arith.constant 0 : i32
      %add3A_68 = arith.addi %mul3A_66, %add3A_67 : i32
      %ge3A = arith.constant 1 : i32
      %ge3A_69 = arith.cmpi sge, %scan3A_64, %ge3A : i32
      %convert_element_type3A = arith.extui %ge3A_69 : i1 to i32
      %cond3A = arith.constant 0 : i32
      %cond3A_70 = arith.cmpi ne, %convert_element_type3A, %cond3A : i32
      scf.if %cond3A_70 {
        %dma_wait3A_164 = arith.constant 0 : i32
        %dma_wait3A_165 = arith.constant 0 : i32
        %dma_wait3A_166 = arith.constant 0 : i32
        %dma_wait3A_167 = tpu.memref_slice %arg16[%dma_wait3A_164, %dma_wait3A_165, %dma_wait3A_166] : memref<10016x5x16xf32, #tpu.memory_space<vmem_shared>> -> memref<128x5x16xf32, #tpu.memory_space<vmem_shared>>
        %dma_wait3A_168 = arith.constant 0 : i32
        %dma_wait3A_169 = arith.constant 0 : i32
        %dma_wait3A_170 = arith.constant 0 : i32
        %dma_wait3A_171 = tpu.memref_slice %arg16[%dma_wait3A_168, %dma_wait3A_169, %dma_wait3A_170] : memref<10016x5x16xf32, #tpu.memory_space<vmem_shared>> -> memref<128x5x16xf32, #tpu.memory_space<vmem_shared>>
        tpu.wait_dma2 semaphore(%arg19 : memref<!tpu.dma_semaphore, #tpu.memory_space<semaphore_mem>>) src(%arg14 : memref<128x5x16xf32, #tpu.memory_space<vmem>>) dst(%dma_wait3A_171 : memref<128x5x16xf32, #tpu.memory_space<vmem_shared>>)
      } else {
      }
      %add3A_71 = arith.constant 1 : i32
      %add3A_72 = arith.addi %add3A_68, %add3A_71 : i32
      %mul3A_73 = arith.constant 4096 : i32
      %mul3A_74 = arith.muli %add3A_72, %mul3A_73 : i32
      %add3A_75 = arith.addi %mul3A_25, %mul3A_74 : i32
      "tpu.region"() ({
        %run_scoped3A = tpu.sem_alloc : memref<!tpu.dma_semaphore, #tpu.memory_space<semaphore_mem>>
        %dma_start3A_164 = tpu.memref_slice %arg4[%add3A_75] : memref<671744xi32, #tpu.memory_space<hbm>> -> memref<256xi32, #tpu.memory_space<hbm>>
        %dma_start3A_165 = tpu.memref_slice %arg4[%add3A_75] : memref<671744xi32, #tpu.memory_space<hbm>> -> memref<256xi32, #tpu.memory_space<hbm>>
        tpu.enqueue_dma source(%dma_start3A_165 : memref<256xi32, #tpu.memory_space<hbm>>) target(%arg7 : memref<256xi32, #tpu.memory_space<vmem>>) target_semaphore(%run_scoped3A : memref<!tpu.dma_semaphore, #tpu.memory_space<semaphore_mem>>)
        %dma_wait3A_166 = tpu.memref_slice %arg4[%add3A_75] : memref<671744xi32, #tpu.memory_space<hbm>> -> memref<256xi32, #tpu.memory_space<hbm>>
        %dma_wait3A_167 = tpu.memref_slice %arg4[%add3A_75] : memref<671744xi32, #tpu.memory_space<hbm>> -> memref<256xi32, #tpu.memory_space<hbm>>
        tpu.wait_dma2 semaphore(%run_scoped3A : memref<!tpu.dma_semaphore, #tpu.memory_space<semaphore_mem>>) src(%dma_wait3A_167 : memref<256xi32, #tpu.memory_space<hbm>>) dst(%arg7 : memref<256xi32, #tpu.memory_space<vmem>>)
        tpu.yield
      }) : () -> ()
      %dma_start3A_76 = arith.constant 0 : i32
      %dma_start3A_77 = tpu.memref_slice %arg7[%dma_start3A_76] : memref<256xi32, #tpu.memory_space<vmem>> -> memref<128xi32, #tpu.memory_space<vmem>>
      %dma_start3A_78 = arith.constant 0 : i32
      %dma_start3A_79 = arith.constant 0 : i32
      %dma_start3A_80 = arith.constant 0 : i32
      %dma_start3A_81 = tpu.memref_slice %arg2[%dma_start3A_78, %dma_start3A_79, %dma_start3A_80] : memref<10000x5x16xf32, #tpu.memory_space<hbm>> -> memref<10000x5x16xf32, #tpu.memory_space<hbm>>
      tpu.enqueue_indirect_dma source(%dma_start3A_81 : memref<10000x5x16xf32, #tpu.memory_space<hbm>>) target(%arg11 : memref<128x5x16xf32, #tpu.memory_space<vmem>>) offsets(%dma_start3A_77 : memref<128xi32, #tpu.memory_space<vmem>>) semaphore(%arg18 : memref<!tpu.dma_semaphore, #tpu.memory_space<semaphore_mem>>)
      %dma_start3A_82 = arith.constant 128 : i32
      %dma_start3A_83 = tpu.memref_slice %arg7[%dma_start3A_82] : memref<256xi32, #tpu.memory_space<vmem>> -> memref<128xi32, #tpu.memory_space<vmem>>
      %dma_start3A_84 = arith.constant 0 : i32
      %dma_start3A_85 = arith.constant 0 : i32
      %dma_start3A_86 = arith.constant 0 : i32
      %dma_start3A_87 = tpu.memref_slice %arg3[%dma_start3A_84, %dma_start3A_85, %dma_start3A_86] : memref<10016x2x16xf32, #tpu.memory_space<hbm>> -> memref<10016x2x16xf32, #tpu.memory_space<hbm>>
      tpu.enqueue_indirect_dma source(%dma_start3A_87 : memref<10016x2x16xf32, #tpu.memory_space<hbm>>) target(%arg13 : memref<128x2x16xf32, #tpu.memory_space<vmem>>) offsets(%dma_start3A_83 : memref<128xi32, #tpu.memory_space<vmem>>) semaphore(%arg18 : memref<!tpu.dma_semaphore, #tpu.memory_space<semaphore_mem>>)
      %dma_wait3A_88 = arith.constant 0 : i32
      %dma_wait3A_89 = arith.constant 0 : i32
      %dma_wait3A_90 = arith.constant 0 : i32
      %dma_wait3A_91 = tpu.memref_slice %arg2[%dma_wait3A_88, %dma_wait3A_89, %dma_wait3A_90] : memref<10000x5x16xf32, #tpu.memory_space<hbm>> -> memref<128x5x16xf32, #tpu.memory_space<hbm>>
      %dma_wait3A_92 = arith.constant 0 : i32
      %dma_wait3A_93 = arith.constant 0 : i32
      %dma_wait3A_94 = arith.constant 0 : i32
      %dma_wait3A_95 = tpu.memref_slice %arg2[%dma_wait3A_92, %dma_wait3A_93, %dma_wait3A_94] : memref<10000x5x16xf32, #tpu.memory_space<hbm>> -> memref<128x5x16xf32, #tpu.memory_space<hbm>>
      tpu.wait_dma2 semaphore(%arg17 : memref<!tpu.dma_semaphore, #tpu.memory_space<semaphore_mem>>) src(%dma_wait3A_95 : memref<128x5x16xf32, #tpu.memory_space<hbm>>) dst(%arg10 : memref<128x5x16xf32, #tpu.memory_space<vmem>>)
      %dma_wait3A_96 = arith.constant 0 : i32
      %dma_wait3A_97 = arith.constant 0 : i32
      %dma_wait3A_98 = arith.constant 0 : i32
      %dma_wait3A_99 = tpu.memref_slice %arg3[%dma_wait3A_96, %dma_wait3A_97, %dma_wait3A_98] : memref<10016x2x16xf32, #tpu.memory_space<hbm>> -> memref<128x2x16xf32, #tpu.memory_space<hbm>>
      %dma_wait3A_100 = arith.constant 0 : i32
      %dma_wait3A_101 = arith.constant 0 : i32
      %dma_wait3A_102 = arith.constant 0 : i32
      %dma_wait3A_103 = tpu.memref_slice %arg3[%dma_wait3A_100, %dma_wait3A_101, %dma_wait3A_102] : memref<10016x2x16xf32, #tpu.memory_space<hbm>> -> memref<128x2x16xf32, #tpu.memory_space<hbm>>
      tpu.wait_dma2 semaphore(%arg17 : memref<!tpu.dma_semaphore, #tpu.memory_space<semaphore_mem>>) src(%dma_wait3A_103 : memref<128x2x16xf32, #tpu.memory_space<hbm>>) dst(%arg12 : memref<128x2x16xf32, #tpu.memory_space<vmem>>)
      %scan3A_104 = arith.constant 0 : i32
      %scan3A_105 = arith.constant 0 : i32
      %scan3A_106 = arith.constant 128 : i32
      %scan3A_107 = arith.addi %scan3A_105, %scan3A_106 : i32
      %scan3A_108 = arith.constant 1 : i32
      scf.for %scan3A_164 = %scan3A_105 to %scan3A_107 step %scan3A_108  : i32 {
        %get3A = arith.constant 4 : i32
        %get3A_165 = arith.index_cast %scan3A_164 : i32 to index
        %get3A_166 = arith.index_cast %get3A : i32 to index
        %get3A_167 = arith.constant 0 : index
        %get3A_168 = tpu.vector_load %arg10[%get3A_165, %get3A_166, %get3A_167] {strides = array<i32>} : memref<128x5x16xf32, #tpu.memory_space<vmem>>, vector<1x1x16xf32>,
        %get3A_169 = vector.shape_cast %get3A_168 : vector<1x1x16xf32> to vector<16xf32>
        %get3A_170 = arith.constant 0 : i32
        %get3A_171 = arith.index_cast %scan3A_164 : i32 to index
        %get3A_172 = arith.index_cast %get3A_170 : i32 to index
        %get3A_173 = arith.constant 0 : index
        %get3A_174 = tpu.vector_load %arg12[%get3A_171, %get3A_172, %get3A_173] {strides = array<i32>} : memref<128x2x16xf32, #tpu.memory_space<vmem>>, vector<1x1x16xf32>,
        %get3A_175 = vector.shape_cast %get3A_174 : vector<1x1x16xf32> to vector<16xf32>
        %add3A_176 = arith.addf %get3A_169, %get3A_175 : vector<16xf32>
        %ge3A_177 = arith.constant 0.000000e+00 : f32
        %ge3A_178 = vector.broadcast %ge3A_177 : f32 to vector<16xf32>
        %ge3A_179 = arith.cmpf oge, %add3A_176, %ge3A_178 : vector<16xf32>
        %mul3A_180 = arith.constant 2.000000e-01 : f32
        %mul3A_181 = vector.broadcast %mul3A_180 : f32 to vector<16xf32>
        %mul3A_182 = arith.mulf %mul3A_181, %add3A_176 : vector<16xf32>
        %select_n3A_183 = arith.select %ge3A_179, %add3A_176, %mul3A_182 : vector<16xi1>, vector<16xf32>
        %get3A_184 = arith.constant 1 : i32
        %get3A_185 = arith.index_cast %scan3A_164 : i32 to index
        %get3A_186 = arith.index_cast %get3A_184 : i32 to index
        %get3A_187 = arith.constant 0 : index
        %get3A_188 = tpu.vector_load %arg12[%get3A_185, %get3A_186, %get3A_187] {strides = array<i32>} : memref<128x2x16xf32, #tpu.memory_space<vmem>>, vector<1x1x16xf32>,
        %get3A_189 = vector.shape_cast %get3A_188 : vector<1x1x16xf32> to vector<16xf32>
        %sub3A = arith.subf %select_n3A_183, %get3A_189 : vector<16xf32>
        %exp3A = math.exp %sub3A : vector<16xf32>
        %mul3A_190 = arith.mulf %exp3A, %select_n3A : vector<16xf32>
        %swap3A = arith.constant 4 : i32
        %swap3A_191 = arith.index_cast %scan3A_164 : i32 to index
        %swap3A_192 = arith.index_cast %swap3A : i32 to index
        %swap3A_193 = arith.constant 0 : index
        %swap3A_194 = tpu.vector_load %arg14[%swap3A_191, %swap3A_192, %swap3A_193] {strides = array<i32>} : memref<128x5x16xf32, #tpu.memory_space<vmem>>, vector<1x1x16xf32>,
        %swap3A_195 = vector.shape_cast %swap3A_194 : vector<1x1x16xf32> to vector<16xf32>
        %swap3A_196 = vector.shape_cast %mul3A_190 : vector<16xf32> to vector<1x1x16xf32>
        tpu.vector_store %arg14[%swap3A_191, %swap3A_192, %swap3A_193], %swap3A_196 {strides = array<i32>} : memref<128x5x16xf32, #tpu.memory_space<vmem>>, vector<1x1x16xf32>,
        %get3A_197 = arith.constant 0 : i32
        %get3A_198 = arith.index_cast %scan3A_164 : i32 to index
        %get3A_199 = arith.index_cast %get3A_197 : i32 to index
        %get3A_200 = arith.constant 0 : index
        %get3A_201 = tpu.vector_load %arg10[%get3A_198, %get3A_199, %get3A_200] {strides = array<i32>} : memref<128x5x16xf32, #tpu.memory_space<vmem>>, vector<1x1x16xf32>,
        %get3A_202 = vector.shape_cast %get3A_201 : vector<1x1x16xf32> to vector<16xf32>
        %slice3A = vector.extract_strided_slice %exp3A {offsets = [0], sizes = [1], strides = [1]} : vector<16xf32> to vector<1xf32>
        %squeeze3A = vector.extract %slice3A[0] : f32 from vector<1xf32>
        %mul3A_203 = vector.broadcast %squeeze3A : f32 to vector<16xf32>
        %mul3A_204 = arith.mulf %get3A_202, %mul3A_203 : vector<16xf32>
        %swap3A_205 = arith.constant 0 : i32
        %swap3A_206 = arith.index_cast %scan3A_164 : i32 to index
        %swap3A_207 = arith.index_cast %swap3A_205 : i32 to index
        %swap3A_208 = arith.constant 0 : index
        %swap3A_209 = tpu.vector_load %arg14[%swap3A_206, %swap3A_207, %swap3A_208] {strides = array<i32>} : memref<128x5x16xf32, #tpu.memory_space<vmem>>, vector<1x1x16xf32>,
        %swap3A_210 = vector.shape_cast %swap3A_209 : vector<1x1x16xf32> to vector<16xf32>
        %swap3A_211 = vector.shape_cast %mul3A_204 : vector<16xf32> to vector<1x1x16xf32>
        tpu.vector_store %arg14[%swap3A_206, %swap3A_207, %swap3A_208], %swap3A_211 {strides = array<i32>} : memref<128x5x16xf32, #tpu.memory_space<vmem>>, vector<1x1x16xf32>,
        %get3A_212 = arith.constant 1 : i32
        %get3A_213 = arith.index_cast %scan3A_164 : i32 to index
        %get3A_214 = arith.index_cast %get3A_212 : i32 to index
        %get3A_215 = arith.constant 0 : index
        %get3A_216 = tpu.vector_load %arg10[%get3A_213, %get3A_214, %get3A_215] {strides = array<i32>} : memref<128x5x16xf32, #tpu.memory_space<vmem>>, vector<1x1x16xf32>,
        %get3A_217 = vector.shape_cast %get3A_216 : vector<1x1x16xf32> to vector<16xf32>
        %slice3A_218 = vector.extract_strided_slice %exp3A {offsets = [1], sizes = [1], strides = [1]} : vector<16xf32> to vector<1xf32>
        %squeeze3A_219 = vector.extract %slice3A_218[0] : f32 from vector<1xf32>
        %mul3A_220 = vector.broadcast %squeeze3A_219 : f32 to vector<16xf32>
        %mul3A_221 = arith.mulf %get3A_217, %mul3A_220 : vector<16xf32>
        %swap3A_222 = arith.constant 1 : i32
        %swap3A_223 = arith.index_cast %scan3A_164 : i32 to index
        %swap3A_224 = arith.index_cast %swap3A_222 : i32 to index
        %swap3A_225 = arith.constant 0 : index
        %swap3A_226 = tpu.vector_load %arg14[%swap3A_223, %swap3A_224, %swap3A_225] {strides = array<i32>} : memref<128x5x16xf32, #tpu.memory_space<vmem>>, vector<1x1x16xf32>,
        %swap3A_227 = vector.shape_cast %swap3A_226 : vector<1x1x16xf32> to vector<16xf32>
        %swap3A_228 = vector.shape_cast %mul3A_221 : vector<16xf32> to vector<1x1x16xf32>
        tpu.vector_store %arg14[%swap3A_223, %swap3A_224, %swap3A_225], %swap3A_228 {strides = array<i32>} : memref<128x5x16xf32, #tpu.memory_space<vmem>>, vector<1x1x16xf32>,
        %get3A_229 = arith.constant 2 : i32
        %get3A_230 = arith.index_cast %scan3A_164 : i32 to index
        %get3A_231 = arith.index_cast %get3A_229 : i32 to index
        %get3A_232 = arith.constant 0 : index
        %get3A_233 = tpu.vector_load %arg10[%get3A_230, %get3A_231, %get3A_232] {strides = array<i32>} : memref<128x5x16xf32, #tpu.memory_space<vmem>>, vector<1x1x16xf32>,
        %get3A_234 = vector.shape_cast %get3A_233 : vector<1x1x16xf32> to vector<16xf32>
        %slice3A_235 = vector.extract_strided_slice %exp3A {offsets = [2], sizes = [1], strides = [1]} : vector<16xf32> to vector<1xf32>
        %squeeze3A_236 = vector.extract %slice3A_235[0] : f32 from vector<1xf32>
        %mul3A_237 = vector.broadcast %squeeze3A_236 : f32 to vector<16xf32>
        %mul3A_238 = arith.mulf %get3A_234, %mul3A_237 : vector<16xf32>
        %swap3A_239 = arith.constant 2 : i32
        %swap3A_240 = arith.index_cast %scan3A_164 : i32 to index
        %swap3A_241 = arith.index_cast %swap3A_239 : i32 to index
        %swap3A_242 = arith.constant 0 : index
        %swap3A_243 = tpu.vector_load %arg14[%swap3A_240, %swap3A_241, %swap3A_242] {strides = array<i32>} : memref<128x5x16xf32, #tpu.memory_space<vmem>>, vector<1x1x16xf32>,
        %swap3A_244 = vector.shape_cast %swap3A_243 : vector<1x1x16xf32> to vector<16xf32>
        %swap3A_245 = vector.shape_cast %mul3A_238 : vector<16xf32> to vector<1x1x16xf32>
        tpu.vector_store %arg14[%swap3A_240, %swap3A_241, %swap3A_242], %swap3A_245 {strides = array<i32>} : memref<128x5x16xf32, #tpu.memory_space<vmem>>, vector<1x1x16xf32>,
        %get3A_246 = arith.constant 3 : i32
        %get3A_247 = arith.index_cast %scan3A_164 : i32 to index
        %get3A_248 = arith.index_cast %get3A_246 : i32 to index
        %get3A_249 = arith.constant 0 : index
        %get3A_250 = tpu.vector_load %arg10[%get3A_247, %get3A_248, %get3A_249] {strides = array<i32>} : memref<128x5x16xf32, #tpu.memory_space<vmem>>, vector<1x1x16xf32>,
        %get3A_251 = vector.shape_cast %get3A_250 : vector<1x1x16xf32> to vector<16xf32>
        %slice3A_252 = vector.extract_strided_slice %exp3A {offsets = [3], sizes = [1], strides = [1]} : vector<16xf32> to vector<1xf32>
        %squeeze3A_253 = vector.extract %slice3A_252[0] : f32 from vector<1xf32>
        %mul3A_254 = vector.broadcast %squeeze3A_253 : f32 to vector<16xf32>
        %mul3A_255 = arith.mulf %get3A_251, %mul3A_254 : vector<16xf32>
        %swap3A_256 = arith.constant 3 : i32
        %swap3A_257 = arith.index_cast %scan3A_164 : i32 to index
        %swap3A_258 = arith.index_cast %swap3A_256 : i32 to index
        %swap3A_259 = arith.constant 0 : index
        %swap3A_260 = tpu.vector_load %arg14[%swap3A_257, %swap3A_258, %swap3A_259] {strides = array<i32>} : memref<128x5x16xf32, #tpu.memory_space<vmem>>, vector<1x1x16xf32>,
        %swap3A_261 = vector.shape_cast %swap3A_260 : vector<1x1x16xf32> to vector<16xf32>
        %swap3A_262 = vector.shape_cast %mul3A_255 : vector<16xf32> to vector<1x1x16xf32>
        tpu.vector_store %arg14[%swap3A_257, %swap3A_258, %swap3A_259], %swap3A_262 {strides = array<i32>} : memref<128x5x16xf32, #tpu.memory_space<vmem>>, vector<1x1x16xf32>,
      }
      %scan3A_109 = arith.constant 128 : i32
      %mul3A_110 = arith.constant 4096 : i32
      %mul3A_111 = arith.muli %add3A_68, %mul3A_110 : i32
      %add3A_112 = arith.addi %mul3A_25, %mul3A_111 : i32
      %add3A_113 = arith.constant 128 : i32
      %add3A_114 = arith.addi %add3A_112, %add3A_113 : i32
      "tpu.region"() ({
        %run_scoped3A = tpu.sem_alloc : memref<!tpu.dma_semaphore, #tpu.memory_space<semaphore_mem>>
        %dma_start3A_164 = tpu.memref_slice %arg4[%add3A_114] : memref<671744xi32, #tpu.memory_space<hbm>> -> memref<128xi32, #tpu.memory_space<hbm>>
        %dma_start3A_165 = tpu.memref_slice %arg4[%add3A_114] : memref<671744xi32, #tpu.memory_space<hbm>> -> memref<128xi32, #tpu.memory_space<hbm>>
        tpu.enqueue_dma source(%dma_start3A_165 : memref<128xi32, #tpu.memory_space<hbm>>) target(%arg8 : memref<128xi32, #tpu.memory_space<vmem>>) target_semaphore(%run_scoped3A : memref<!tpu.dma_semaphore, #tpu.memory_space<semaphore_mem>>)
        %dma_wait3A_166 = tpu.memref_slice %arg4[%add3A_114] : memref<671744xi32, #tpu.memory_space<hbm>> -> memref<128xi32, #tpu.memory_space<hbm>>
        %dma_wait3A_167 = tpu.memref_slice %arg4[%add3A_114] : memref<671744xi32, #tpu.memory_space<hbm>> -> memref<128xi32, #tpu.memory_space<hbm>>
        tpu.wait_dma2 semaphore(%run_scoped3A : memref<!tpu.dma_semaphore, #tpu.memory_space<semaphore_mem>>) src(%dma_wait3A_167 : memref<128xi32, #tpu.memory_space<hbm>>) dst(%arg8 : memref<128xi32, #tpu.memory_space<vmem>>)
        tpu.yield
      }) : () -> ()
      %dma_start3A_115 = arith.constant 0 : i32
      %dma_start3A_116 = arith.constant 0 : i32
      %dma_start3A_117 = arith.constant 0 : i32
      %dma_start3A_118 = tpu.memref_slice %arg16[%dma_start3A_115, %dma_start3A_116, %dma_start3A_117] : memref<10016x5x16xf32, #tpu.memory_space<vmem_shared>> -> memref<10016x5x16xf32, #tpu.memory_space<vmem_shared>>
      tpu.enqueue_indirect_dma source(%arg14 : memref<128x5x16xf32, #tpu.memory_space<vmem>>) target(%dma_start3A_118 : memref<10016x5x16xf32, #tpu.memory_space<vmem_shared>>) offsets(%arg8 : memref<128xi32, #tpu.memory_space<vmem>>) semaphore(%arg19 : memref<!tpu.dma_semaphore, #tpu.memory_space<semaphore_mem>>) {add = true}
      %mul3A_119 = arith.constant 2 : i32
      %mul3A_120 = arith.muli %mul3A_119, %scan3A_64 : i32
      %add3A_121 = arith.constant 1 : i32
      %add3A_122 = arith.addi %mul3A_120, %add3A_121 : i32
      %ge3A_123 = arith.constant 1 : i32
      %ge3A_124 = arith.cmpi sge, %scan3A_64, %ge3A_123 : i32
      %convert_element_type3A_125 = arith.extui %ge3A_124 : i1 to i32
      %cond3A_126 = arith.constant 0 : i32
      %cond3A_127 = arith.cmpi ne, %convert_element_type3A_125, %cond3A_126 : i32
      scf.if %cond3A_127 {
        %dma_wait3A_164 = arith.constant 0 : i32
        %dma_wait3A_165 = arith.constant 0 : i32
        %dma_wait3A_166 = arith.constant 0 : i32
        %dma_wait3A_167 = tpu.memref_slice %arg16[%dma_wait3A_164, %dma_wait3A_165, %dma_wait3A_166] : memref<10016x5x16xf32, #tpu.memory_space<vmem_shared>> -> memref<128x5x16xf32, #tpu.memory_space<vmem_shared>>
        %dma_wait3A_168 = arith.constant 0 : i32
        %dma_wait3A_169 = arith.constant 0 : i32
        %dma_wait3A_170 = arith.constant 0 : i32
        %dma_wait3A_171 = tpu.memref_slice %arg16[%dma_wait3A_168, %dma_wait3A_169, %dma_wait3A_170] : memref<10016x5x16xf32, #tpu.memory_space<vmem_shared>> -> memref<128x5x16xf32, #tpu.memory_space<vmem_shared>>
        tpu.wait_dma2 semaphore(%arg20 : memref<!tpu.dma_semaphore, #tpu.memory_space<semaphore_mem>>) src(%arg15 : memref<128x5x16xf32, #tpu.memory_space<vmem>>) dst(%dma_wait3A_171 : memref<128x5x16xf32, #tpu.memory_space<vmem_shared>>)
      } else {
      }
      %lt3A_128 = arith.constant 40 : i32
      %lt3A_129 = arith.cmpi slt, %scan3A_64, %lt3A_128 : i32
      %convert_element_type3A_130 = arith.extui %lt3A_129 : i1 to i32
      %cond3A_131 = arith.constant 0 : i32
      %cond3A_132 = arith.cmpi ne, %convert_element_type3A_130, %cond3A_131 : i32
      scf.if %cond3A_132 {
        %add3A_164 = arith.constant 1 : i32
        %add3A_165 = arith.addi %add3A_122, %add3A_164 : i32
        %mul3A_166 = arith.constant 4096 : i32
        %mul3A_167 = arith.muli %add3A_165, %mul3A_166 : i32
        %add3A_168 = arith.addi %mul3A_25, %mul3A_167 : i32
        "tpu.region"() ({
          %run_scoped3A = tpu.sem_alloc : memref<!tpu.dma_semaphore, #tpu.memory_space<semaphore_mem>>
          %dma_start3A_181 = tpu.memref_slice %arg4[%add3A_168] : memref<671744xi32, #tpu.memory_space<hbm>> -> memref<256xi32, #tpu.memory_space<hbm>>
          %dma_start3A_182 = tpu.memref_slice %arg4[%add3A_168] : memref<671744xi32, #tpu.memory_space<hbm>> -> memref<256xi32, #tpu.memory_space<hbm>>
          tpu.enqueue_dma source(%dma_start3A_182 : memref<256xi32, #tpu.memory_space<hbm>>) target(%arg6 : memref<256xi32, #tpu.memory_space<vmem>>) target_semaphore(%run_scoped3A : memref<!tpu.dma_semaphore, #tpu.memory_space<semaphore_mem>>)
          %dma_wait3A_183 = tpu.memref_slice %arg4[%add3A_168] : memref<671744xi32, #tpu.memory_space<hbm>> -> memref<256xi32, #tpu.memory_space<hbm>>
          %dma_wait3A_184 = tpu.memref_slice %arg4[%add3A_168] : memref<671744xi32, #tpu.memory_space<hbm>> -> memref<256xi32, #tpu.memory_space<hbm>>
          tpu.wait_dma2 semaphore(%run_scoped3A : memref<!tpu.dma_semaphore, #tpu.memory_space<semaphore_mem>>) src(%dma_wait3A_184 : memref<256xi32, #tpu.memory_space<hbm>>) dst(%arg6 : memref<256xi32, #tpu.memory_space<vmem>>)
          tpu.yield
        }) : () -> ()
        %dma_start3A_169 = arith.constant 0 : i32
        %dma_start3A_170 = tpu.memref_slice %arg6[%dma_start3A_169] : memref<256xi32, #tpu.memory_space<vmem>> -> memref<128xi32, #tpu.memory_space<vmem>>
        %dma_start3A_171 = arith.constant 0 : i32
        %dma_start3A_172 = arith.constant 0 : i32
        %dma_start3A_173 = arith.constant 0 : i32
        %dma_start3A_174 = tpu.memref_slice %arg2[%dma_start3A_171, %dma_start3A_172, %dma_start3A_173] : memref<10000x5x16xf32, #tpu.memory_space<hbm>> -> memref<10000x5x16xf32, #tpu.memory_space<hbm>>
        tpu.enqueue_indirect_dma source(%dma_start3A_174 : memref<10000x5x16xf32, #tpu.memory_space<hbm>>) target(%arg10 : memref<128x5x16xf32, #tpu.memory_space<vmem>>) offsets(%dma_start3A_170 : memref<128xi32, #tpu.memory_space<vmem>>) semaphore(%arg17 : memref<!tpu.dma_semaphore, #tpu.memory_space<semaphore_mem>>)
        %dma_start3A_175 = arith.constant 128 : i32
        %dma_start3A_176 = tpu.memref_slice %arg6[%dma_start3A_175] : memref<256xi32, #tpu.memory_space<vmem>> -> memref<128xi32, #tpu.memory_space<vmem>>
        %dma_start3A_177 = arith.constant 0 : i32
        %dma_start3A_178 = arith.constant 0 : i32
        %dma_start3A_179 = arith.constant 0 : i32
        %dma_start3A_180 = tpu.memref_slice %arg3[%dma_start3A_177, %dma_start3A_178, %dma_start3A_179] : memref<10016x2x16xf32, #tpu.memory_space<hbm>> -> memref<10016x2x16xf32, #tpu.memory_space<hbm>>
        tpu.enqueue_indirect_dma source(%dma_start3A_180 : memref<10016x2x16xf32, #tpu.memory_space<hbm>>) target(%arg12 : memref<128x2x16xf32, #tpu.memory_space<vmem>>) offsets(%dma_start3A_176 : memref<128xi32, #tpu.memory_space<vmem>>) semaphore(%arg17 : memref<!tpu.dma_semaphore, #tpu.memory_space<semaphore_mem>>)
      } else {
      }
      %dma_wait3A_133 = arith.constant 0 : i32
      %dma_wait3A_134 = arith.constant 0 : i32
      %dma_wait3A_135 = arith.constant 0 : i32
      %dma_wait3A_136 = tpu.memref_slice %arg2[%dma_wait3A_133, %dma_wait3A_134, %dma_wait3A_135] : memref<10000x5x16xf32, #tpu.memory_space<hbm>> -> memref<128x5x16xf32, #tpu.memory_space<hbm>>
      %dma_wait3A_137 = arith.constant 0 : i32
      %dma_wait3A_138 = arith.constant 0 : i32
      %dma_wait3A_139 = arith.constant 0 : i32
      %dma_wait3A_140 = tpu.memref_slice %arg2[%dma_wait3A_137, %dma_wait3A_138, %dma_wait3A_139] : memref<10000x5x16xf32, #tpu.memory_space<hbm>> -> memref<128x5x16xf32, #tpu.memory_space<hbm>>
      tpu.wait_dma2 semaphore(%arg18 : memref<!tpu.dma_semaphore, #tpu.memory_space<semaphore_mem>>) src(%dma_wait3A_140 : memref<128x5x16xf32, #tpu.memory_space<hbm>>) dst(%arg11 : memref<128x5x16xf32, #tpu.memory_space<vmem>>)
      %dma_wait3A_141 = arith.constant 0 : i32
      %dma_wait3A_142 = arith.constant 0 : i32
      %dma_wait3A_143 = arith.constant 0 : i32
      %dma_wait3A_144 = tpu.memref_slice %arg3[%dma_wait3A_141, %dma_wait3A_142, %dma_wait3A_143] : memref<10016x2x16xf32, #tpu.memory_space<hbm>> -> memref<128x2x16xf32, #tpu.memory_space<hbm>>
      %dma_wait3A_145 = arith.constant 0 : i32
      %dma_wait3A_146 = arith.constant 0 : i32
      %dma_wait3A_147 = arith.constant 0 : i32
      %dma_wait3A_148 = tpu.memref_slice %arg3[%dma_wait3A_145, %dma_wait3A_146, %dma_wait3A_147] : memref<10016x2x16xf32, #tpu.memory_space<hbm>> -> memref<128x2x16xf32, #tpu.memory_space<hbm>>
      tpu.wait_dma2 semaphore(%arg18 : memref<!tpu.dma_semaphore, #tpu.memory_space<semaphore_mem>>) src(%dma_wait3A_148 : memref<128x2x16xf32, #tpu.memory_space<hbm>>) dst(%arg13 : memref<128x2x16xf32, #tpu.memory_space<vmem>>)
      %scan3A_149 = arith.constant 0 : i32
      %scan3A_150 = arith.constant 0 : i32
      %scan3A_151 = arith.constant 128 : i32
      %scan3A_152 = arith.addi %scan3A_150, %scan3A_151 : i32
      %scan3A_153 = arith.constant 1 : i32
      scf.for %scan3A_164 = %scan3A_150 to %scan3A_152 step %scan3A_153  : i32 {
        %get3A = arith.constant 4 : i32
        %get3A_165 = arith.index_cast %scan3A_164 : i32 to index
        %get3A_166 = arith.index_cast %get3A : i32 to index
        %get3A_167 = arith.constant 0 : index
        %get3A_168 = tpu.vector_load %arg11[%get3A_165, %get3A_166, %get3A_167] {strides = array<i32>} : memref<128x5x16xf32, #tpu.memory_space<vmem>>, vector<1x1x16xf32>,
        %get3A_169 = vector.shape_cast %get3A_168 : vector<1x1x16xf32> to vector<16xf32>
        %get3A_170 = arith.constant 0 : i32
        %get3A_171 = arith.index_cast %scan3A_164 : i32 to index
        %get3A_172 = arith.index_cast %get3A_170 : i32 to index
        %get3A_173 = arith.constant 0 : index
        %get3A_174 = tpu.vector_load %arg13[%get3A_171, %get3A_172, %get3A_173] {strides = array<i32>} : memref<128x2x16xf32, #tpu.memory_space<vmem>>, vector<1x1x16xf32>,
        %get3A_175 = vector.shape_cast %get3A_174 : vector<1x1x16xf32> to vector<16xf32>
        %add3A_176 = arith.addf %get3A_169, %get3A_175 : vector<16xf32>
        %ge3A_177 = arith.constant 0.000000e+00 : f32
        %ge3A_178 = vector.broadcast %ge3A_177 : f32 to vector<16xf32>
        %ge3A_179 = arith.cmpf oge, %add3A_176, %ge3A_178 : vector<16xf32>
        %mul3A_180 = arith.constant 2.000000e-01 : f32
        %mul3A_181 = vector.broadcast %mul3A_180 : f32 to vector<16xf32>
        %mul3A_182 = arith.mulf %mul3A_181, %add3A_176 : vector<16xf32>
        %select_n3A_183 = arith.select %ge3A_179, %add3A_176, %mul3A_182 : vector<16xi1>, vector<16xf32>
        %get3A_184 = arith.constant 1 : i32
        %get3A_185 = arith.index_cast %scan3A_164 : i32 to index
        %get3A_186 = arith.index_cast %get3A_184 : i32 to index
        %get3A_187 = arith.constant 0 : index
        %get3A_188 = tpu.vector_load %arg13[%get3A_185, %get3A_186, %get3A_187] {strides = array<i32>} : memref<128x2x16xf32, #tpu.memory_space<vmem>>, vector<1x1x16xf32>,
        %get3A_189 = vector.shape_cast %get3A_188 : vector<1x1x16xf32> to vector<16xf32>
        %sub3A = arith.subf %select_n3A_183, %get3A_189 : vector<16xf32>
        %exp3A = math.exp %sub3A : vector<16xf32>
        %mul3A_190 = arith.mulf %exp3A, %select_n3A : vector<16xf32>
        %swap3A = arith.constant 4 : i32
        %swap3A_191 = arith.index_cast %scan3A_164 : i32 to index
        %swap3A_192 = arith.index_cast %swap3A : i32 to index
        %swap3A_193 = arith.constant 0 : index
        %swap3A_194 = tpu.vector_load %arg15[%swap3A_191, %swap3A_192, %swap3A_193] {strides = array<i32>} : memref<128x5x16xf32, #tpu.memory_space<vmem>>, vector<1x1x16xf32>,
        %swap3A_195 = vector.shape_cast %swap3A_194 : vector<1x1x16xf32> to vector<16xf32>
        %swap3A_196 = vector.shape_cast %mul3A_190 : vector<16xf32> to vector<1x1x16xf32>
        tpu.vector_store %arg15[%swap3A_191, %swap3A_192, %swap3A_193], %swap3A_196 {strides = array<i32>} : memref<128x5x16xf32, #tpu.memory_space<vmem>>, vector<1x1x16xf32>,
        %get3A_197 = arith.constant 0 : i32
        %get3A_198 = arith.index_cast %scan3A_164 : i32 to index
        %get3A_199 = arith.index_cast %get3A_197 : i32 to index
        %get3A_200 = arith.constant 0 : index
        %get3A_201 = tpu.vector_load %arg11[%get3A_198, %get3A_199, %get3A_200] {strides = array<i32>} : memref<128x5x16xf32, #tpu.memory_space<vmem>>, vector<1x1x16xf32>,
        %get3A_202 = vector.shape_cast %get3A_201 : vector<1x1x16xf32> to vector<16xf32>
        %slice3A = vector.extract_strided_slice %exp3A {offsets = [0], sizes = [1], strides = [1]} : vector<16xf32> to vector<1xf32>
        %squeeze3A = vector.extract %slice3A[0] : f32 from vector<1xf32>
        %mul3A_203 = vector.broadcast %squeeze3A : f32 to vector<16xf32>
        %mul3A_204 = arith.mulf %get3A_202, %mul3A_203 : vector<16xf32>
        %swap3A_205 = arith.constant 0 : i32
        %swap3A_206 = arith.index_cast %scan3A_164 : i32 to index
        %swap3A_207 = arith.index_cast %swap3A_205 : i32 to index
        %swap3A_208 = arith.constant 0 : index
        %swap3A_209 = tpu.vector_load %arg15[%swap3A_206, %swap3A_207, %swap3A_208] {strides = array<i32>} : memref<128x5x16xf32, #tpu.memory_space<vmem>>, vector<1x1x16xf32>,
        %swap3A_210 = vector.shape_cast %swap3A_209 : vector<1x1x16xf32> to vector<16xf32>
        %swap3A_211 = vector.shape_cast %mul3A_204 : vector<16xf32> to vector<1x1x16xf32>
        tpu.vector_store %arg15[%swap3A_206, %swap3A_207, %swap3A_208], %swap3A_211 {strides = array<i32>} : memref<128x5x16xf32, #tpu.memory_space<vmem>>, vector<1x1x16xf32>,
        %get3A_212 = arith.constant 1 : i32
        %get3A_213 = arith.index_cast %scan3A_164 : i32 to index
        %get3A_214 = arith.index_cast %get3A_212 : i32 to index
        %get3A_215 = arith.constant 0 : index
        %get3A_216 = tpu.vector_load %arg11[%get3A_213, %get3A_214, %get3A_215] {strides = array<i32>} : memref<128x5x16xf32, #tpu.memory_space<vmem>>, vector<1x1x16xf32>,
        %get3A_217 = vector.shape_cast %get3A_216 : vector<1x1x16xf32> to vector<16xf32>
        %slice3A_218 = vector.extract_strided_slice %exp3A {offsets = [1], sizes = [1], strides = [1]} : vector<16xf32> to vector<1xf32>
        %squeeze3A_219 = vector.extract %slice3A_218[0] : f32 from vector<1xf32>
        %mul3A_220 = vector.broadcast %squeeze3A_219 : f32 to vector<16xf32>
        %mul3A_221 = arith.mulf %get3A_217, %mul3A_220 : vector<16xf32>
        %swap3A_222 = arith.constant 1 : i32
        %swap3A_223 = arith.index_cast %scan3A_164 : i32 to index
        %swap3A_224 = arith.index_cast %swap3A_222 : i32 to index
        %swap3A_225 = arith.constant 0 : index
        %swap3A_226 = tpu.vector_load %arg15[%swap3A_223, %swap3A_224, %swap3A_225] {strides = array<i32>} : memref<128x5x16xf32, #tpu.memory_space<vmem>>, vector<1x1x16xf32>,
        %swap3A_227 = vector.shape_cast %swap3A_226 : vector<1x1x16xf32> to vector<16xf32>
        %swap3A_228 = vector.shape_cast %mul3A_221 : vector<16xf32> to vector<1x1x16xf32>
        tpu.vector_store %arg15[%swap3A_223, %swap3A_224, %swap3A_225], %swap3A_228 {strides = array<i32>} : memref<128x5x16xf32, #tpu.memory_space<vmem>>, vector<1x1x16xf32>,
        %get3A_229 = arith.constant 2 : i32
        %get3A_230 = arith.index_cast %scan3A_164 : i32 to index
        %get3A_231 = arith.index_cast %get3A_229 : i32 to index
        %get3A_232 = arith.constant 0 : index
        %get3A_233 = tpu.vector_load %arg11[%get3A_230, %get3A_231, %get3A_232] {strides = array<i32>} : memref<128x5x16xf32, #tpu.memory_space<vmem>>, vector<1x1x16xf32>,
        %get3A_234 = vector.shape_cast %get3A_233 : vector<1x1x16xf32> to vector<16xf32>
        %slice3A_235 = vector.extract_strided_slice %exp3A {offsets = [2], sizes = [1], strides = [1]} : vector<16xf32> to vector<1xf32>
        %squeeze3A_236 = vector.extract %slice3A_235[0] : f32 from vector<1xf32>
        %mul3A_237 = vector.broadcast %squeeze3A_236 : f32 to vector<16xf32>
        %mul3A_238 = arith.mulf %get3A_234, %mul3A_237 : vector<16xf32>
        %swap3A_239 = arith.constant 2 : i32
        %swap3A_240 = arith.index_cast %scan3A_164 : i32 to index
        %swap3A_241 = arith.index_cast %swap3A_239 : i32 to index
        %swap3A_242 = arith.constant 0 : index
        %swap3A_243 = tpu.vector_load %arg15[%swap3A_240, %swap3A_241, %swap3A_242] {strides = array<i32>} : memref<128x5x16xf32, #tpu.memory_space<vmem>>, vector<1x1x16xf32>,
        %swap3A_244 = vector.shape_cast %swap3A_243 : vector<1x1x16xf32> to vector<16xf32>
        %swap3A_245 = vector.shape_cast %mul3A_238 : vector<16xf32> to vector<1x1x16xf32>
        tpu.vector_store %arg15[%swap3A_240, %swap3A_241, %swap3A_242], %swap3A_245 {strides = array<i32>} : memref<128x5x16xf32, #tpu.memory_space<vmem>>, vector<1x1x16xf32>,
        %get3A_246 = arith.constant 3 : i32
        %get3A_247 = arith.index_cast %scan3A_164 : i32 to index
        %get3A_248 = arith.index_cast %get3A_246 : i32 to index
        %get3A_249 = arith.constant 0 : index
        %get3A_250 = tpu.vector_load %arg11[%get3A_247, %get3A_248, %get3A_249] {strides = array<i32>} : memref<128x5x16xf32, #tpu.memory_space<vmem>>, vector<1x1x16xf32>,
        %get3A_251 = vector.shape_cast %get3A_250 : vector<1x1x16xf32> to vector<16xf32>
        %slice3A_252 = vector.extract_strided_slice %exp3A {offsets = [3], sizes = [1], strides = [1]} : vector<16xf32> to vector<1xf32>
        %squeeze3A_253 = vector.extract %slice3A_252[0] : f32 from vector<1xf32>
        %mul3A_254 = vector.broadcast %squeeze3A_253 : f32 to vector<16xf32>
        %mul3A_255 = arith.mulf %get3A_251, %mul3A_254 : vector<16xf32>
        %swap3A_256 = arith.constant 3 : i32
        %swap3A_257 = arith.index_cast %scan3A_164 : i32 to index
        %swap3A_258 = arith.index_cast %swap3A_256 : i32 to index
        %swap3A_259 = arith.constant 0 : index
        %swap3A_260 = tpu.vector_load %arg15[%swap3A_257, %swap3A_258, %swap3A_259] {strides = array<i32>} : memref<128x5x16xf32, #tpu.memory_space<vmem>>, vector<1x1x16xf32>,
        %swap3A_261 = vector.shape_cast %swap3A_260 : vector<1x1x16xf32> to vector<16xf32>
        %swap3A_262 = vector.shape_cast %mul3A_255 : vector<16xf32> to vector<1x1x16xf32>
        tpu.vector_store %arg15[%swap3A_257, %swap3A_258, %swap3A_259], %swap3A_262 {strides = array<i32>} : memref<128x5x16xf32, #tpu.memory_space<vmem>>, vector<1x1x16xf32>,
      }
      %scan3A_154 = arith.constant 128 : i32
      %mul3A_155 = arith.constant 4096 : i32
      %mul3A_156 = arith.muli %add3A_122, %mul3A_155 : i32
      %add3A_157 = arith.addi %mul3A_25, %mul3A_156 : i32
      %add3A_158 = arith.constant 128 : i32
      %add3A_159 = arith.addi %add3A_157, %add3A_158 : i32
      "tpu.region"() ({
        %run_scoped3A = tpu.sem_alloc : memref<!tpu.dma_semaphore, #tpu.memory_space<semaphore_mem>>
        %dma_start3A_164 = tpu.memref_slice %arg4[%add3A_159] : memref<671744xi32, #tpu.memory_space<hbm>> -> memref<128xi32, #tpu.memory_space<hbm>>
        %dma_start3A_165 = tpu.memref_slice %arg4[%add3A_159] : memref<671744xi32, #tpu.memory_space<hbm>> -> memref<128xi32, #tpu.memory_space<hbm>>
        tpu.enqueue_dma source(%dma_start3A_165 : memref<128xi32, #tpu.memory_space<hbm>>) target(%arg9 : memref<128xi32, #tpu.memory_space<vmem>>) target_semaphore(%run_scoped3A : memref<!tpu.dma_semaphore, #tpu.memory_space<semaphore_mem>>)
        %dma_wait3A_166 = tpu.memref_slice %arg4[%add3A_159] : memref<671744xi32, #tpu.memory_space<hbm>> -> memref<128xi32, #tpu.memory_space<hbm>>
        %dma_wait3A_167 = tpu.memref_slice %arg4[%add3A_159] : memref<671744xi32, #tpu.memory_space<hbm>> -> memref<128xi32, #tpu.memory_space<hbm>>
        tpu.wait_dma2 semaphore(%run_scoped3A : memref<!tpu.dma_semaphore, #tpu.memory_space<semaphore_mem>>) src(%dma_wait3A_167 : memref<128xi32, #tpu.memory_space<hbm>>) dst(%arg9 : memref<128xi32, #tpu.memory_space<vmem>>)
        tpu.yield
      }) : () -> ()
      %dma_start3A_160 = arith.constant 0 : i32
      %dma_start3A_161 = arith.constant 0 : i32
      %dma_start3A_162 = arith.constant 0 : i32
      %dma_start3A_163 = tpu.memref_slice %arg16[%dma_start3A_160, %dma_start3A_161, %dma_start3A_162] : memref<10016x5x16xf32, #tpu.memory_space<vmem_shared>> -> memref<10016x5x16xf32, #tpu.memory_space<vmem_shared>>
      tpu.enqueue_indirect_dma source(%arg15 : memref<128x5x16xf32, #tpu.memory_space<vmem>>) target(%dma_start3A_163 : memref<10016x5x16xf32, #tpu.memory_space<vmem_shared>>) offsets(%arg9 : memref<128xi32, #tpu.memory_space<vmem>>) semaphore(%arg20 : memref<!tpu.dma_semaphore, #tpu.memory_space<semaphore_mem>>) {add = true}
    }
    %scan3A_44 = arith.constant 41 : i32
    %dma_wait3A = arith.constant 0 : i32
    %dma_wait3A_45 = arith.constant 0 : i32
    %dma_wait3A_46 = arith.constant 0 : i32
    %dma_wait3A_47 = tpu.memref_slice %arg16[%dma_wait3A, %dma_wait3A_45, %dma_wait3A_46] : memref<10016x5x16xf32, #tpu.memory_space<vmem_shared>> -> memref<128x5x16xf32, #tpu.memory_space<vmem_shared>>
    %dma_wait3A_48 = arith.constant 0 : i32
    %dma_wait3A_49 = arith.constant 0 : i32
    %dma_wait3A_50 = arith.constant 0 : i32
    %dma_wait3A_51 = tpu.memref_slice %arg16[%dma_wait3A_48, %dma_wait3A_49, %dma_wait3A_50] : memref<10016x5x16xf32, #tpu.memory_space<vmem_shared>> -> memref<128x5x16xf32, #tpu.memory_space<vmem_shared>>
    tpu.wait_dma2 semaphore(%arg19 : memref<!tpu.dma_semaphore, #tpu.memory_space<semaphore_mem>>) src(%arg14 : memref<128x5x16xf32, #tpu.memory_space<vmem>>) dst(%dma_wait3A_51 : memref<128x5x16xf32, #tpu.memory_space<vmem_shared>>)
    %dma_wait3A_52 = arith.constant 0 : i32
    %dma_wait3A_53 = arith.constant 0 : i32
    %dma_wait3A_54 = arith.constant 0 : i32
    %dma_wait3A_55 = tpu.memref_slice %arg16[%dma_wait3A_52, %dma_wait3A_53, %dma_wait3A_54] : memref<10016x5x16xf32, #tpu.memory_space<vmem_shared>> -> memref<128x5x16xf32, #tpu.memory_space<vmem_shared>>
    %dma_wait3A_56 = arith.constant 0 : i32
    %dma_wait3A_57 = arith.constant 0 : i32
    %dma_wait3A_58 = arith.constant 0 : i32
    %dma_wait3A_59 = tpu.memref_slice %arg16[%dma_wait3A_56, %dma_wait3A_57, %dma_wait3A_58] : memref<10016x5x16xf32, #tpu.memory_space<vmem_shared>> -> memref<128x5x16xf32, #tpu.memory_space<vmem_shared>>
    tpu.wait_dma2 semaphore(%arg20 : memref<!tpu.dma_semaphore, #tpu.memory_space<semaphore_mem>>) src(%arg15 : memref<128x5x16xf32, #tpu.memory_space<vmem>>) dst(%dma_wait3A_59 : memref<128x5x16xf32, #tpu.memory_space<vmem_shared>>)
    %barrier3A_60 = arith.constant 0 : index
    tpu.barrier barrier_id(%barrier3A_60)
    %mul3A_61 = arith.constant 10016 : i32
    %mul3A_62 = arith.muli %arg0, %mul3A_61 : i32
    %add3A_63 = arith.addi %mul3A_62, %mul3A_0 : i32
    "tpu.region"() ({
      %run_scoped3A = tpu.sem_alloc : memref<!tpu.dma_semaphore, #tpu.memory_space<semaphore_mem>>
      %dma_start3A_64 = arith.constant 0 : i32
      %dma_start3A_65 = arith.constant 0 : i32
      %dma_start3A_66 = tpu.memref_slice %arg5[%add3A_63, %dma_start3A_64, %dma_start3A_65] : memref<20032x5x16xf32, #tpu.memory_space<hbm>> -> memref<626x5x16xf32, #tpu.memory_space<hbm>>
      %dma_start3A_67 = arith.constant 0 : i32
      %dma_start3A_68 = arith.constant 0 : i32
      %dma_start3A_69 = tpu.memref_slice %arg16[%mul3A_0, %dma_start3A_67, %dma_start3A_68] : memref<10016x5x16xf32, #tpu.memory_space<vmem_shared>> -> memref<626x5x16xf32, #tpu.memory_space<vmem_shared>>
      tpu.enqueue_dma source(%dma_start3A_69 : memref<626x5x16xf32, #tpu.memory_space<vmem_shared>>) target(%dma_start3A_66 : memref<626x5x16xf32, #tpu.memory_space<hbm>>) target_semaphore(%run_scoped3A : memref<!tpu.dma_semaphore, #tpu.memory_space<semaphore_mem>>)
      %dma_wait3A_70 = arith.constant 0 : i32
      %dma_wait3A_71 = arith.constant 0 : i32
      %dma_wait3A_72 = tpu.memref_slice %arg5[%add3A_63, %dma_wait3A_70, %dma_wait3A_71] : memref<20032x5x16xf32, #tpu.memory_space<hbm>> -> memref<626x5x16xf32, #tpu.memory_space<hbm>>
      %dma_wait3A_73 = arith.constant 0 : i32
      %dma_wait3A_74 = arith.constant 0 : i32
      %dma_wait3A_75 = tpu.memref_slice %arg16[%mul3A_0, %dma_wait3A_73, %dma_wait3A_74] : memref<10016x5x16xf32, #tpu.memory_space<vmem_shared>> -> memref<626x5x16xf32, #tpu.memory_space<vmem_shared>>
      tpu.wait_dma2 semaphore(%run_scoped3A : memref<!tpu.dma_semaphore, #tpu.memory_space<semaphore_mem>>) src(%dma_wait3A_75 : memref<626x5x16xf32, #tpu.memory_space<vmem_shared>>) dst(%dma_wait3A_72 : memref<626x5x16xf32, #tpu.memory_space<hbm>>)
      tpu.yield
    }) : () -> ()
    return
  }
}

#map = affine_map<(d0, d1) -> (0, 0, 0)>
#map1 = affine_map<(d0, d1) -> (0)>
module attributes {stable_mosaic.version = 14 : i64} {
  func.func @_sc_edge_body(%arg0: i32, %arg1: i32, %arg2: memref<10000x5x16xf32, #tpu.memory_space<hbm>>, %arg3: memref<10016x2x16xf32, #tpu.memory_space<hbm>>, %arg4: memref<671744xi32, #tpu.memory_space<hbm>>, %arg5: memref<20032x5x16xf32, #tpu.memory_space<hbm>>, %arg6: memref<256xi32, #tpu.memory_space<vmem>>, %arg7: memref<256xi32, #tpu.memory_space<vmem>>, %arg8: memref<128xi32, #tpu.memory_space<vmem>>, %arg9: memref<128xi32, #tpu.memory_space<vmem>>, %arg10: memref<128x5x16xf32, #tpu.memory_space<vmem>>, %arg11: memref<128x5x16xf32, #tpu.memory_space<vmem>>, %arg12: memref<128x2x16xf32, #tpu.memory_space<vmem>>, %arg13: memref<128x2x16xf32, #tpu.memory_space<vmem>>, %arg14: memref<128x5x16xf32, #tpu.memory_space<vmem>>, %arg15: memref<128x5x16xf32, #tpu.memory_space<vmem>>, %arg16: memref<10016x5x16xf32, #tpu.memory_space<vmem_shared>>, %arg17: memref<!tpu.dma_semaphore, #tpu.memory_space<semaphore_mem>>, %arg18: memref<!tpu.dma_semaphore, #tpu.memory_space<semaphore_mem>>, %arg19: memref<!tpu.dma_semaphore, #tpu.memory_space<semaphore_mem>>, %arg20: memref<!tpu.dma_semaphore, #tpu.memory_space<semaphore_mem>>) attributes {dimension_semantics = [#tpu.dimension_semantics<core_parallel>, #tpu.dimension_semantics<subcore_parallel>], iteration_bounds = array<i64: 2, 16>, scalar_prefetch = 0 : i64, scratch_operands = 15 : i64, tpu.core_type = #tpu.core_type<sc_vector_subcore>, window_params = [{transform_indices = #map}, {transform_indices = #map}, {transform_indices = #map1}, {transform_indices = #map}]} {
    %mul3A = arith.constant 626 : i32
    %mul3A_0 = arith.muli %arg1, %mul3A : i32
    %broadcast_in_dim3A = arith.constant 0.000000e+00 : f32
    %broadcast_in_dim3A_1 = vector.broadcast %broadcast_in_dim3A : f32 to vector<16xf32>
    %scan3A = arith.constant 0 : i32
    %scan3A_2 = arith.constant 0 : i32
    %scan3A_3 = arith.constant 128 : i32
    %scan3A_4 = arith.addi %scan3A_2, %scan3A_3 : i32
    %scan3A_5 = arith.constant 1 : i32
    scf.for %scan3A_64 = %scan3A_2 to %scan3A_4 step %scan3A_5  : i32 {
      %swap3A = arith.constant 0 : i32
      %swap3A_65 = arith.index_cast %scan3A_64 : i32 to index
      %swap3A_66 = arith.index_cast %swap3A : i32 to index
      %swap3A_67 = arith.constant 0 : index
      %swap3A_68 = tpu.vector_load %arg14[%swap3A_65, %swap3A_66, %swap3A_67] {strides = array<i32>} : memref<128x5x16xf32, #tpu.memory_space<vmem>>, vector<1x1x16xf32>,
      %swap3A_69 = vector.shape_cast %swap3A_68 : vector<1x1x16xf32> to vector<16xf32>
      %swap3A_70 = vector.shape_cast %broadcast_in_dim3A_1 : vector<16xf32> to vector<1x1x16xf32>
      tpu.vector_store %arg14[%swap3A_65, %swap3A_66, %swap3A_67], %swap3A_70 {strides = array<i32>} : memref<128x5x16xf32, #tpu.memory_space<vmem>>, vector<1x1x16xf32>,
      %swap3A_71 = arith.constant 1 : i32
      %swap3A_72 = arith.index_cast %scan3A_64 : i32 to index
      %swap3A_73 = arith.index_cast %swap3A_71 : i32 to index
      %swap3A_74 = arith.constant 0 : index
      %swap3A_75 = tpu.vector_load %arg14[%swap3A_72, %swap3A_73, %swap3A_74] {strides = array<i32>} : memref<128x5x16xf32, #tpu.memory_space<vmem>>, vector<1x1x16xf32>,
      %swap3A_76 = vector.shape_cast %swap3A_75 : vector<1x1x16xf32> to vector<16xf32>
      %swap3A_77 = vector.shape_cast %broadcast_in_dim3A_1 : vector<16xf32> to vector<1x1x16xf32>
      tpu.vector_store %arg14[%swap3A_72, %swap3A_73, %swap3A_74], %swap3A_77 {strides = array<i32>} : memref<128x5x16xf32, #tpu.memory_space<vmem>>, vector<1x1x16xf32>,
      %swap3A_78 = arith.constant 2 : i32
      %swap3A_79 = arith.index_cast %scan3A_64 : i32 to index
      %swap3A_80 = arith.index_cast %swap3A_78 : i32 to index
      %swap3A_81 = arith.constant 0 : index
      %swap3A_82 = tpu.vector_load %arg14[%swap3A_79, %swap3A_80, %swap3A_81] {strides = array<i32>} : memref<128x5x16xf32, #tpu.memory_space<vmem>>, vector<1x1x16xf32>,
      %swap3A_83 = vector.shape_cast %swap3A_82 : vector<1x1x16xf32> to vector<16xf32>
      %swap3A_84 = vector.shape_cast %broadcast_in_dim3A_1 : vector<16xf32> to vector<1x1x16xf32>
      tpu.vector_store %arg14[%swap3A_79, %swap3A_80, %swap3A_81], %swap3A_84 {strides = array<i32>} : memref<128x5x16xf32, #tpu.memory_space<vmem>>, vector<1x1x16xf32>,
      %swap3A_85 = arith.constant 3 : i32
      %swap3A_86 = arith.index_cast %scan3A_64 : i32 to index
      %swap3A_87 = arith.index_cast %swap3A_85 : i32 to index
      %swap3A_88 = arith.constant 0 : index
      %swap3A_89 = tpu.vector_load %arg14[%swap3A_86, %swap3A_87, %swap3A_88] {strides = array<i32>} : memref<128x5x16xf32, #tpu.memory_space<vmem>>, vector<1x1x16xf32>,
      %swap3A_90 = vector.shape_cast %swap3A_89 : vector<1x1x16xf32> to vector<16xf32>
      %swap3A_91 = vector.shape_cast %broadcast_in_dim3A_1 : vector<16xf32> to vector<1x1x16xf32>
      tpu.vector_store %arg14[%swap3A_86, %swap3A_87, %swap3A_88], %swap3A_91 {strides = array<i32>} : memref<128x5x16xf32, #tpu.memory_space<vmem>>, vector<1x1x16xf32>,
      %swap3A_92 = arith.constant 4 : i32
      %swap3A_93 = arith.index_cast %scan3A_64 : i32 to index
      %swap3A_94 = arith.index_cast %swap3A_92 : i32 to index
      %swap3A_95 = arith.constant 0 : index
      %swap3A_96 = tpu.vector_load %arg14[%swap3A_93, %swap3A_94, %swap3A_95] {strides = array<i32>} : memref<128x5x16xf32, #tpu.memory_space<vmem>>, vector<1x1x16xf32>,
      %swap3A_97 = vector.shape_cast %swap3A_96 : vector<1x1x16xf32> to vector<16xf32>
      %swap3A_98 = vector.shape_cast %broadcast_in_dim3A_1 : vector<16xf32> to vector<1x1x16xf32>
      tpu.vector_store %arg14[%swap3A_93, %swap3A_94, %swap3A_95], %swap3A_98 {strides = array<i32>} : memref<128x5x16xf32, #tpu.memory_space<vmem>>, vector<1x1x16xf32>,
    }
    %scan3A_6 = arith.constant 128 : i32
    %add3A = arith.constant 0 : i32
    %add3A_7 = arith.addi %mul3A_0, %add3A : i32
    "tpu.region"() ({
      %run_scoped3A = tpu.sem_alloc : memref<!tpu.dma_semaphore, #tpu.memory_space<semaphore_mem>>
      %dma_start3A_64 = arith.constant 0 : i32
      %dma_start3A_65 = arith.constant 0 : i32
      %dma_start3A_66 = tpu.memref_slice %arg16[%add3A_7, %dma_start3A_64, %dma_start3A_65] : memref<10016x5x16xf32, #tpu.memory_space<vmem_shared>> -> memref<128x5x16xf32, #tpu.memory_space<vmem_shared>>
      %dma_start3A_67 = arith.constant 0 : i32
      %dma_start3A_68 = arith.constant 0 : i32
      %dma_start3A_69 = tpu.memref_slice %arg16[%add3A_7, %dma_start3A_67, %dma_start3A_68] : memref<10016x5x16xf32, #tpu.memory_space<vmem_shared>> -> memref<128x5x16xf32, #tpu.memory_space<vmem_shared>>
      tpu.enqueue_dma source(%arg14 : memref<128x5x16xf32, #tpu.memory_space<vmem>>) target(%dma_start3A_69 : memref<128x5x16xf32, #tpu.memory_space<vmem_shared>>) target_semaphore(%run_scoped3A : memref<!tpu.dma_semaphore, #tpu.memory_space<semaphore_mem>>)
      %dma_wait3A_70 = arith.constant 0 : i32
      %dma_wait3A_71 = arith.constant 0 : i32
      %dma_wait3A_72 = tpu.memref_slice %arg16[%add3A_7, %dma_wait3A_70, %dma_wait3A_71] : memref<10016x5x16xf32, #tpu.memory_space<vmem_shared>> -> memref<128x5x16xf32, #tpu.memory_space<vmem_shared>>
      %dma_wait3A_73 = arith.constant 0 : i32
      %dma_wait3A_74 = arith.constant 0 : i32
      %dma_wait3A_75 = tpu.memref_slice %arg16[%add3A_7, %dma_wait3A_73, %dma_wait3A_74] : memref<10016x5x16xf32, #tpu.memory_space<vmem_shared>> -> memref<128x5x16xf32, #tpu.memory_space<vmem_shared>>
      tpu.wait_dma2 semaphore(%run_scoped3A : memref<!tpu.dma_semaphore, #tpu.memory_space<semaphore_mem>>) src(%arg14 : memref<128x5x16xf32, #tpu.memory_space<vmem>>) dst(%dma_wait3A_75 : memref<128x5x16xf32, #tpu.memory_space<vmem_shared>>)
      tpu.yield
    }) : () -> ()
    %add3A_8 = arith.constant 128 : i32
    %add3A_9 = arith.addi %mul3A_0, %add3A_8 : i32
    "tpu.region"() ({
      %run_scoped3A = tpu.sem_alloc : memref<!tpu.dma_semaphore, #tpu.memory_space<semaphore_mem>>
      %dma_start3A_64 = arith.constant 0 : i32
      %dma_start3A_65 = arith.constant 0 : i32
      %dma_start3A_66 = tpu.memref_slice %arg16[%add3A_9, %dma_start3A_64, %dma_start3A_65] : memref<10016x5x16xf32, #tpu.memory_space<vmem_shared>> -> memref<128x5x16xf32, #tpu.memory_space<vmem_shared>>
      %dma_start3A_67 = arith.constant 0 : i32
      %dma_start3A_68 = arith.constant 0 : i32
      %dma_start3A_69 = tpu.memref_slice %arg16[%add3A_9, %dma_start3A_67, %dma_start3A_68] : memref<10016x5x16xf32, #tpu.memory_space<vmem_shared>> -> memref<128x5x16xf32, #tpu.memory_space<vmem_shared>>
      tpu.enqueue_dma source(%arg14 : memref<128x5x16xf32, #tpu.memory_space<vmem>>) target(%dma_start3A_69 : memref<128x5x16xf32, #tpu.memory_space<vmem_shared>>) target_semaphore(%run_scoped3A : memref<!tpu.dma_semaphore, #tpu.memory_space<semaphore_mem>>)
      %dma_wait3A_70 = arith.constant 0 : i32
      %dma_wait3A_71 = arith.constant 0 : i32
      %dma_wait3A_72 = tpu.memref_slice %arg16[%add3A_9, %dma_wait3A_70, %dma_wait3A_71] : memref<10016x5x16xf32, #tpu.memory_space<vmem_shared>> -> memref<128x5x16xf32, #tpu.memory_space<vmem_shared>>
      %dma_wait3A_73 = arith.constant 0 : i32
      %dma_wait3A_74 = arith.constant 0 : i32
      %dma_wait3A_75 = tpu.memref_slice %arg16[%add3A_9, %dma_wait3A_73, %dma_wait3A_74] : memref<10016x5x16xf32, #tpu.memory_space<vmem_shared>> -> memref<128x5x16xf32, #tpu.memory_space<vmem_shared>>
      tpu.wait_dma2 semaphore(%run_scoped3A : memref<!tpu.dma_semaphore, #tpu.memory_space<semaphore_mem>>) src(%arg14 : memref<128x5x16xf32, #tpu.memory_space<vmem>>) dst(%dma_wait3A_75 : memref<128x5x16xf32, #tpu.memory_space<vmem_shared>>)
      tpu.yield
    }) : () -> ()
    %add3A_10 = arith.constant 256 : i32
    %add3A_11 = arith.addi %mul3A_0, %add3A_10 : i32
    "tpu.region"() ({
      %run_scoped3A = tpu.sem_alloc : memref<!tpu.dma_semaphore, #tpu.memory_space<semaphore_mem>>
      %dma_start3A_64 = arith.constant 0 : i32
      %dma_start3A_65 = arith.constant 0 : i32
      %dma_start3A_66 = tpu.memref_slice %arg16[%add3A_11, %dma_start3A_64, %dma_start3A_65] : memref<10016x5x16xf32, #tpu.memory_space<vmem_shared>> -> memref<128x5x16xf32, #tpu.memory_space<vmem_shared>>
      %dma_start3A_67 = arith.constant 0 : i32
      %dma_start3A_68 = arith.constant 0 : i32
      %dma_start3A_69 = tpu.memref_slice %arg16[%add3A_11, %dma_start3A_67, %dma_start3A_68] : memref<10016x5x16xf32, #tpu.memory_space<vmem_shared>> -> memref<128x5x16xf32, #tpu.memory_space<vmem_shared>>
      tpu.enqueue_dma source(%arg14 : memref<128x5x16xf32, #tpu.memory_space<vmem>>) target(%dma_start3A_69 : memref<128x5x16xf32, #tpu.memory_space<vmem_shared>>) target_semaphore(%run_scoped3A : memref<!tpu.dma_semaphore, #tpu.memory_space<semaphore_mem>>)
      %dma_wait3A_70 = arith.constant 0 : i32
      %dma_wait3A_71 = arith.constant 0 : i32
      %dma_wait3A_72 = tpu.memref_slice %arg16[%add3A_11, %dma_wait3A_70, %dma_wait3A_71] : memref<10016x5x16xf32, #tpu.memory_space<vmem_shared>> -> memref<128x5x16xf32, #tpu.memory_space<vmem_shared>>
      %dma_wait3A_73 = arith.constant 0 : i32
      %dma_wait3A_74 = arith.constant 0 : i32
      %dma_wait3A_75 = tpu.memref_slice %arg16[%add3A_11, %dma_wait3A_73, %dma_wait3A_74] : memref<10016x5x16xf32, #tpu.memory_space<vmem_shared>> -> memref<128x5x16xf32, #tpu.memory_space<vmem_shared>>
      tpu.wait_dma2 semaphore(%run_scoped3A : memref<!tpu.dma_semaphore, #tpu.memory_space<semaphore_mem>>) src(%arg14 : memref<128x5x16xf32, #tpu.memory_space<vmem>>) dst(%dma_wait3A_75 : memref<128x5x16xf32, #tpu.memory_space<vmem_shared>>)
      tpu.yield
    }) : () -> ()
    %add3A_12 = arith.constant 384 : i32
    %add3A_13 = arith.addi %mul3A_0, %add3A_12 : i32
    "tpu.region"() ({
      %run_scoped3A = tpu.sem_alloc : memref<!tpu.dma_semaphore, #tpu.memory_space<semaphore_mem>>
      %dma_start3A_64 = arith.constant 0 : i32
      %dma_start3A_65 = arith.constant 0 : i32
      %dma_start3A_66 = tpu.memref_slice %arg16[%add3A_13, %dma_start3A_64, %dma_start3A_65] : memref<10016x5x16xf32, #tpu.memory_space<vmem_shared>> -> memref<128x5x16xf32, #tpu.memory_space<vmem_shared>>
      %dma_start3A_67 = arith.constant 0 : i32
      %dma_start3A_68 = arith.constant 0 : i32
      %dma_start3A_69 = tpu.memref_slice %arg16[%add3A_13, %dma_start3A_67, %dma_start3A_68] : memref<10016x5x16xf32, #tpu.memory_space<vmem_shared>> -> memref<128x5x16xf32, #tpu.memory_space<vmem_shared>>
      tpu.enqueue_dma source(%arg14 : memref<128x5x16xf32, #tpu.memory_space<vmem>>) target(%dma_start3A_69 : memref<128x5x16xf32, #tpu.memory_space<vmem_shared>>) target_semaphore(%run_scoped3A : memref<!tpu.dma_semaphore, #tpu.memory_space<semaphore_mem>>)
      %dma_wait3A_70 = arith.constant 0 : i32
      %dma_wait3A_71 = arith.constant 0 : i32
      %dma_wait3A_72 = tpu.memref_slice %arg16[%add3A_13, %dma_wait3A_70, %dma_wait3A_71] : memref<10016x5x16xf32, #tpu.memory_space<vmem_shared>> -> memref<128x5x16xf32, #tpu.memory_space<vmem_shared>>
      %dma_wait3A_73 = arith.constant 0 : i32
      %dma_wait3A_74 = arith.constant 0 : i32
      %dma_wait3A_75 = tpu.memref_slice %arg16[%add3A_13, %dma_wait3A_73, %dma_wait3A_74] : memref<10016x5x16xf32, #tpu.memory_space<vmem_shared>> -> memref<128x5x16xf32, #tpu.memory_space<vmem_shared>>
      tpu.wait_dma2 semaphore(%run_scoped3A : memref<!tpu.dma_semaphore, #tpu.memory_space<semaphore_mem>>) src(%arg14 : memref<128x5x16xf32, #tpu.memory_space<vmem>>) dst(%dma_wait3A_75 : memref<128x5x16xf32, #tpu.memory_space<vmem_shared>>)
      tpu.yield
    }) : () -> ()
    %add3A_14 = arith.constant 512 : i32
    %add3A_15 = arith.addi %mul3A_0, %add3A_14 : i32
    "tpu.region"() ({
      %run_scoped3A = tpu.sem_alloc : memref<!tpu.dma_semaphore, #tpu.memory_space<semaphore_mem>>
      %dma_start3A_64 = arith.constant 0 : i32
      %dma_start3A_65 = arith.constant 0 : i32
      %dma_start3A_66 = arith.constant 0 : i32
      %dma_start3A_67 = tpu.memref_slice %arg14[%dma_start3A_64, %dma_start3A_65, %dma_start3A_66] : memref<128x5x16xf32, #tpu.memory_space<vmem>> -> memref<114x5x16xf32, #tpu.memory_space<vmem>>
      %dma_start3A_68 = arith.constant 0 : i32
      %dma_start3A_69 = arith.constant 0 : i32
      %dma_start3A_70 = tpu.memref_slice %arg16[%add3A_15, %dma_start3A_68, %dma_start3A_69] : memref<10016x5x16xf32, #tpu.memory_space<vmem_shared>> -> memref<114x5x16xf32, #tpu.memory_space<vmem_shared>>
      %dma_start3A_71 = arith.constant 0 : i32
      %dma_start3A_72 = arith.constant 0 : i32
      %dma_start3A_73 = tpu.memref_slice %arg16[%add3A_15, %dma_start3A_71, %dma_start3A_72] : memref<10016x5x16xf32, #tpu.memory_space<vmem_shared>> -> memref<114x5x16xf32, #tpu.memory_space<vmem_shared>>
      %dma_start3A_74 = arith.constant 0 : i32
      %dma_start3A_75 = arith.constant 0 : i32
      %dma_start3A_76 = arith.constant 0 : i32
      %dma_start3A_77 = tpu.memref_slice %arg14[%dma_start3A_74, %dma_start3A_75, %dma_start3A_76] : memref<128x5x16xf32, #tpu.memory_space<vmem>> -> memref<114x5x16xf32, #tpu.memory_space<vmem>>
      tpu.enqueue_dma source(%dma_start3A_77 : memref<114x5x16xf32, #tpu.memory_space<vmem>>) target(%dma_start3A_73 : memref<114x5x16xf32, #tpu.memory_space<vmem_shared>>) target_semaphore(%run_scoped3A : memref<!tpu.dma_semaphore, #tpu.memory_space<semaphore_mem>>)
      %dma_wait3A_78 = arith.constant 0 : i32
      %dma_wait3A_79 = arith.constant 0 : i32
      %dma_wait3A_80 = arith.constant 0 : i32
      %dma_wait3A_81 = tpu.memref_slice %arg14[%dma_wait3A_78, %dma_wait3A_79, %dma_wait3A_80] : memref<128x5x16xf32, #tpu.memory_space<vmem>> -> memref<114x5x16xf32, #tpu.memory_space<vmem>>
      %dma_wait3A_82 = arith.constant 0 : i32
      %dma_wait3A_83 = arith.constant 0 : i32
      %dma_wait3A_84 = tpu.memref_slice %arg16[%add3A_15, %dma_wait3A_82, %dma_wait3A_83] : memref<10016x5x16xf32, #tpu.memory_space<vmem_shared>> -> memref<114x5x16xf32, #tpu.memory_space<vmem_shared>>
      %dma_wait3A_85 = arith.constant 0 : i32
      %dma_wait3A_86 = arith.constant 0 : i32
      %dma_wait3A_87 = tpu.memref_slice %arg16[%add3A_15, %dma_wait3A_85, %dma_wait3A_86] : memref<10016x5x16xf32, #tpu.memory_space<vmem_shared>> -> memref<114x5x16xf32, #tpu.memory_space<vmem_shared>>
      %dma_wait3A_88 = arith.constant 0 : i32
      %dma_wait3A_89 = arith.constant 0 : i32
      %dma_wait3A_90 = arith.constant 0 : i32
      %dma_wait3A_91 = tpu.memref_slice %arg14[%dma_wait3A_88, %dma_wait3A_89, %dma_wait3A_90] : memref<128x5x16xf32, #tpu.memory_space<vmem>> -> memref<114x5x16xf32, #tpu.memory_space<vmem>>
      tpu.wait_dma2 semaphore(%run_scoped3A : memref<!tpu.dma_semaphore, #tpu.memory_space<semaphore_mem>>) src(%dma_wait3A_91 : memref<114x5x16xf32, #tpu.memory_space<vmem>>) dst(%dma_wait3A_87 : memref<114x5x16xf32, #tpu.memory_space<vmem_shared>>)
      tpu.yield
    }) : () -> ()
    %barrier3A = arith.constant 0 : index
    tpu.barrier barrier_id(%barrier3A)
    %iota3A = tpu.iota {dimensions = array<i32: 0>} : vector<16xi32>
    %lt3A = arith.constant 4 : i32
    %lt3A_16 = vector.broadcast %lt3A : i32 to vector<16xi32>
    %lt3A_17 = arith.cmpi slt, %iota3A, %lt3A_16 : vector<16xi32>
    %jit3A = arith.constant 1.000000e+00 : f32
    %jit3A_18 = arith.constant 0.000000e+00 : f32
    %broadcast_in_dim3A_19 = vector.broadcast %jit3A : f32 to vector<16xf32>
    %broadcast_in_dim3A_20 = vector.broadcast %jit3A_18 : f32 to vector<16xf32>
    %select_n3A = arith.select %lt3A_17, %broadcast_in_dim3A_19, %broadcast_in_dim3A_20 : vector<16xi1>, vector<16xf32>
    %mul3A_21 = arith.constant 1312 : i32
    %mul3A_22 = arith.muli %arg0, %mul3A_21 : i32
    %add3A_23 = arith.addi %mul3A_22, %arg1 : i32
    %mul3A_24 = arith.constant 256 : i32
    %mul3A_25 = arith.muli %add3A_23, %mul3A_24 : i32
    %add3A_26 = arith.constant 0 : i32
    %add3A_27 = arith.addi %mul3A_25, %add3A_26 : i32
    "tpu.region"() ({
      %run_scoped3A = tpu.sem_alloc : memref<!tpu.dma_semaphore, #tpu.memory_space<semaphore_mem>>
      %dma_start3A_64 = tpu.memref_slice %arg4[%add3A_27] : memref<671744xi32, #tpu.memory_space<hbm>> -> memref<256xi32, #tpu.memory_space<hbm>>
      %dma_start3A_65 = tpu.memref_slice %arg4[%add3A_27] : memref<671744xi32, #tpu.memory_space<hbm>> -> memref<256xi32, #tpu.memory_space<hbm>>
      tpu.enqueue_dma source(%dma_start3A_65 : memref<256xi32, #tpu.memory_space<hbm>>) target(%arg6 : memref<256xi32, #tpu.memory_space<vmem>>) target_semaphore(%run_scoped3A : memref<!tpu.dma_semaphore, #tpu.memory_space<semaphore_mem>>)
      %dma_wait3A_66 = tpu.memref_slice %arg4[%add3A_27] : memref<671744xi32, #tpu.memory_space<hbm>> -> memref<256xi32, #tpu.memory_space<hbm>>
      %dma_wait3A_67 = tpu.memref_slice %arg4[%add3A_27] : memref<671744xi32, #tpu.memory_space<hbm>> -> memref<256xi32, #tpu.memory_space<hbm>>
      tpu.wait_dma2 semaphore(%run_scoped3A : memref<!tpu.dma_semaphore, #tpu.memory_space<semaphore_mem>>) src(%dma_wait3A_67 : memref<256xi32, #tpu.memory_space<hbm>>) dst(%arg6 : memref<256xi32, #tpu.memory_space<vmem>>)
      tpu.yield
    }) : () -> ()
    %dma_start3A = arith.constant 0 : i32
    %dma_start3A_28 = tpu.memref_slice %arg6[%dma_start3A] : memref<256xi32, #tpu.memory_space<vmem>> -> memref<128xi32, #tpu.memory_space<vmem>>
    %dma_start3A_29 = arith.constant 0 : i32
    %dma_start3A_30 = arith.constant 0 : i32
    %dma_start3A_31 = arith.constant 0 : i32
    %dma_start3A_32 = tpu.memref_slice %arg2[%dma_start3A_29, %dma_start3A_30, %dma_start3A_31] : memref<10000x5x16xf32, #tpu.memory_space<hbm>> -> memref<10000x5x16xf32, #tpu.memory_space<hbm>>
    tpu.enqueue_indirect_dma source(%dma_start3A_32 : memref<10000x5x16xf32, #tpu.memory_space<hbm>>) target(%arg10 : memref<128x5x16xf32, #tpu.memory_space<vmem>>) offsets(%dma_start3A_28 : memref<128xi32, #tpu.memory_space<vmem>>) semaphore(%arg17 : memref<!tpu.dma_semaphore, #tpu.memory_space<semaphore_mem>>)
    %dma_start3A_33 = arith.constant 128 : i32
    %dma_start3A_34 = tpu.memref_slice %arg6[%dma_start3A_33] : memref<256xi32, #tpu.memory_space<vmem>> -> memref<128xi32, #tpu.memory_space<vmem>>
    %dma_start3A_35 = arith.constant 0 : i32
    %dma_start3A_36 = arith.constant 0 : i32
    %dma_start3A_37 = arith.constant 0 : i32
    %dma_start3A_38 = tpu.memref_slice %arg3[%dma_start3A_35, %dma_start3A_36, %dma_start3A_37] : memref<10016x2x16xf32, #tpu.memory_space<hbm>> -> memref<10016x2x16xf32, #tpu.memory_space<hbm>>
    tpu.enqueue_indirect_dma source(%dma_start3A_38 : memref<10016x2x16xf32, #tpu.memory_space<hbm>>) target(%arg12 : memref<128x2x16xf32, #tpu.memory_space<vmem>>) offsets(%dma_start3A_34 : memref<128xi32, #tpu.memory_space<vmem>>) semaphore(%arg17 : memref<!tpu.dma_semaphore, #tpu.memory_space<semaphore_mem>>)
    %scan3A_39 = arith.constant 0 : i32
    %scan3A_40 = arith.constant 0 : i32
    %scan3A_41 = arith.constant 41 : i32
    %scan3A_42 = arith.addi %scan3A_40, %scan3A_41 : i32
    %scan3A_43 = arith.constant 1 : i32
    scf.for %scan3A_64 = %scan3A_40 to %scan3A_42 step %scan3A_43  : i32 {
      %mul3A_65 = arith.constant 2 : i32
      %mul3A_66 = arith.muli %mul3A_65, %scan3A_64 : i32
      %add3A_67 = arith.constant 0 : i32
      %add3A_68 = arith.addi %mul3A_66, %add3A_67 : i32
      %ge3A = arith.constant 1 : i32
      %ge3A_69 = arith.cmpi sge, %scan3A_64, %ge3A : i32
      %convert_element_type3A = arith.extui %ge3A_69 : i1 to i32
      %cond3A = arith.constant 0 : i32
      %cond3A_70 = arith.cmpi ne, %convert_element_type3A, %cond3A : i32
      scf.if %cond3A_70 {
        %dma_wait3A_164 = arith.constant 0 : i32
        %dma_wait3A_165 = arith.constant 0 : i32
        %dma_wait3A_166 = arith.constant 0 : i32
        %dma_wait3A_167 = tpu.memref_slice %arg16[%dma_wait3A_164, %dma_wait3A_165, %dma_wait3A_166] : memref<10016x5x16xf32, #tpu.memory_space<vmem_shared>> -> memref<128x5x16xf32, #tpu.memory_space<vmem_shared>>
        %dma_wait3A_168 = arith.constant 0 : i32
        %dma_wait3A_169 = arith.constant 0 : i32
        %dma_wait3A_170 = arith.constant 0 : i32
        %dma_wait3A_171 = tpu.memref_slice %arg16[%dma_wait3A_168, %dma_wait3A_169, %dma_wait3A_170] : memref<10016x5x16xf32, #tpu.memory_space<vmem_shared>> -> memref<128x5x16xf32, #tpu.memory_space<vmem_shared>>
        tpu.wait_dma2 semaphore(%arg19 : memref<!tpu.dma_semaphore, #tpu.memory_space<semaphore_mem>>) src(%arg14 : memref<128x5x16xf32, #tpu.memory_space<vmem>>) dst(%dma_wait3A_171 : memref<128x5x16xf32, #tpu.memory_space<vmem_shared>>)
      } else {
      }
      %add3A_71 = arith.constant 1 : i32
      %add3A_72 = arith.addi %add3A_68, %add3A_71 : i32
      %mul3A_73 = arith.constant 4096 : i32
      %mul3A_74 = arith.muli %add3A_72, %mul3A_73 : i32
      %add3A_75 = arith.addi %mul3A_25, %mul3A_74 : i32
      "tpu.region"() ({
        %run_scoped3A = tpu.sem_alloc : memref<!tpu.dma_semaphore, #tpu.memory_space<semaphore_mem>>
        %dma_start3A_164 = tpu.memref_slice %arg4[%add3A_75] : memref<671744xi32, #tpu.memory_space<hbm>> -> memref<256xi32, #tpu.memory_space<hbm>>
        %dma_start3A_165 = tpu.memref_slice %arg4[%add3A_75] : memref<671744xi32, #tpu.memory_space<hbm>> -> memref<256xi32, #tpu.memory_space<hbm>>
        tpu.enqueue_dma source(%dma_start3A_165 : memref<256xi32, #tpu.memory_space<hbm>>) target(%arg7 : memref<256xi32, #tpu.memory_space<vmem>>) target_semaphore(%run_scoped3A : memref<!tpu.dma_semaphore, #tpu.memory_space<semaphore_mem>>)
        %dma_wait3A_166 = tpu.memref_slice %arg4[%add3A_75] : memref<671744xi32, #tpu.memory_space<hbm>> -> memref<256xi32, #tpu.memory_space<hbm>>
        %dma_wait3A_167 = tpu.memref_slice %arg4[%add3A_75] : memref<671744xi32, #tpu.memory_space<hbm>> -> memref<256xi32, #tpu.memory_space<hbm>>
        tpu.wait_dma2 semaphore(%run_scoped3A : memref<!tpu.dma_semaphore, #tpu.memory_space<semaphore_mem>>) src(%dma_wait3A_167 : memref<256xi32, #tpu.memory_space<hbm>>) dst(%arg7 : memref<256xi32, #tpu.memory_space<vmem>>)
        tpu.yield
      }) : () -> ()
      %dma_start3A_76 = arith.constant 0 : i32
      %dma_start3A_77 = tpu.memref_slice %arg7[%dma_start3A_76] : memref<256xi32, #tpu.memory_space<vmem>> -> memref<128xi32, #tpu.memory_space<vmem>>
      %dma_start3A_78 = arith.constant 0 : i32
      %dma_start3A_79 = arith.constant 0 : i32
      %dma_start3A_80 = arith.constant 0 : i32
      %dma_start3A_81 = tpu.memref_slice %arg2[%dma_start3A_78, %dma_start3A_79, %dma_start3A_80] : memref<10000x5x16xf32, #tpu.memory_space<hbm>> -> memref<10000x5x16xf32, #tpu.memory_space<hbm>>
      tpu.enqueue_indirect_dma source(%dma_start3A_81 : memref<10000x5x16xf32, #tpu.memory_space<hbm>>) target(%arg11 : memref<128x5x16xf32, #tpu.memory_space<vmem>>) offsets(%dma_start3A_77 : memref<128xi32, #tpu.memory_space<vmem>>) semaphore(%arg18 : memref<!tpu.dma_semaphore, #tpu.memory_space<semaphore_mem>>)
      %dma_start3A_82 = arith.constant 128 : i32
      %dma_start3A_83 = tpu.memref_slice %arg7[%dma_start3A_82] : memref<256xi32, #tpu.memory_space<vmem>> -> memref<128xi32, #tpu.memory_space<vmem>>
      %dma_start3A_84 = arith.constant 0 : i32
      %dma_start3A_85 = arith.constant 0 : i32
      %dma_start3A_86 = arith.constant 0 : i32
      %dma_start3A_87 = tpu.memref_slice %arg3[%dma_start3A_84, %dma_start3A_85, %dma_start3A_86] : memref<10016x2x16xf32, #tpu.memory_space<hbm>> -> memref<10016x2x16xf32, #tpu.memory_space<hbm>>
      tpu.enqueue_indirect_dma source(%dma_start3A_87 : memref<10016x2x16xf32, #tpu.memory_space<hbm>>) target(%arg13 : memref<128x2x16xf32, #tpu.memory_space<vmem>>) offsets(%dma_start3A_83 : memref<128xi32, #tpu.memory_space<vmem>>) semaphore(%arg18 : memref<!tpu.dma_semaphore, #tpu.memory_space<semaphore_mem>>)
      %dma_wait3A_88 = arith.constant 0 : i32
      %dma_wait3A_89 = arith.constant 0 : i32
      %dma_wait3A_90 = arith.constant 0 : i32
      %dma_wait3A_91 = tpu.memref_slice %arg2[%dma_wait3A_88, %dma_wait3A_89, %dma_wait3A_90] : memref<10000x5x16xf32, #tpu.memory_space<hbm>> -> memref<128x5x16xf32, #tpu.memory_space<hbm>>
      %dma_wait3A_92 = arith.constant 0 : i32
      %dma_wait3A_93 = arith.constant 0 : i32
      %dma_wait3A_94 = arith.constant 0 : i32
      %dma_wait3A_95 = tpu.memref_slice %arg2[%dma_wait3A_92, %dma_wait3A_93, %dma_wait3A_94] : memref<10000x5x16xf32, #tpu.memory_space<hbm>> -> memref<128x5x16xf32, #tpu.memory_space<hbm>>
      tpu.wait_dma2 semaphore(%arg17 : memref<!tpu.dma_semaphore, #tpu.memory_space<semaphore_mem>>) src(%dma_wait3A_95 : memref<128x5x16xf32, #tpu.memory_space<hbm>>) dst(%arg10 : memref<128x5x16xf32, #tpu.memory_space<vmem>>)
      %dma_wait3A_96 = arith.constant 0 : i32
      %dma_wait3A_97 = arith.constant 0 : i32
      %dma_wait3A_98 = arith.constant 0 : i32
      %dma_wait3A_99 = tpu.memref_slice %arg3[%dma_wait3A_96, %dma_wait3A_97, %dma_wait3A_98] : memref<10016x2x16xf32, #tpu.memory_space<hbm>> -> memref<128x2x16xf32, #tpu.memory_space<hbm>>
      %dma_wait3A_100 = arith.constant 0 : i32
      %dma_wait3A_101 = arith.constant 0 : i32
      %dma_wait3A_102 = arith.constant 0 : i32
      %dma_wait3A_103 = tpu.memref_slice %arg3[%dma_wait3A_100, %dma_wait3A_101, %dma_wait3A_102] : memref<10016x2x16xf32, #tpu.memory_space<hbm>> -> memref<128x2x16xf32, #tpu.memory_space<hbm>>
      tpu.wait_dma2 semaphore(%arg17 : memref<!tpu.dma_semaphore, #tpu.memory_space<semaphore_mem>>) src(%dma_wait3A_103 : memref<128x2x16xf32, #tpu.memory_space<hbm>>) dst(%arg12 : memref<128x2x16xf32, #tpu.memory_space<vmem>>)
      %scan3A_104 = arith.constant 0 : i32
      %scan3A_105 = arith.constant 0 : i32
      %scan3A_106 = arith.constant 128 : i32
      %scan3A_107 = arith.addi %scan3A_105, %scan3A_106 : i32
      %scan3A_108 = arith.constant 1 : i32
      scf.for %scan3A_164 = %scan3A_105 to %scan3A_107 step %scan3A_108  : i32 {
        %get3A = arith.constant 4 : i32
        %get3A_165 = arith.index_cast %scan3A_164 : i32 to index
        %get3A_166 = arith.index_cast %get3A : i32 to index
        %get3A_167 = arith.constant 0 : index
        %get3A_168 = tpu.vector_load %arg10[%get3A_165, %get3A_166, %get3A_167] {strides = array<i32>} : memref<128x5x16xf32, #tpu.memory_space<vmem>>, vector<1x1x16xf32>,
        %get3A_169 = vector.shape_cast %get3A_168 : vector<1x1x16xf32> to vector<16xf32>
        %get3A_170 = arith.constant 0 : i32
        %get3A_171 = arith.index_cast %scan3A_164 : i32 to index
        %get3A_172 = arith.index_cast %get3A_170 : i32 to index
        %get3A_173 = arith.constant 0 : index
        %get3A_174 = tpu.vector_load %arg12[%get3A_171, %get3A_172, %get3A_173] {strides = array<i32>} : memref<128x2x16xf32, #tpu.memory_space<vmem>>, vector<1x1x16xf32>,
        %get3A_175 = vector.shape_cast %get3A_174 : vector<1x1x16xf32> to vector<16xf32>
        %add3A_176 = arith.addf %get3A_169, %get3A_175 : vector<16xf32>
        %ge3A_177 = arith.constant 0.000000e+00 : f32
        %ge3A_178 = vector.broadcast %ge3A_177 : f32 to vector<16xf32>
        %ge3A_179 = arith.cmpf oge, %add3A_176, %ge3A_178 : vector<16xf32>
        %mul3A_180 = arith.constant 2.000000e-01 : f32
        %mul3A_181 = vector.broadcast %mul3A_180 : f32 to vector<16xf32>
        %mul3A_182 = arith.mulf %mul3A_181, %add3A_176 : vector<16xf32>
        %select_n3A_183 = arith.select %ge3A_179, %add3A_176, %mul3A_182 : vector<16xi1>, vector<16xf32>
        %get3A_184 = arith.constant 1 : i32
        %get3A_185 = arith.index_cast %scan3A_164 : i32 to index
        %get3A_186 = arith.index_cast %get3A_184 : i32 to index
        %get3A_187 = arith.constant 0 : index
        %get3A_188 = tpu.vector_load %arg12[%get3A_185, %get3A_186, %get3A_187] {strides = array<i32>} : memref<128x2x16xf32, #tpu.memory_space<vmem>>, vector<1x1x16xf32>,
        %get3A_189 = vector.shape_cast %get3A_188 : vector<1x1x16xf32> to vector<16xf32>
        %sub3A = arith.subf %select_n3A_183, %get3A_189 : vector<16xf32>
        %exp3A = math.exp %sub3A : vector<16xf32>
        %mul3A_190 = arith.mulf %exp3A, %select_n3A : vector<16xf32>
        %swap3A = arith.constant 4 : i32
        %swap3A_191 = arith.index_cast %scan3A_164 : i32 to index
        %swap3A_192 = arith.index_cast %swap3A : i32 to index
        %swap3A_193 = arith.constant 0 : index
        %swap3A_194 = tpu.vector_load %arg14[%swap3A_191, %swap3A_192, %swap3A_193] {strides = array<i32>} : memref<128x5x16xf32, #tpu.memory_space<vmem>>, vector<1x1x16xf32>,
        %swap3A_195 = vector.shape_cast %swap3A_194 : vector<1x1x16xf32> to vector<16xf32>
        %swap3A_196 = vector.shape_cast %mul3A_190 : vector<16xf32> to vector<1x1x16xf32>
        tpu.vector_store %arg14[%swap3A_191, %swap3A_192, %swap3A_193], %swap3A_196 {strides = array<i32>} : memref<128x5x16xf32, #tpu.memory_space<vmem>>, vector<1x1x16xf32>,
        %get3A_197 = arith.constant 0 : i32
        %get3A_198 = arith.index_cast %scan3A_164 : i32 to index
        %get3A_199 = arith.index_cast %get3A_197 : i32 to index
        %get3A_200 = arith.constant 0 : index
        %get3A_201 = tpu.vector_load %arg10[%get3A_198, %get3A_199, %get3A_200] {strides = array<i32>} : memref<128x5x16xf32, #tpu.memory_space<vmem>>, vector<1x1x16xf32>,
        %get3A_202 = vector.shape_cast %get3A_201 : vector<1x1x16xf32> to vector<16xf32>
        %slice3A = vector.extract_strided_slice %exp3A {offsets = [0], sizes = [1], strides = [1]} : vector<16xf32> to vector<1xf32>
        %squeeze3A = vector.extract %slice3A[0] : f32 from vector<1xf32>
        %mul3A_203 = vector.broadcast %squeeze3A : f32 to vector<16xf32>
        %mul3A_204 = arith.mulf %get3A_202, %mul3A_203 : vector<16xf32>
        %swap3A_205 = arith.constant 0 : i32
        %swap3A_206 = arith.index_cast %scan3A_164 : i32 to index
        %swap3A_207 = arith.index_cast %swap3A_205 : i32 to index
        %swap3A_208 = arith.constant 0 : index
        %swap3A_209 = tpu.vector_load %arg14[%swap3A_206, %swap3A_207, %swap3A_208] {strides = array<i32>} : memref<128x5x16xf32, #tpu.memory_space<vmem>>, vector<1x1x16xf32>,
        %swap3A_210 = vector.shape_cast %swap3A_209 : vector<1x1x16xf32> to vector<16xf32>
        %swap3A_211 = vector.shape_cast %mul3A_204 : vector<16xf32> to vector<1x1x16xf32>
        tpu.vector_store %arg14[%swap3A_206, %swap3A_207, %swap3A_208], %swap3A_211 {strides = array<i32>} : memref<128x5x16xf32, #tpu.memory_space<vmem>>, vector<1x1x16xf32>,
        %get3A_212 = arith.constant 1 : i32
        %get3A_213 = arith.index_cast %scan3A_164 : i32 to index
        %get3A_214 = arith.index_cast %get3A_212 : i32 to index
        %get3A_215 = arith.constant 0 : index
        %get3A_216 = tpu.vector_load %arg10[%get3A_213, %get3A_214, %get3A_215] {strides = array<i32>} : memref<128x5x16xf32, #tpu.memory_space<vmem>>, vector<1x1x16xf32>,
        %get3A_217 = vector.shape_cast %get3A_216 : vector<1x1x16xf32> to vector<16xf32>
        %slice3A_218 = vector.extract_strided_slice %exp3A {offsets = [1], sizes = [1], strides = [1]} : vector<16xf32> to vector<1xf32>
        %squeeze3A_219 = vector.extract %slice3A_218[0] : f32 from vector<1xf32>
        %mul3A_220 = vector.broadcast %squeeze3A_219 : f32 to vector<16xf32>
        %mul3A_221 = arith.mulf %get3A_217, %mul3A_220 : vector<16xf32>
        %swap3A_222 = arith.constant 1 : i32
        %swap3A_223 = arith.index_cast %scan3A_164 : i32 to index
        %swap3A_224 = arith.index_cast %swap3A_222 : i32 to index
        %swap3A_225 = arith.constant 0 : index
        %swap3A_226 = tpu.vector_load %arg14[%swap3A_223, %swap3A_224, %swap3A_225] {strides = array<i32>} : memref<128x5x16xf32, #tpu.memory_space<vmem>>, vector<1x1x16xf32>,
        %swap3A_227 = vector.shape_cast %swap3A_226 : vector<1x1x16xf32> to vector<16xf32>
        %swap3A_228 = vector.shape_cast %mul3A_221 : vector<16xf32> to vector<1x1x16xf32>
        tpu.vector_store %arg14[%swap3A_223, %swap3A_224, %swap3A_225], %swap3A_228 {strides = array<i32>} : memref<128x5x16xf32, #tpu.memory_space<vmem>>, vector<1x1x16xf32>,
        %get3A_229 = arith.constant 2 : i32
        %get3A_230 = arith.index_cast %scan3A_164 : i32 to index
        %get3A_231 = arith.index_cast %get3A_229 : i32 to index
        %get3A_232 = arith.constant 0 : index
        %get3A_233 = tpu.vector_load %arg10[%get3A_230, %get3A_231, %get3A_232] {strides = array<i32>} : memref<128x5x16xf32, #tpu.memory_space<vmem>>, vector<1x1x16xf32>,
        %get3A_234 = vector.shape_cast %get3A_233 : vector<1x1x16xf32> to vector<16xf32>
        %slice3A_235 = vector.extract_strided_slice %exp3A {offsets = [2], sizes = [1], strides = [1]} : vector<16xf32> to vector<1xf32>
        %squeeze3A_236 = vector.extract %slice3A_235[0] : f32 from vector<1xf32>
        %mul3A_237 = vector.broadcast %squeeze3A_236 : f32 to vector<16xf32>
        %mul3A_238 = arith.mulf %get3A_234, %mul3A_237 : vector<16xf32>
        %swap3A_239 = arith.constant 2 : i32
        %swap3A_240 = arith.index_cast %scan3A_164 : i32 to index
        %swap3A_241 = arith.index_cast %swap3A_239 : i32 to index
        %swap3A_242 = arith.constant 0 : index
        %swap3A_243 = tpu.vector_load %arg14[%swap3A_240, %swap3A_241, %swap3A_242] {strides = array<i32>} : memref<128x5x16xf32, #tpu.memory_space<vmem>>, vector<1x1x16xf32>,
        %swap3A_244 = vector.shape_cast %swap3A_243 : vector<1x1x16xf32> to vector<16xf32>
        %swap3A_245 = vector.shape_cast %mul3A_238 : vector<16xf32> to vector<1x1x16xf32>
        tpu.vector_store %arg14[%swap3A_240, %swap3A_241, %swap3A_242], %swap3A_245 {strides = array<i32>} : memref<128x5x16xf32, #tpu.memory_space<vmem>>, vector<1x1x16xf32>,
        %get3A_246 = arith.constant 3 : i32
        %get3A_247 = arith.index_cast %scan3A_164 : i32 to index
        %get3A_248 = arith.index_cast %get3A_246 : i32 to index
        %get3A_249 = arith.constant 0 : index
        %get3A_250 = tpu.vector_load %arg10[%get3A_247, %get3A_248, %get3A_249] {strides = array<i32>} : memref<128x5x16xf32, #tpu.memory_space<vmem>>, vector<1x1x16xf32>,
        %get3A_251 = vector.shape_cast %get3A_250 : vector<1x1x16xf32> to vector<16xf32>
        %slice3A_252 = vector.extract_strided_slice %exp3A {offsets = [3], sizes = [1], strides = [1]} : vector<16xf32> to vector<1xf32>
        %squeeze3A_253 = vector.extract %slice3A_252[0] : f32 from vector<1xf32>
        %mul3A_254 = vector.broadcast %squeeze3A_253 : f32 to vector<16xf32>
        %mul3A_255 = arith.mulf %get3A_251, %mul3A_254 : vector<16xf32>
        %swap3A_256 = arith.constant 3 : i32
        %swap3A_257 = arith.index_cast %scan3A_164 : i32 to index
        %swap3A_258 = arith.index_cast %swap3A_256 : i32 to index
        %swap3A_259 = arith.constant 0 : index
        %swap3A_260 = tpu.vector_load %arg14[%swap3A_257, %swap3A_258, %swap3A_259] {strides = array<i32>} : memref<128x5x16xf32, #tpu.memory_space<vmem>>, vector<1x1x16xf32>,
        %swap3A_261 = vector.shape_cast %swap3A_260 : vector<1x1x16xf32> to vector<16xf32>
        %swap3A_262 = vector.shape_cast %mul3A_255 : vector<16xf32> to vector<1x1x16xf32>
        tpu.vector_store %arg14[%swap3A_257, %swap3A_258, %swap3A_259], %swap3A_262 {strides = array<i32>} : memref<128x5x16xf32, #tpu.memory_space<vmem>>, vector<1x1x16xf32>,
      }
      %scan3A_109 = arith.constant 128 : i32
      %mul3A_110 = arith.constant 4096 : i32
      %mul3A_111 = arith.muli %add3A_68, %mul3A_110 : i32
      %add3A_112 = arith.addi %mul3A_25, %mul3A_111 : i32
      %add3A_113 = arith.constant 128 : i32
      %add3A_114 = arith.addi %add3A_112, %add3A_113 : i32
      "tpu.region"() ({
        %run_scoped3A = tpu.sem_alloc : memref<!tpu.dma_semaphore, #tpu.memory_space<semaphore_mem>>
        %dma_start3A_164 = tpu.memref_slice %arg4[%add3A_114] : memref<671744xi32, #tpu.memory_space<hbm>> -> memref<128xi32, #tpu.memory_space<hbm>>
        %dma_start3A_165 = tpu.memref_slice %arg4[%add3A_114] : memref<671744xi32, #tpu.memory_space<hbm>> -> memref<128xi32, #tpu.memory_space<hbm>>
        tpu.enqueue_dma source(%dma_start3A_165 : memref<128xi32, #tpu.memory_space<hbm>>) target(%arg8 : memref<128xi32, #tpu.memory_space<vmem>>) target_semaphore(%run_scoped3A : memref<!tpu.dma_semaphore, #tpu.memory_space<semaphore_mem>>)
        %dma_wait3A_166 = tpu.memref_slice %arg4[%add3A_114] : memref<671744xi32, #tpu.memory_space<hbm>> -> memref<128xi32, #tpu.memory_space<hbm>>
        %dma_wait3A_167 = tpu.memref_slice %arg4[%add3A_114] : memref<671744xi32, #tpu.memory_space<hbm>> -> memref<128xi32, #tpu.memory_space<hbm>>
        tpu.wait_dma2 semaphore(%run_scoped3A : memref<!tpu.dma_semaphore, #tpu.memory_space<semaphore_mem>>) src(%dma_wait3A_167 : memref<128xi32, #tpu.memory_space<hbm>>) dst(%arg8 : memref<128xi32, #tpu.memory_space<vmem>>)
        tpu.yield
      }) : () -> ()
      %dma_start3A_115 = arith.constant 0 : i32
      %dma_start3A_116 = arith.constant 0 : i32
      %dma_start3A_117 = arith.constant 0 : i32
      %dma_start3A_118 = tpu.memref_slice %arg16[%dma_start3A_115, %dma_start3A_116, %dma_start3A_117] : memref<10016x5x16xf32, #tpu.memory_space<vmem_shared>> -> memref<10016x5x16xf32, #tpu.memory_space<vmem_shared>>
      tpu.enqueue_indirect_dma source(%arg14 : memref<128x5x16xf32, #tpu.memory_space<vmem>>) target(%dma_start3A_118 : memref<10016x5x16xf32, #tpu.memory_space<vmem_shared>>) offsets(%arg8 : memref<128xi32, #tpu.memory_space<vmem>>) semaphore(%arg19 : memref<!tpu.dma_semaphore, #tpu.memory_space<semaphore_mem>>) {add = true}
      %mul3A_119 = arith.constant 2 : i32
      %mul3A_120 = arith.muli %mul3A_119, %scan3A_64 : i32
      %add3A_121 = arith.constant 1 : i32
      %add3A_122 = arith.addi %mul3A_120, %add3A_121 : i32
      %ge3A_123 = arith.constant 1 : i32
      %ge3A_124 = arith.cmpi sge, %scan3A_64, %ge3A_123 : i32
      %convert_element_type3A_125 = arith.extui %ge3A_124 : i1 to i32
      %cond3A_126 = arith.constant 0 : i32
      %cond3A_127 = arith.cmpi ne, %convert_element_type3A_125, %cond3A_126 : i32
      scf.if %cond3A_127 {
        %dma_wait3A_164 = arith.constant 0 : i32
        %dma_wait3A_165 = arith.constant 0 : i32
        %dma_wait3A_166 = arith.constant 0 : i32
        %dma_wait3A_167 = tpu.memref_slice %arg16[%dma_wait3A_164, %dma_wait3A_165, %dma_wait3A_166] : memref<10016x5x16xf32, #tpu.memory_space<vmem_shared>> -> memref<128x5x16xf32, #tpu.memory_space<vmem_shared>>
        %dma_wait3A_168 = arith.constant 0 : i32
        %dma_wait3A_169 = arith.constant 0 : i32
        %dma_wait3A_170 = arith.constant 0 : i32
        %dma_wait3A_171 = tpu.memref_slice %arg16[%dma_wait3A_168, %dma_wait3A_169, %dma_wait3A_170] : memref<10016x5x16xf32, #tpu.memory_space<vmem_shared>> -> memref<128x5x16xf32, #tpu.memory_space<vmem_shared>>
        tpu.wait_dma2 semaphore(%arg20 : memref<!tpu.dma_semaphore, #tpu.memory_space<semaphore_mem>>) src(%arg15 : memref<128x5x16xf32, #tpu.memory_space<vmem>>) dst(%dma_wait3A_171 : memref<128x5x16xf32, #tpu.memory_space<vmem_shared>>)
      } else {
      }
      %lt3A_128 = arith.constant 40 : i32
      %lt3A_129 = arith.cmpi slt, %scan3A_64, %lt3A_128 : i32
      %convert_element_type3A_130 = arith.extui %lt3A_129 : i1 to i32
      %cond3A_131 = arith.constant 0 : i32
      %cond3A_132 = arith.cmpi ne, %convert_element_type3A_130, %cond3A_131 : i32
      scf.if %cond3A_132 {
        %add3A_164 = arith.constant 1 : i32
        %add3A_165 = arith.addi %add3A_122, %add3A_164 : i32
        %mul3A_166 = arith.constant 4096 : i32
        %mul3A_167 = arith.muli %add3A_165, %mul3A_166 : i32
        %add3A_168 = arith.addi %mul3A_25, %mul3A_167 : i32
        "tpu.region"() ({
          %run_scoped3A = tpu.sem_alloc : memref<!tpu.dma_semaphore, #tpu.memory_space<semaphore_mem>>
          %dma_start3A_181 = tpu.memref_slice %arg4[%add3A_168] : memref<671744xi32, #tpu.memory_space<hbm>> -> memref<256xi32, #tpu.memory_space<hbm>>
          %dma_start3A_182 = tpu.memref_slice %arg4[%add3A_168] : memref<671744xi32, #tpu.memory_space<hbm>> -> memref<256xi32, #tpu.memory_space<hbm>>
          tpu.enqueue_dma source(%dma_start3A_182 : memref<256xi32, #tpu.memory_space<hbm>>) target(%arg6 : memref<256xi32, #tpu.memory_space<vmem>>) target_semaphore(%run_scoped3A : memref<!tpu.dma_semaphore, #tpu.memory_space<semaphore_mem>>)
          %dma_wait3A_183 = tpu.memref_slice %arg4[%add3A_168] : memref<671744xi32, #tpu.memory_space<hbm>> -> memref<256xi32, #tpu.memory_space<hbm>>
          %dma_wait3A_184 = tpu.memref_slice %arg4[%add3A_168] : memref<671744xi32, #tpu.memory_space<hbm>> -> memref<256xi32, #tpu.memory_space<hbm>>
          tpu.wait_dma2 semaphore(%run_scoped3A : memref<!tpu.dma_semaphore, #tpu.memory_space<semaphore_mem>>) src(%dma_wait3A_184 : memref<256xi32, #tpu.memory_space<hbm>>) dst(%arg6 : memref<256xi32, #tpu.memory_space<vmem>>)
          tpu.yield
        }) : () -> ()
        %dma_start3A_169 = arith.constant 0 : i32
        %dma_start3A_170 = tpu.memref_slice %arg6[%dma_start3A_169] : memref<256xi32, #tpu.memory_space<vmem>> -> memref<128xi32, #tpu.memory_space<vmem>>
        %dma_start3A_171 = arith.constant 0 : i32
        %dma_start3A_172 = arith.constant 0 : i32
        %dma_start3A_173 = arith.constant 0 : i32
        %dma_start3A_174 = tpu.memref_slice %arg2[%dma_start3A_171, %dma_start3A_172, %dma_start3A_173] : memref<10000x5x16xf32, #tpu.memory_space<hbm>> -> memref<10000x5x16xf32, #tpu.memory_space<hbm>>
        tpu.enqueue_indirect_dma source(%dma_start3A_174 : memref<10000x5x16xf32, #tpu.memory_space<hbm>>) target(%arg10 : memref<128x5x16xf32, #tpu.memory_space<vmem>>) offsets(%dma_start3A_170 : memref<128xi32, #tpu.memory_space<vmem>>) semaphore(%arg17 : memref<!tpu.dma_semaphore, #tpu.memory_space<semaphore_mem>>)
        %dma_start3A_175 = arith.constant 128 : i32
        %dma_start3A_176 = tpu.memref_slice %arg6[%dma_start3A_175] : memref<256xi32, #tpu.memory_space<vmem>> -> memref<128xi32, #tpu.memory_space<vmem>>
        %dma_start3A_177 = arith.constant 0 : i32
        %dma_start3A_178 = arith.constant 0 : i32
        %dma_start3A_179 = arith.constant 0 : i32
        %dma_start3A_180 = tpu.memref_slice %arg3[%dma_start3A_177, %dma_start3A_178, %dma_start3A_179] : memref<10016x2x16xf32, #tpu.memory_space<hbm>> -> memref<10016x2x16xf32, #tpu.memory_space<hbm>>
        tpu.enqueue_indirect_dma source(%dma_start3A_180 : memref<10016x2x16xf32, #tpu.memory_space<hbm>>) target(%arg12 : memref<128x2x16xf32, #tpu.memory_space<vmem>>) offsets(%dma_start3A_176 : memref<128xi32, #tpu.memory_space<vmem>>) semaphore(%arg17 : memref<!tpu.dma_semaphore, #tpu.memory_space<semaphore_mem>>)
      } else {
      }
      %dma_wait3A_133 = arith.constant 0 : i32
      %dma_wait3A_134 = arith.constant 0 : i32
      %dma_wait3A_135 = arith.constant 0 : i32
      %dma_wait3A_136 = tpu.memref_slice %arg2[%dma_wait3A_133, %dma_wait3A_134, %dma_wait3A_135] : memref<10000x5x16xf32, #tpu.memory_space<hbm>> -> memref<128x5x16xf32, #tpu.memory_space<hbm>>
      %dma_wait3A_137 = arith.constant 0 : i32
      %dma_wait3A_138 = arith.constant 0 : i32
      %dma_wait3A_139 = arith.constant 0 : i32
      %dma_wait3A_140 = tpu.memref_slice %arg2[%dma_wait3A_137, %dma_wait3A_138, %dma_wait3A_139] : memref<10000x5x16xf32, #tpu.memory_space<hbm>> -> memref<128x5x16xf32, #tpu.memory_space<hbm>>
      tpu.wait_dma2 semaphore(%arg18 : memref<!tpu.dma_semaphore, #tpu.memory_space<semaphore_mem>>) src(%dma_wait3A_140 : memref<128x5x16xf32, #tpu.memory_space<hbm>>) dst(%arg11 : memref<128x5x16xf32, #tpu.memory_space<vmem>>)
      %dma_wait3A_141 = arith.constant 0 : i32
      %dma_wait3A_142 = arith.constant 0 : i32
      %dma_wait3A_143 = arith.constant 0 : i32
      %dma_wait3A_144 = tpu.memref_slice %arg3[%dma_wait3A_141, %dma_wait3A_142, %dma_wait3A_143] : memref<10016x2x16xf32, #tpu.memory_space<hbm>> -> memref<128x2x16xf32, #tpu.memory_space<hbm>>
      %dma_wait3A_145 = arith.constant 0 : i32
      %dma_wait3A_146 = arith.constant 0 : i32
      %dma_wait3A_147 = arith.constant 0 : i32
      %dma_wait3A_148 = tpu.memref_slice %arg3[%dma_wait3A_145, %dma_wait3A_146, %dma_wait3A_147] : memref<10016x2x16xf32, #tpu.memory_space<hbm>> -> memref<128x2x16xf32, #tpu.memory_space<hbm>>
      tpu.wait_dma2 semaphore(%arg18 : memref<!tpu.dma_semaphore, #tpu.memory_space<semaphore_mem>>) src(%dma_wait3A_148 : memref<128x2x16xf32, #tpu.memory_space<hbm>>) dst(%arg13 : memref<128x2x16xf32, #tpu.memory_space<vmem>>)
      %scan3A_149 = arith.constant 0 : i32
      %scan3A_150 = arith.constant 0 : i32
      %scan3A_151 = arith.constant 128 : i32
      %scan3A_152 = arith.addi %scan3A_150, %scan3A_151 : i32
      %scan3A_153 = arith.constant 1 : i32
      scf.for %scan3A_164 = %scan3A_150 to %scan3A_152 step %scan3A_153  : i32 {
        %get3A = arith.constant 4 : i32
        %get3A_165 = arith.index_cast %scan3A_164 : i32 to index
        %get3A_166 = arith.index_cast %get3A : i32 to index
        %get3A_167 = arith.constant 0 : index
        %get3A_168 = tpu.vector_load %arg11[%get3A_165, %get3A_166, %get3A_167] {strides = array<i32>} : memref<128x5x16xf32, #tpu.memory_space<vmem>>, vector<1x1x16xf32>,
        %get3A_169 = vector.shape_cast %get3A_168 : vector<1x1x16xf32> to vector<16xf32>
        %get3A_170 = arith.constant 0 : i32
        %get3A_171 = arith.index_cast %scan3A_164 : i32 to index
        %get3A_172 = arith.index_cast %get3A_170 : i32 to index
        %get3A_173 = arith.constant 0 : index
        %get3A_174 = tpu.vector_load %arg13[%get3A_171, %get3A_172, %get3A_173] {strides = array<i32>} : memref<128x2x16xf32, #tpu.memory_space<vmem>>, vector<1x1x16xf32>,
        %get3A_175 = vector.shape_cast %get3A_174 : vector<1x1x16xf32> to vector<16xf32>
        %add3A_176 = arith.addf %get3A_169, %get3A_175 : vector<16xf32>
        %ge3A_177 = arith.constant 0.000000e+00 : f32
        %ge3A_178 = vector.broadcast %ge3A_177 : f32 to vector<16xf32>
        %ge3A_179 = arith.cmpf oge, %add3A_176, %ge3A_178 : vector<16xf32>
        %mul3A_180 = arith.constant 2.000000e-01 : f32
        %mul3A_181 = vector.broadcast %mul3A_180 : f32 to vector<16xf32>
        %mul3A_182 = arith.mulf %mul3A_181, %add3A_176 : vector<16xf32>
        %select_n3A_183 = arith.select %ge3A_179, %add3A_176, %mul3A_182 : vector<16xi1>, vector<16xf32>
        %get3A_184 = arith.constant 1 : i32
        %get3A_185 = arith.index_cast %scan3A_164 : i32 to index
        %get3A_186 = arith.index_cast %get3A_184 : i32 to index
        %get3A_187 = arith.constant 0 : index
        %get3A_188 = tpu.vector_load %arg13[%get3A_185, %get3A_186, %get3A_187] {strides = array<i32>} : memref<128x2x16xf32, #tpu.memory_space<vmem>>, vector<1x1x16xf32>,
        %get3A_189 = vector.shape_cast %get3A_188 : vector<1x1x16xf32> to vector<16xf32>
        %sub3A = arith.subf %select_n3A_183, %get3A_189 : vector<16xf32>
        %exp3A = math.exp %sub3A : vector<16xf32>
        %mul3A_190 = arith.mulf %exp3A, %select_n3A : vector<16xf32>
        %swap3A = arith.constant 4 : i32
        %swap3A_191 = arith.index_cast %scan3A_164 : i32 to index
        %swap3A_192 = arith.index_cast %swap3A : i32 to index
        %swap3A_193 = arith.constant 0 : index
        %swap3A_194 = tpu.vector_load %arg15[%swap3A_191, %swap3A_192, %swap3A_193] {strides = array<i32>} : memref<128x5x16xf32, #tpu.memory_space<vmem>>, vector<1x1x16xf32>,
        %swap3A_195 = vector.shape_cast %swap3A_194 : vector<1x1x16xf32> to vector<16xf32>
        %swap3A_196 = vector.shape_cast %mul3A_190 : vector<16xf32> to vector<1x1x16xf32>
        tpu.vector_store %arg15[%swap3A_191, %swap3A_192, %swap3A_193], %swap3A_196 {strides = array<i32>} : memref<128x5x16xf32, #tpu.memory_space<vmem>>, vector<1x1x16xf32>,
        %get3A_197 = arith.constant 0 : i32
        %get3A_198 = arith.index_cast %scan3A_164 : i32 to index
        %get3A_199 = arith.index_cast %get3A_197 : i32 to index
        %get3A_200 = arith.constant 0 : index
        %get3A_201 = tpu.vector_load %arg11[%get3A_198, %get3A_199, %get3A_200] {strides = array<i32>} : memref<128x5x16xf32, #tpu.memory_space<vmem>>, vector<1x1x16xf32>,
        %get3A_202 = vector.shape_cast %get3A_201 : vector<1x1x16xf32> to vector<16xf32>
        %slice3A = vector.extract_strided_slice %exp3A {offsets = [0], sizes = [1], strides = [1]} : vector<16xf32> to vector<1xf32>
        %squeeze3A = vector.extract %slice3A[0] : f32 from vector<1xf32>
        %mul3A_203 = vector.broadcast %squeeze3A : f32 to vector<16xf32>
        %mul3A_204 = arith.mulf %get3A_202, %mul3A_203 : vector<16xf32>
        %swap3A_205 = arith.constant 0 : i32
        %swap3A_206 = arith.index_cast %scan3A_164 : i32 to index
        %swap3A_207 = arith.index_cast %swap3A_205 : i32 to index
        %swap3A_208 = arith.constant 0 : index
        %swap3A_209 = tpu.vector_load %arg15[%swap3A_206, %swap3A_207, %swap3A_208] {strides = array<i32>} : memref<128x5x16xf32, #tpu.memory_space<vmem>>, vector<1x1x16xf32>,
        %swap3A_210 = vector.shape_cast %swap3A_209 : vector<1x1x16xf32> to vector<16xf32>
        %swap3A_211 = vector.shape_cast %mul3A_204 : vector<16xf32> to vector<1x1x16xf32>
        tpu.vector_store %arg15[%swap3A_206, %swap3A_207, %swap3A_208], %swap3A_211 {strides = array<i32>} : memref<128x5x16xf32, #tpu.memory_space<vmem>>, vector<1x1x16xf32>,
        %get3A_212 = arith.constant 1 : i32
        %get3A_213 = arith.index_cast %scan3A_164 : i32 to index
        %get3A_214 = arith.index_cast %get3A_212 : i32 to index
        %get3A_215 = arith.constant 0 : index
        %get3A_216 = tpu.vector_load %arg11[%get3A_213, %get3A_214, %get3A_215] {strides = array<i32>} : memref<128x5x16xf32, #tpu.memory_space<vmem>>, vector<1x1x16xf32>,
        %get3A_217 = vector.shape_cast %get3A_216 : vector<1x1x16xf32> to vector<16xf32>
        %slice3A_218 = vector.extract_strided_slice %exp3A {offsets = [1], sizes = [1], strides = [1]} : vector<16xf32> to vector<1xf32>
        %squeeze3A_219 = vector.extract %slice3A_218[0] : f32 from vector<1xf32>
        %mul3A_220 = vector.broadcast %squeeze3A_219 : f32 to vector<16xf32>
        %mul3A_221 = arith.mulf %get3A_217, %mul3A_220 : vector<16xf32>
        %swap3A_222 = arith.constant 1 : i32
        %swap3A_223 = arith.index_cast %scan3A_164 : i32 to index
        %swap3A_224 = arith.index_cast %swap3A_222 : i32 to index
        %swap3A_225 = arith.constant 0 : index
        %swap3A_226 = tpu.vector_load %arg15[%swap3A_223, %swap3A_224, %swap3A_225] {strides = array<i32>} : memref<128x5x16xf32, #tpu.memory_space<vmem>>, vector<1x1x16xf32>,
        %swap3A_227 = vector.shape_cast %swap3A_226 : vector<1x1x16xf32> to vector<16xf32>
        %swap3A_228 = vector.shape_cast %mul3A_221 : vector<16xf32> to vector<1x1x16xf32>
        tpu.vector_store %arg15[%swap3A_223, %swap3A_224, %swap3A_225], %swap3A_228 {strides = array<i32>} : memref<128x5x16xf32, #tpu.memory_space<vmem>>, vector<1x1x16xf32>,
        %get3A_229 = arith.constant 2 : i32
        %get3A_230 = arith.index_cast %scan3A_164 : i32 to index
        %get3A_231 = arith.index_cast %get3A_229 : i32 to index
        %get3A_232 = arith.constant 0 : index
        %get3A_233 = tpu.vector_load %arg11[%get3A_230, %get3A_231, %get3A_232] {strides = array<i32>} : memref<128x5x16xf32, #tpu.memory_space<vmem>>, vector<1x1x16xf32>,
        %get3A_234 = vector.shape_cast %get3A_233 : vector<1x1x16xf32> to vector<16xf32>
        %slice3A_235 = vector.extract_strided_slice %exp3A {offsets = [2], sizes = [1], strides = [1]} : vector<16xf32> to vector<1xf32>
        %squeeze3A_236 = vector.extract %slice3A_235[0] : f32 from vector<1xf32>
        %mul3A_237 = vector.broadcast %squeeze3A_236 : f32 to vector<16xf32>
        %mul3A_238 = arith.mulf %get3A_234, %mul3A_237 : vector<16xf32>
        %swap3A_239 = arith.constant 2 : i32
        %swap3A_240 = arith.index_cast %scan3A_164 : i32 to index
        %swap3A_241 = arith.index_cast %swap3A_239 : i32 to index
        %swap3A_242 = arith.constant 0 : index
        %swap3A_243 = tpu.vector_load %arg15[%swap3A_240, %swap3A_241, %swap3A_242] {strides = array<i32>} : memref<128x5x16xf32, #tpu.memory_space<vmem>>, vector<1x1x16xf32>,
        %swap3A_244 = vector.shape_cast %swap3A_243 : vector<1x1x16xf32> to vector<16xf32>
        %swap3A_245 = vector.shape_cast %mul3A_238 : vector<16xf32> to vector<1x1x16xf32>
        tpu.vector_store %arg15[%swap3A_240, %swap3A_241, %swap3A_242], %swap3A_245 {strides = array<i32>} : memref<128x5x16xf32, #tpu.memory_space<vmem>>, vector<1x1x16xf32>,
        %get3A_246 = arith.constant 3 : i32
        %get3A_247 = arith.index_cast %scan3A_164 : i32 to index
        %get3A_248 = arith.index_cast %get3A_246 : i32 to index
        %get3A_249 = arith.constant 0 : index
        %get3A_250 = tpu.vector_load %arg11[%get3A_247, %get3A_248, %get3A_249] {strides = array<i32>} : memref<128x5x16xf32, #tpu.memory_space<vmem>>, vector<1x1x16xf32>,
        %get3A_251 = vector.shape_cast %get3A_250 : vector<1x1x16xf32> to vector<16xf32>
        %slice3A_252 = vector.extract_strided_slice %exp3A {offsets = [3], sizes = [1], strides = [1]} : vector<16xf32> to vector<1xf32>
        %squeeze3A_253 = vector.extract %slice3A_252[0] : f32 from vector<1xf32>
        %mul3A_254 = vector.broadcast %squeeze3A_253 : f32 to vector<16xf32>
        %mul3A_255 = arith.mulf %get3A_251, %mul3A_254 : vector<16xf32>
        %swap3A_256 = arith.constant 3 : i32
        %swap3A_257 = arith.index_cast %scan3A_164 : i32 to index
        %swap3A_258 = arith.index_cast %swap3A_256 : i32 to index
        %swap3A_259 = arith.constant 0 : index
        %swap3A_260 = tpu.vector_load %arg15[%swap3A_257, %swap3A_258, %swap3A_259] {strides = array<i32>} : memref<128x5x16xf32, #tpu.memory_space<vmem>>, vector<1x1x16xf32>,
        %swap3A_261 = vector.shape_cast %swap3A_260 : vector<1x1x16xf32> to vector<16xf32>
        %swap3A_262 = vector.shape_cast %mul3A_255 : vector<16xf32> to vector<1x1x16xf32>
        tpu.vector_store %arg15[%swap3A_257, %swap3A_258, %swap3A_259], %swap3A_262 {strides = array<i32>} : memref<128x5x16xf32, #tpu.memory_space<vmem>>, vector<1x1x16xf32>,
      }
      %scan3A_154 = arith.constant 128 : i32
      %mul3A_155 = arith.constant 4096 : i32
      %mul3A_156 = arith.muli %add3A_122, %mul3A_155 : i32
      %add3A_157 = arith.addi %mul3A_25, %mul3A_156 : i32
      %add3A_158 = arith.constant 128 : i32
      %add3A_159 = arith.addi %add3A_157, %add3A_158 : i32
      "tpu.region"() ({
        %run_scoped3A = tpu.sem_alloc : memref<!tpu.dma_semaphore, #tpu.memory_space<semaphore_mem>>
        %dma_start3A_164 = tpu.memref_slice %arg4[%add3A_159] : memref<671744xi32, #tpu.memory_space<hbm>> -> memref<128xi32, #tpu.memory_space<hbm>>
        %dma_start3A_165 = tpu.memref_slice %arg4[%add3A_159] : memref<671744xi32, #tpu.memory_space<hbm>> -> memref<128xi32, #tpu.memory_space<hbm>>
        tpu.enqueue_dma source(%dma_start3A_165 : memref<128xi32, #tpu.memory_space<hbm>>) target(%arg9 : memref<128xi32, #tpu.memory_space<vmem>>) target_semaphore(%run_scoped3A : memref<!tpu.dma_semaphore, #tpu.memory_space<semaphore_mem>>)
        %dma_wait3A_166 = tpu.memref_slice %arg4[%add3A_159] : memref<671744xi32, #tpu.memory_space<hbm>> -> memref<128xi32, #tpu.memory_space<hbm>>
        %dma_wait3A_167 = tpu.memref_slice %arg4[%add3A_159] : memref<671744xi32, #tpu.memory_space<hbm>> -> memref<128xi32, #tpu.memory_space<hbm>>
        tpu.wait_dma2 semaphore(%run_scoped3A : memref<!tpu.dma_semaphore, #tpu.memory_space<semaphore_mem>>) src(%dma_wait3A_167 : memref<128xi32, #tpu.memory_space<hbm>>) dst(%arg9 : memref<128xi32, #tpu.memory_space<vmem>>)
        tpu.yield
      }) : () -> ()
      %dma_start3A_160 = arith.constant 0 : i32
      %dma_start3A_161 = arith.constant 0 : i32
      %dma_start3A_162 = arith.constant 0 : i32
      %dma_start3A_163 = tpu.memref_slice %arg16[%dma_start3A_160, %dma_start3A_161, %dma_start3A_162] : memref<10016x5x16xf32, #tpu.memory_space<vmem_shared>> -> memref<10016x5x16xf32, #tpu.memory_space<vmem_shared>>
      tpu.enqueue_indirect_dma source(%arg15 : memref<128x5x16xf32, #tpu.memory_space<vmem>>) target(%dma_start3A_163 : memref<10016x5x16xf32, #tpu.memory_space<vmem_shared>>) offsets(%arg9 : memref<128xi32, #tpu.memory_space<vmem>>) semaphore(%arg20 : memref<!tpu.dma_semaphore, #tpu.memory_space<semaphore_mem>>) {add = true}
    }
    %scan3A_44 = arith.constant 41 : i32
    %dma_wait3A = arith.constant 0 : i32
    %dma_wait3A_45 = arith.constant 0 : i32
    %dma_wait3A_46 = arith.constant 0 : i32
    %dma_wait3A_47 = tpu.memref_slice %arg16[%dma_wait3A, %dma_wait3A_45, %dma_wait3A_46] : memref<10016x5x16xf32, #tpu.memory_space<vmem_shared>> -> memref<128x5x16xf32, #tpu.memory_space<vmem_shared>>
    %dma_wait3A_48 = arith.constant 0 : i32
    %dma_wait3A_49 = arith.constant 0 : i32
    %dma_wait3A_50 = arith.constant 0 : i32
    %dma_wait3A_51 = tpu.memref_slice %arg16[%dma_wait3A_48, %dma_wait3A_49, %dma_wait3A_50] : memref<10016x5x16xf32, #tpu.memory_space<vmem_shared>> -> memref<128x5x16xf32, #tpu.memory_space<vmem_shared>>
    tpu.wait_dma2 semaphore(%arg19 : memref<!tpu.dma_semaphore, #tpu.memory_space<semaphore_mem>>) src(%arg14 : memref<128x5x16xf32, #tpu.memory_space<vmem>>) dst(%dma_wait3A_51 : memref<128x5x16xf32, #tpu.memory_space<vmem_shared>>)
    %dma_wait3A_52 = arith.constant 0 : i32
    %dma_wait3A_53 = arith.constant 0 : i32
    %dma_wait3A_54 = arith.constant 0 : i32
    %dma_wait3A_55 = tpu.memref_slice %arg16[%dma_wait3A_52, %dma_wait3A_53, %dma_wait3A_54] : memref<10016x5x16xf32, #tpu.memory_space<vmem_shared>> -> memref<128x5x16xf32, #tpu.memory_space<vmem_shared>>
    %dma_wait3A_56 = arith.constant 0 : i32
    %dma_wait3A_57 = arith.constant 0 : i32
    %dma_wait3A_58 = arith.constant 0 : i32
    %dma_wait3A_59 = tpu.memref_slice %arg16[%dma_wait3A_56, %dma_wait3A_57, %dma_wait3A_58] : memref<10016x5x16xf32, #tpu.memory_space<vmem_shared>> -> memref<128x5x16xf32, #tpu.memory_space<vmem_shared>>
    tpu.wait_dma2 semaphore(%arg20 : memref<!tpu.dma_semaphore, #tpu.memory_space<semaphore_mem>>) src(%arg15 : memref<128x5x16xf32, #tpu.memory_space<vmem>>) dst(%dma_wait3A_59 : memref<128x5x16xf32, #tpu.memory_space<vmem_shared>>)
    %barrier3A_60 = arith.constant 0 : index
    tpu.barrier barrier_id(%barrier3A_60)
    %mul3A_61 = arith.constant 10016 : i32
    %mul3A_62 = arith.muli %arg0, %mul3A_61 : i32
    %add3A_63 = arith.addi %mul3A_62, %mul3A_0 : i32
    "tpu.region"() ({
      %run_scoped3A = tpu.sem_alloc : memref<!tpu.dma_semaphore, #tpu.memory_space<semaphore_mem>>
      %dma_start3A_64 = arith.constant 0 : i32
      %dma_start3A_65 = arith.constant 0 : i32
      %dma_start3A_66 = tpu.memref_slice %arg5[%add3A_63, %dma_start3A_64, %dma_start3A_65] : memref<20032x5x16xf32, #tpu.memory_space<hbm>> -> memref<626x5x16xf32, #tpu.memory_space<hbm>>
      %dma_start3A_67 = arith.constant 0 : i32
      %dma_start3A_68 = arith.constant 0 : i32
      %dma_start3A_69 = tpu.memref_slice %arg16[%mul3A_0, %dma_start3A_67, %dma_start3A_68] : memref<10016x5x16xf32, #tpu.memory_space<vmem_shared>> -> memref<626x5x16xf32, #tpu.memory_space<vmem_shared>>
      tpu.enqueue_dma source(%dma_start3A_69 : memref<626x5x16xf32, #tpu.memory_space<vmem_shared>>) target(%dma_start3A_66 : memref<626x5x16xf32, #tpu.memory_space<hbm>>) target_semaphore(%run_scoped3A : memref<!tpu.dma_semaphore, #tpu.memory_space<semaphore_mem>>)
      %dma_wait3A_70 = arith.constant 0 : i32
      %dma_wait3A_71 = arith.constant 0 : i32
      %dma_wait3A_72 = tpu.memref_slice %arg5[%add3A_63, %dma_wait3A_70, %dma_wait3A_71] : memref<20032x5x16xf32, #tpu.memory_space<hbm>> -> memref<626x5x16xf32, #tpu.memory_space<hbm>>
      %dma_wait3A_73 = arith.constant 0 : i32
      %dma_wait3A_74 = arith.constant 0 : i32
      %dma_wait3A_75 = tpu.memref_slice %arg16[%mul3A_0, %dma_wait3A_73, %dma_wait3A_74] : memref<10016x5x16xf32, #tpu.memory_space<vmem_shared>> -> memref<626x5x16xf32, #tpu.memory_space<vmem_shared>>
      tpu.wait_dma2 semaphore(%run_scoped3A : memref<!tpu.dma_semaphore, #tpu.memory_space<semaphore_mem>>) src(%dma_wait3A_75 : memref<626x5x16xf32, #tpu.memory_space<vmem_shared>>) dst(%dma_wait3A_72 : memref<626x5x16xf32, #tpu.memory_space<hbm>>)
      tpu.yield
    }) : () -> ()
    return
  }
}

#map = affine_map<(d0, d1) -> (0, 0, 0)>
#map1 = affine_map<(d0, d1) -> (0)>
module attributes {stable_mosaic.version = 14 : i64} {
  func.func @_sc_edge_body(%arg0: i32, %arg1: i32, %arg2: memref<10000x5x16xf32, #tpu.memory_space<hbm>>, %arg3: memref<10016x2x16xf32, #tpu.memory_space<hbm>>, %arg4: memref<671744xi32, #tpu.memory_space<hbm>>, %arg5: memref<20032x5x16xf32, #tpu.memory_space<hbm>>, %arg6: memref<256xi32, #tpu.memory_space<vmem>>, %arg7: memref<256xi32, #tpu.memory_space<vmem>>, %arg8: memref<128xi32, #tpu.memory_space<vmem>>, %arg9: memref<128xi32, #tpu.memory_space<vmem>>, %arg10: memref<128x5x16xf32, #tpu.memory_space<vmem>>, %arg11: memref<128x5x16xf32, #tpu.memory_space<vmem>>, %arg12: memref<128x2x16xf32, #tpu.memory_space<vmem>>, %arg13: memref<128x2x16xf32, #tpu.memory_space<vmem>>, %arg14: memref<128x5x16xf32, #tpu.memory_space<vmem>>, %arg15: memref<128x5x16xf32, #tpu.memory_space<vmem>>, %arg16: memref<10016x5x16xf32, #tpu.memory_space<vmem_shared>>, %arg17: memref<!tpu.dma_semaphore, #tpu.memory_space<semaphore_mem>>, %arg18: memref<!tpu.dma_semaphore, #tpu.memory_space<semaphore_mem>>, %arg19: memref<!tpu.dma_semaphore, #tpu.memory_space<semaphore_mem>>, %arg20: memref<!tpu.dma_semaphore, #tpu.memory_space<semaphore_mem>>) attributes {dimension_semantics = [#tpu.dimension_semantics<core_parallel>, #tpu.dimension_semantics<subcore_parallel>], iteration_bounds = array<i64: 2, 16>, scalar_prefetch = 0 : i64, scratch_operands = 15 : i64, tpu.core_type = #tpu.core_type<sc_vector_subcore>, window_params = [{transform_indices = #map}, {transform_indices = #map}, {transform_indices = #map1}, {transform_indices = #map}]} {
    %mul3A = arith.constant 626 : i32
    %mul3A_0 = arith.muli %arg1, %mul3A : i32
    %broadcast_in_dim3A = arith.constant 0.000000e+00 : f32
    %broadcast_in_dim3A_1 = vector.broadcast %broadcast_in_dim3A : f32 to vector<16xf32>
    %scan3A = arith.constant 0 : i32
    %scan3A_2 = arith.constant 0 : i32
    %scan3A_3 = arith.constant 128 : i32
    %scan3A_4 = arith.addi %scan3A_2, %scan3A_3 : i32
    %scan3A_5 = arith.constant 1 : i32
    scf.for %scan3A_64 = %scan3A_2 to %scan3A_4 step %scan3A_5  : i32 {
      %swap3A = arith.constant 0 : i32
      %swap3A_65 = arith.index_cast %scan3A_64 : i32 to index
      %swap3A_66 = arith.index_cast %swap3A : i32 to index
      %swap3A_67 = arith.constant 0 : index
      %swap3A_68 = tpu.vector_load %arg14[%swap3A_65, %swap3A_66, %swap3A_67] {strides = array<i32>} : memref<128x5x16xf32, #tpu.memory_space<vmem>>, vector<1x1x16xf32>,
      %swap3A_69 = vector.shape_cast %swap3A_68 : vector<1x1x16xf32> to vector<16xf32>
      %swap3A_70 = vector.shape_cast %broadcast_in_dim3A_1 : vector<16xf32> to vector<1x1x16xf32>
      tpu.vector_store %arg14[%swap3A_65, %swap3A_66, %swap3A_67], %swap3A_70 {strides = array<i32>} : memref<128x5x16xf32, #tpu.memory_space<vmem>>, vector<1x1x16xf32>,
      %swap3A_71 = arith.constant 1 : i32
      %swap3A_72 = arith.index_cast %scan3A_64 : i32 to index
      %swap3A_73 = arith.index_cast %swap3A_71 : i32 to index
      %swap3A_74 = arith.constant 0 : index
      %swap3A_75 = tpu.vector_load %arg14[%swap3A_72, %swap3A_73, %swap3A_74] {strides = array<i32>} : memref<128x5x16xf32, #tpu.memory_space<vmem>>, vector<1x1x16xf32>,
      %swap3A_76 = vector.shape_cast %swap3A_75 : vector<1x1x16xf32> to vector<16xf32>
      %swap3A_77 = vector.shape_cast %broadcast_in_dim3A_1 : vector<16xf32> to vector<1x1x16xf32>
      tpu.vector_store %arg14[%swap3A_72, %swap3A_73, %swap3A_74], %swap3A_77 {strides = array<i32>} : memref<128x5x16xf32, #tpu.memory_space<vmem>>, vector<1x1x16xf32>,
      %swap3A_78 = arith.constant 2 : i32
      %swap3A_79 = arith.index_cast %scan3A_64 : i32 to index
      %swap3A_80 = arith.index_cast %swap3A_78 : i32 to index
      %swap3A_81 = arith.constant 0 : index
      %swap3A_82 = tpu.vector_load %arg14[%swap3A_79, %swap3A_80, %swap3A_81] {strides = array<i32>} : memref<128x5x16xf32, #tpu.memory_space<vmem>>, vector<1x1x16xf32>,
      %swap3A_83 = vector.shape_cast %swap3A_82 : vector<1x1x16xf32> to vector<16xf32>
      %swap3A_84 = vector.shape_cast %broadcast_in_dim3A_1 : vector<16xf32> to vector<1x1x16xf32>
      tpu.vector_store %arg14[%swap3A_79, %swap3A_80, %swap3A_81], %swap3A_84 {strides = array<i32>} : memref<128x5x16xf32, #tpu.memory_space<vmem>>, vector<1x1x16xf32>,
      %swap3A_85 = arith.constant 3 : i32
      %swap3A_86 = arith.index_cast %scan3A_64 : i32 to index
      %swap3A_87 = arith.index_cast %swap3A_85 : i32 to index
      %swap3A_88 = arith.constant 0 : index
      %swap3A_89 = tpu.vector_load %arg14[%swap3A_86, %swap3A_87, %swap3A_88] {strides = array<i32>} : memref<128x5x16xf32, #tpu.memory_space<vmem>>, vector<1x1x16xf32>,
      %swap3A_90 = vector.shape_cast %swap3A_89 : vector<1x1x16xf32> to vector<16xf32>
      %swap3A_91 = vector.shape_cast %broadcast_in_dim3A_1 : vector<16xf32> to vector<1x1x16xf32>
      tpu.vector_store %arg14[%swap3A_86, %swap3A_87, %swap3A_88], %swap3A_91 {strides = array<i32>} : memref<128x5x16xf32, #tpu.memory_space<vmem>>, vector<1x1x16xf32>,
      %swap3A_92 = arith.constant 4 : i32
      %swap3A_93 = arith.index_cast %scan3A_64 : i32 to index
      %swap3A_94 = arith.index_cast %swap3A_92 : i32 to index
      %swap3A_95 = arith.constant 0 : index
      %swap3A_96 = tpu.vector_load %arg14[%swap3A_93, %swap3A_94, %swap3A_95] {strides = array<i32>} : memref<128x5x16xf32, #tpu.memory_space<vmem>>, vector<1x1x16xf32>,
      %swap3A_97 = vector.shape_cast %swap3A_96 : vector<1x1x16xf32> to vector<16xf32>
      %swap3A_98 = vector.shape_cast %broadcast_in_dim3A_1 : vector<16xf32> to vector<1x1x16xf32>
      tpu.vector_store %arg14[%swap3A_93, %swap3A_94, %swap3A_95], %swap3A_98 {strides = array<i32>} : memref<128x5x16xf32, #tpu.memory_space<vmem>>, vector<1x1x16xf32>,
    }
    %scan3A_6 = arith.constant 128 : i32
    %add3A = arith.constant 0 : i32
    %add3A_7 = arith.addi %mul3A_0, %add3A : i32
    "tpu.region"() ({
      %run_scoped3A = tpu.sem_alloc : memref<!tpu.dma_semaphore, #tpu.memory_space<semaphore_mem>>
      %dma_start3A_64 = arith.constant 0 : i32
      %dma_start3A_65 = arith.constant 0 : i32
      %dma_start3A_66 = tpu.memref_slice %arg16[%add3A_7, %dma_start3A_64, %dma_start3A_65] : memref<10016x5x16xf32, #tpu.memory_space<vmem_shared>> -> memref<128x5x16xf32, #tpu.memory_space<vmem_shared>>
      %dma_start3A_67 = arith.constant 0 : i32
      %dma_start3A_68 = arith.constant 0 : i32
      %dma_start3A_69 = tpu.memref_slice %arg16[%add3A_7, %dma_start3A_67, %dma_start3A_68] : memref<10016x5x16xf32, #tpu.memory_space<vmem_shared>> -> memref<128x5x16xf32, #tpu.memory_space<vmem_shared>>
      tpu.enqueue_dma source(%arg14 : memref<128x5x16xf32, #tpu.memory_space<vmem>>) target(%dma_start3A_69 : memref<128x5x16xf32, #tpu.memory_space<vmem_shared>>) target_semaphore(%run_scoped3A : memref<!tpu.dma_semaphore, #tpu.memory_space<semaphore_mem>>)
      %dma_wait3A_70 = arith.constant 0 : i32
      %dma_wait3A_71 = arith.constant 0 : i32
      %dma_wait3A_72 = tpu.memref_slice %arg16[%add3A_7, %dma_wait3A_70, %dma_wait3A_71] : memref<10016x5x16xf32, #tpu.memory_space<vmem_shared>> -> memref<128x5x16xf32, #tpu.memory_space<vmem_shared>>
      %dma_wait3A_73 = arith.constant 0 : i32
      %dma_wait3A_74 = arith.constant 0 : i32
      %dma_wait3A_75 = tpu.memref_slice %arg16[%add3A_7, %dma_wait3A_73, %dma_wait3A_74] : memref<10016x5x16xf32, #tpu.memory_space<vmem_shared>> -> memref<128x5x16xf32, #tpu.memory_space<vmem_shared>>
      tpu.wait_dma2 semaphore(%run_scoped3A : memref<!tpu.dma_semaphore, #tpu.memory_space<semaphore_mem>>) src(%arg14 : memref<128x5x16xf32, #tpu.memory_space<vmem>>) dst(%dma_wait3A_75 : memref<128x5x16xf32, #tpu.memory_space<vmem_shared>>)
      tpu.yield
    }) : () -> ()
    %add3A_8 = arith.constant 128 : i32
    %add3A_9 = arith.addi %mul3A_0, %add3A_8 : i32
    "tpu.region"() ({
      %run_scoped3A = tpu.sem_alloc : memref<!tpu.dma_semaphore, #tpu.memory_space<semaphore_mem>>
      %dma_start3A_64 = arith.constant 0 : i32
      %dma_start3A_65 = arith.constant 0 : i32
      %dma_start3A_66 = tpu.memref_slice %arg16[%add3A_9, %dma_start3A_64, %dma_start3A_65] : memref<10016x5x16xf32, #tpu.memory_space<vmem_shared>> -> memref<128x5x16xf32, #tpu.memory_space<vmem_shared>>
      %dma_start3A_67 = arith.constant 0 : i32
      %dma_start3A_68 = arith.constant 0 : i32
      %dma_start3A_69 = tpu.memref_slice %arg16[%add3A_9, %dma_start3A_67, %dma_start3A_68] : memref<10016x5x16xf32, #tpu.memory_space<vmem_shared>> -> memref<128x5x16xf32, #tpu.memory_space<vmem_shared>>
      tpu.enqueue_dma source(%arg14 : memref<128x5x16xf32, #tpu.memory_space<vmem>>) target(%dma_start3A_69 : memref<128x5x16xf32, #tpu.memory_space<vmem_shared>>) target_semaphore(%run_scoped3A : memref<!tpu.dma_semaphore, #tpu.memory_space<semaphore_mem>>)
      %dma_wait3A_70 = arith.constant 0 : i32
      %dma_wait3A_71 = arith.constant 0 : i32
      %dma_wait3A_72 = tpu.memref_slice %arg16[%add3A_9, %dma_wait3A_70, %dma_wait3A_71] : memref<10016x5x16xf32, #tpu.memory_space<vmem_shared>> -> memref<128x5x16xf32, #tpu.memory_space<vmem_shared>>
      %dma_wait3A_73 = arith.constant 0 : i32
      %dma_wait3A_74 = arith.constant 0 : i32
      %dma_wait3A_75 = tpu.memref_slice %arg16[%add3A_9, %dma_wait3A_73, %dma_wait3A_74] : memref<10016x5x16xf32, #tpu.memory_space<vmem_shared>> -> memref<128x5x16xf32, #tpu.memory_space<vmem_shared>>
      tpu.wait_dma2 semaphore(%run_scoped3A : memref<!tpu.dma_semaphore, #tpu.memory_space<semaphore_mem>>) src(%arg14 : memref<128x5x16xf32, #tpu.memory_space<vmem>>) dst(%dma_wait3A_75 : memref<128x5x16xf32, #tpu.memory_space<vmem_shared>>)
      tpu.yield
    }) : () -> ()
    %add3A_10 = arith.constant 256 : i32
    %add3A_11 = arith.addi %mul3A_0, %add3A_10 : i32
    "tpu.region"() ({
      %run_scoped3A = tpu.sem_alloc : memref<!tpu.dma_semaphore, #tpu.memory_space<semaphore_mem>>
      %dma_start3A_64 = arith.constant 0 : i32
      %dma_start3A_65 = arith.constant 0 : i32
      %dma_start3A_66 = tpu.memref_slice %arg16[%add3A_11, %dma_start3A_64, %dma_start3A_65] : memref<10016x5x16xf32, #tpu.memory_space<vmem_shared>> -> memref<128x5x16xf32, #tpu.memory_space<vmem_shared>>
      %dma_start3A_67 = arith.constant 0 : i32
      %dma_start3A_68 = arith.constant 0 : i32
      %dma_start3A_69 = tpu.memref_slice %arg16[%add3A_11, %dma_start3A_67, %dma_start3A_68] : memref<10016x5x16xf32, #tpu.memory_space<vmem_shared>> -> memref<128x5x16xf32, #tpu.memory_space<vmem_shared>>
      tpu.enqueue_dma source(%arg14 : memref<128x5x16xf32, #tpu.memory_space<vmem>>) target(%dma_start3A_69 : memref<128x5x16xf32, #tpu.memory_space<vmem_shared>>) target_semaphore(%run_scoped3A : memref<!tpu.dma_semaphore, #tpu.memory_space<semaphore_mem>>)
      %dma_wait3A_70 = arith.constant 0 : i32
      %dma_wait3A_71 = arith.constant 0 : i32
      %dma_wait3A_72 = tpu.memref_slice %arg16[%add3A_11, %dma_wait3A_70, %dma_wait3A_71] : memref<10016x5x16xf32, #tpu.memory_space<vmem_shared>> -> memref<128x5x16xf32, #tpu.memory_space<vmem_shared>>
      %dma_wait3A_73 = arith.constant 0 : i32
      %dma_wait3A_74 = arith.constant 0 : i32
      %dma_wait3A_75 = tpu.memref_slice %arg16[%add3A_11, %dma_wait3A_73, %dma_wait3A_74] : memref<10016x5x16xf32, #tpu.memory_space<vmem_shared>> -> memref<128x5x16xf32, #tpu.memory_space<vmem_shared>>
      tpu.wait_dma2 semaphore(%run_scoped3A : memref<!tpu.dma_semaphore, #tpu.memory_space<semaphore_mem>>) src(%arg14 : memref<128x5x16xf32, #tpu.memory_space<vmem>>) dst(%dma_wait3A_75 : memref<128x5x16xf32, #tpu.memory_space<vmem_shared>>)
      tpu.yield
    }) : () -> ()
    %add3A_12 = arith.constant 384 : i32
    %add3A_13 = arith.addi %mul3A_0, %add3A_12 : i32
    "tpu.region"() ({
      %run_scoped3A = tpu.sem_alloc : memref<!tpu.dma_semaphore, #tpu.memory_space<semaphore_mem>>
      %dma_start3A_64 = arith.constant 0 : i32
      %dma_start3A_65 = arith.constant 0 : i32
      %dma_start3A_66 = tpu.memref_slice %arg16[%add3A_13, %dma_start3A_64, %dma_start3A_65] : memref<10016x5x16xf32, #tpu.memory_space<vmem_shared>> -> memref<128x5x16xf32, #tpu.memory_space<vmem_shared>>
      %dma_start3A_67 = arith.constant 0 : i32
      %dma_start3A_68 = arith.constant 0 : i32
      %dma_start3A_69 = tpu.memref_slice %arg16[%add3A_13, %dma_start3A_67, %dma_start3A_68] : memref<10016x5x16xf32, #tpu.memory_space<vmem_shared>> -> memref<128x5x16xf32, #tpu.memory_space<vmem_shared>>
      tpu.enqueue_dma source(%arg14 : memref<128x5x16xf32, #tpu.memory_space<vmem>>) target(%dma_start3A_69 : memref<128x5x16xf32, #tpu.memory_space<vmem_shared>>) target_semaphore(%run_scoped3A : memref<!tpu.dma_semaphore, #tpu.memory_space<semaphore_mem>>)
      %dma_wait3A_70 = arith.constant 0 : i32
      %dma_wait3A_71 = arith.constant 0 : i32
      %dma_wait3A_72 = tpu.memref_slice %arg16[%add3A_13, %dma_wait3A_70, %dma_wait3A_71] : memref<10016x5x16xf32, #tpu.memory_space<vmem_shared>> -> memref<128x5x16xf32, #tpu.memory_space<vmem_shared>>
      %dma_wait3A_73 = arith.constant 0 : i32
      %dma_wait3A_74 = arith.constant 0 : i32
      %dma_wait3A_75 = tpu.memref_slice %arg16[%add3A_13, %dma_wait3A_73, %dma_wait3A_74] : memref<10016x5x16xf32, #tpu.memory_space<vmem_shared>> -> memref<128x5x16xf32, #tpu.memory_space<vmem_shared>>
      tpu.wait_dma2 semaphore(%run_scoped3A : memref<!tpu.dma_semaphore, #tpu.memory_space<semaphore_mem>>) src(%arg14 : memref<128x5x16xf32, #tpu.memory_space<vmem>>) dst(%dma_wait3A_75 : memref<128x5x16xf32, #tpu.memory_space<vmem_shared>>)
      tpu.yield
    }) : () -> ()
    %add3A_14 = arith.constant 512 : i32
    %add3A_15 = arith.addi %mul3A_0, %add3A_14 : i32
    "tpu.region"() ({
      %run_scoped3A = tpu.sem_alloc : memref<!tpu.dma_semaphore, #tpu.memory_space<semaphore_mem>>
      %dma_start3A_64 = arith.constant 0 : i32
      %dma_start3A_65 = arith.constant 0 : i32
      %dma_start3A_66 = arith.constant 0 : i32
      %dma_start3A_67 = tpu.memref_slice %arg14[%dma_start3A_64, %dma_start3A_65, %dma_start3A_66] : memref<128x5x16xf32, #tpu.memory_space<vmem>> -> memref<114x5x16xf32, #tpu.memory_space<vmem>>
      %dma_start3A_68 = arith.constant 0 : i32
      %dma_start3A_69 = arith.constant 0 : i32
      %dma_start3A_70 = tpu.memref_slice %arg16[%add3A_15, %dma_start3A_68, %dma_start3A_69] : memref<10016x5x16xf32, #tpu.memory_space<vmem_shared>> -> memref<114x5x16xf32, #tpu.memory_space<vmem_shared>>
      %dma_start3A_71 = arith.constant 0 : i32
      %dma_start3A_72 = arith.constant 0 : i32
      %dma_start3A_73 = tpu.memref_slice %arg16[%add3A_15, %dma_start3A_71, %dma_start3A_72] : memref<10016x5x16xf32, #tpu.memory_space<vmem_shared>> -> memref<114x5x16xf32, #tpu.memory_space<vmem_shared>>
      %dma_start3A_74 = arith.constant 0 : i32
      %dma_start3A_75 = arith.constant 0 : i32
      %dma_start3A_76 = arith.constant 0 : i32
      %dma_start3A_77 = tpu.memref_slice %arg14[%dma_start3A_74, %dma_start3A_75, %dma_start3A_76] : memref<128x5x16xf32, #tpu.memory_space<vmem>> -> memref<114x5x16xf32, #tpu.memory_space<vmem>>
      tpu.enqueue_dma source(%dma_start3A_77 : memref<114x5x16xf32, #tpu.memory_space<vmem>>) target(%dma_start3A_73 : memref<114x5x16xf32, #tpu.memory_space<vmem_shared>>) target_semaphore(%run_scoped3A : memref<!tpu.dma_semaphore, #tpu.memory_space<semaphore_mem>>)
      %dma_wait3A_78 = arith.constant 0 : i32
      %dma_wait3A_79 = arith.constant 0 : i32
      %dma_wait3A_80 = arith.constant 0 : i32
      %dma_wait3A_81 = tpu.memref_slice %arg14[%dma_wait3A_78, %dma_wait3A_79, %dma_wait3A_80] : memref<128x5x16xf32, #tpu.memory_space<vmem>> -> memref<114x5x16xf32, #tpu.memory_space<vmem>>
      %dma_wait3A_82 = arith.constant 0 : i32
      %dma_wait3A_83 = arith.constant 0 : i32
      %dma_wait3A_84 = tpu.memref_slice %arg16[%add3A_15, %dma_wait3A_82, %dma_wait3A_83] : memref<10016x5x16xf32, #tpu.memory_space<vmem_shared>> -> memref<114x5x16xf32, #tpu.memory_space<vmem_shared>>
      %dma_wait3A_85 = arith.constant 0 : i32
      %dma_wait3A_86 = arith.constant 0 : i32
      %dma_wait3A_87 = tpu.memref_slice %arg16[%add3A_15, %dma_wait3A_85, %dma_wait3A_86] : memref<10016x5x16xf32, #tpu.memory_space<vmem_shared>> -> memref<114x5x16xf32, #tpu.memory_space<vmem_shared>>
      %dma_wait3A_88 = arith.constant 0 : i32
      %dma_wait3A_89 = arith.constant 0 : i32
      %dma_wait3A_90 = arith.constant 0 : i32
      %dma_wait3A_91 = tpu.memref_slice %arg14[%dma_wait3A_88, %dma_wait3A_89, %dma_wait3A_90] : memref<128x5x16xf32, #tpu.memory_space<vmem>> -> memref<114x5x16xf32, #tpu.memory_space<vmem>>
      tpu.wait_dma2 semaphore(%run_scoped3A : memref<!tpu.dma_semaphore, #tpu.memory_space<semaphore_mem>>) src(%dma_wait3A_91 : memref<114x5x16xf32, #tpu.memory_space<vmem>>) dst(%dma_wait3A_87 : memref<114x5x16xf32, #tpu.memory_space<vmem_shared>>)
      tpu.yield
    }) : () -> ()
    %barrier3A = arith.constant 0 : index
    tpu.barrier barrier_id(%barrier3A)
    %iota3A = tpu.iota {dimensions = array<i32: 0>} : vector<16xi32>
    %lt3A = arith.constant 4 : i32
    %lt3A_16 = vector.broadcast %lt3A : i32 to vector<16xi32>
    %lt3A_17 = arith.cmpi slt, %iota3A, %lt3A_16 : vector<16xi32>
    %jit3A = arith.constant 1.000000e+00 : f32
    %jit3A_18 = arith.constant 0.000000e+00 : f32
    %broadcast_in_dim3A_19 = vector.broadcast %jit3A : f32 to vector<16xf32>
    %broadcast_in_dim3A_20 = vector.broadcast %jit3A_18 : f32 to vector<16xf32>
    %select_n3A = arith.select %lt3A_17, %broadcast_in_dim3A_19, %broadcast_in_dim3A_20 : vector<16xi1>, vector<16xf32>
    %mul3A_21 = arith.constant 1312 : i32
    %mul3A_22 = arith.muli %arg0, %mul3A_21 : i32
    %add3A_23 = arith.addi %mul3A_22, %arg1 : i32
    %mul3A_24 = arith.constant 256 : i32
    %mul3A_25 = arith.muli %add3A_23, %mul3A_24 : i32
    %add3A_26 = arith.constant 0 : i32
    %add3A_27 = arith.addi %mul3A_25, %add3A_26 : i32
    "tpu.region"() ({
      %run_scoped3A = tpu.sem_alloc : memref<!tpu.dma_semaphore, #tpu.memory_space<semaphore_mem>>
      %dma_start3A_64 = tpu.memref_slice %arg4[%add3A_27] : memref<671744xi32, #tpu.memory_space<hbm>> -> memref<256xi32, #tpu.memory_space<hbm>>
      %dma_start3A_65 = tpu.memref_slice %arg4[%add3A_27] : memref<671744xi32, #tpu.memory_space<hbm>> -> memref<256xi32, #tpu.memory_space<hbm>>
      tpu.enqueue_dma source(%dma_start3A_65 : memref<256xi32, #tpu.memory_space<hbm>>) target(%arg6 : memref<256xi32, #tpu.memory_space<vmem>>) target_semaphore(%run_scoped3A : memref<!tpu.dma_semaphore, #tpu.memory_space<semaphore_mem>>)
      %dma_wait3A_66 = tpu.memref_slice %arg4[%add3A_27] : memref<671744xi32, #tpu.memory_space<hbm>> -> memref<256xi32, #tpu.memory_space<hbm>>
      %dma_wait3A_67 = tpu.memref_slice %arg4[%add3A_27] : memref<671744xi32, #tpu.memory_space<hbm>> -> memref<256xi32, #tpu.memory_space<hbm>>
      tpu.wait_dma2 semaphore(%run_scoped3A : memref<!tpu.dma_semaphore, #tpu.memory_space<semaphore_mem>>) src(%dma_wait3A_67 : memref<256xi32, #tpu.memory_space<hbm>>) dst(%arg6 : memref<256xi32, #tpu.memory_space<vmem>>)
      tpu.yield
    }) : () -> ()
    %dma_start3A = arith.constant 0 : i32
    %dma_start3A_28 = tpu.memref_slice %arg6[%dma_start3A] : memref<256xi32, #tpu.memory_space<vmem>> -> memref<128xi32, #tpu.memory_space<vmem>>
    %dma_start3A_29 = arith.constant 0 : i32
    %dma_start3A_30 = arith.constant 0 : i32
    %dma_start3A_31 = arith.constant 0 : i32
    %dma_start3A_32 = tpu.memref_slice %arg2[%dma_start3A_29, %dma_start3A_30, %dma_start3A_31] : memref<10000x5x16xf32, #tpu.memory_space<hbm>> -> memref<10000x5x16xf32, #tpu.memory_space<hbm>>
    tpu.enqueue_indirect_dma source(%dma_start3A_32 : memref<10000x5x16xf32, #tpu.memory_space<hbm>>) target(%arg10 : memref<128x5x16xf32, #tpu.memory_space<vmem>>) offsets(%dma_start3A_28 : memref<128xi32, #tpu.memory_space<vmem>>) semaphore(%arg17 : memref<!tpu.dma_semaphore, #tpu.memory_space<semaphore_mem>>)
    %dma_start3A_33 = arith.constant 128 : i32
    %dma_start3A_34 = tpu.memref_slice %arg6[%dma_start3A_33] : memref<256xi32, #tpu.memory_space<vmem>> -> memref<128xi32, #tpu.memory_space<vmem>>
    %dma_start3A_35 = arith.constant 0 : i32
    %dma_start3A_36 = arith.constant 0 : i32
    %dma_start3A_37 = arith.constant 0 : i32
    %dma_start3A_38 = tpu.memref_slice %arg3[%dma_start3A_35, %dma_start3A_36, %dma_start3A_37] : memref<10016x2x16xf32, #tpu.memory_space<hbm>> -> memref<10016x2x16xf32, #tpu.memory_space<hbm>>
    tpu.enqueue_indirect_dma source(%dma_start3A_38 : memref<10016x2x16xf32, #tpu.memory_space<hbm>>) target(%arg12 : memref<128x2x16xf32, #tpu.memory_space<vmem>>) offsets(%dma_start3A_34 : memref<128xi32, #tpu.memory_space<vmem>>) semaphore(%arg17 : memref<!tpu.dma_semaphore, #tpu.memory_space<semaphore_mem>>)
    %scan3A_39 = arith.constant 0 : i32
    %scan3A_40 = arith.constant 0 : i32
    %scan3A_41 = arith.constant 41 : i32
    %scan3A_42 = arith.addi %scan3A_40, %scan3A_41 : i32
    %scan3A_43 = arith.constant 1 : i32
    scf.for %scan3A_64 = %scan3A_40 to %scan3A_42 step %scan3A_43  : i32 {
      %mul3A_65 = arith.constant 2 : i32
      %mul3A_66 = arith.muli %mul3A_65, %scan3A_64 : i32
      %add3A_67 = arith.constant 0 : i32
      %add3A_68 = arith.addi %mul3A_66, %add3A_67 : i32
      %ge3A = arith.constant 1 : i32
      %ge3A_69 = arith.cmpi sge, %scan3A_64, %ge3A : i32
      %convert_element_type3A = arith.extui %ge3A_69 : i1 to i32
      %cond3A = arith.constant 0 : i32
      %cond3A_70 = arith.cmpi ne, %convert_element_type3A, %cond3A : i32
      scf.if %cond3A_70 {
        %dma_wait3A_164 = arith.constant 0 : i32
        %dma_wait3A_165 = arith.constant 0 : i32
        %dma_wait3A_166 = arith.constant 0 : i32
        %dma_wait3A_167 = tpu.memref_slice %arg16[%dma_wait3A_164, %dma_wait3A_165, %dma_wait3A_166] : memref<10016x5x16xf32, #tpu.memory_space<vmem_shared>> -> memref<128x5x16xf32, #tpu.memory_space<vmem_shared>>
        %dma_wait3A_168 = arith.constant 0 : i32
        %dma_wait3A_169 = arith.constant 0 : i32
        %dma_wait3A_170 = arith.constant 0 : i32
        %dma_wait3A_171 = tpu.memref_slice %arg16[%dma_wait3A_168, %dma_wait3A_169, %dma_wait3A_170] : memref<10016x5x16xf32, #tpu.memory_space<vmem_shared>> -> memref<128x5x16xf32, #tpu.memory_space<vmem_shared>>
        tpu.wait_dma2 semaphore(%arg19 : memref<!tpu.dma_semaphore, #tpu.memory_space<semaphore_mem>>) src(%arg14 : memref<128x5x16xf32, #tpu.memory_space<vmem>>) dst(%dma_wait3A_171 : memref<128x5x16xf32, #tpu.memory_space<vmem_shared>>)
      } else {
      }
      %add3A_71 = arith.constant 1 : i32
      %add3A_72 = arith.addi %add3A_68, %add3A_71 : i32
      %mul3A_73 = arith.constant 4096 : i32
      %mul3A_74 = arith.muli %add3A_72, %mul3A_73 : i32
      %add3A_75 = arith.addi %mul3A_25, %mul3A_74 : i32
      "tpu.region"() ({
        %run_scoped3A = tpu.sem_alloc : memref<!tpu.dma_semaphore, #tpu.memory_space<semaphore_mem>>
        %dma_start3A_164 = tpu.memref_slice %arg4[%add3A_75] : memref<671744xi32, #tpu.memory_space<hbm>> -> memref<256xi32, #tpu.memory_space<hbm>>
        %dma_start3A_165 = tpu.memref_slice %arg4[%add3A_75] : memref<671744xi32, #tpu.memory_space<hbm>> -> memref<256xi32, #tpu.memory_space<hbm>>
        tpu.enqueue_dma source(%dma_start3A_165 : memref<256xi32, #tpu.memory_space<hbm>>) target(%arg7 : memref<256xi32, #tpu.memory_space<vmem>>) target_semaphore(%run_scoped3A : memref<!tpu.dma_semaphore, #tpu.memory_space<semaphore_mem>>)
        %dma_wait3A_166 = tpu.memref_slice %arg4[%add3A_75] : memref<671744xi32, #tpu.memory_space<hbm>> -> memref<256xi32, #tpu.memory_space<hbm>>
        %dma_wait3A_167 = tpu.memref_slice %arg4[%add3A_75] : memref<671744xi32, #tpu.memory_space<hbm>> -> memref<256xi32, #tpu.memory_space<hbm>>
        tpu.wait_dma2 semaphore(%run_scoped3A : memref<!tpu.dma_semaphore, #tpu.memory_space<semaphore_mem>>) src(%dma_wait3A_167 : memref<256xi32, #tpu.memory_space<hbm>>) dst(%arg7 : memref<256xi32, #tpu.memory_space<vmem>>)
        tpu.yield
      }) : () -> ()
      %dma_start3A_76 = arith.constant 0 : i32
      %dma_start3A_77 = tpu.memref_slice %arg7[%dma_start3A_76] : memref<256xi32, #tpu.memory_space<vmem>> -> memref<128xi32, #tpu.memory_space<vmem>>
      %dma_start3A_78 = arith.constant 0 : i32
      %dma_start3A_79 = arith.constant 0 : i32
      %dma_start3A_80 = arith.constant 0 : i32
      %dma_start3A_81 = tpu.memref_slice %arg2[%dma_start3A_78, %dma_start3A_79, %dma_start3A_80] : memref<10000x5x16xf32, #tpu.memory_space<hbm>> -> memref<10000x5x16xf32, #tpu.memory_space<hbm>>
      tpu.enqueue_indirect_dma source(%dma_start3A_81 : memref<10000x5x16xf32, #tpu.memory_space<hbm>>) target(%arg11 : memref<128x5x16xf32, #tpu.memory_space<vmem>>) offsets(%dma_start3A_77 : memref<128xi32, #tpu.memory_space<vmem>>) semaphore(%arg18 : memref<!tpu.dma_semaphore, #tpu.memory_space<semaphore_mem>>)
      %dma_start3A_82 = arith.constant 128 : i32
      %dma_start3A_83 = tpu.memref_slice %arg7[%dma_start3A_82] : memref<256xi32, #tpu.memory_space<vmem>> -> memref<128xi32, #tpu.memory_space<vmem>>
      %dma_start3A_84 = arith.constant 0 : i32
      %dma_start3A_85 = arith.constant 0 : i32
      %dma_start3A_86 = arith.constant 0 : i32
      %dma_start3A_87 = tpu.memref_slice %arg3[%dma_start3A_84, %dma_start3A_85, %dma_start3A_86] : memref<10016x2x16xf32, #tpu.memory_space<hbm>> -> memref<10016x2x16xf32, #tpu.memory_space<hbm>>
      tpu.enqueue_indirect_dma source(%dma_start3A_87 : memref<10016x2x16xf32, #tpu.memory_space<hbm>>) target(%arg13 : memref<128x2x16xf32, #tpu.memory_space<vmem>>) offsets(%dma_start3A_83 : memref<128xi32, #tpu.memory_space<vmem>>) semaphore(%arg18 : memref<!tpu.dma_semaphore, #tpu.memory_space<semaphore_mem>>)
      %dma_wait3A_88 = arith.constant 0 : i32
      %dma_wait3A_89 = arith.constant 0 : i32
      %dma_wait3A_90 = arith.constant 0 : i32
      %dma_wait3A_91 = tpu.memref_slice %arg2[%dma_wait3A_88, %dma_wait3A_89, %dma_wait3A_90] : memref<10000x5x16xf32, #tpu.memory_space<hbm>> -> memref<128x5x16xf32, #tpu.memory_space<hbm>>
      %dma_wait3A_92 = arith.constant 0 : i32
      %dma_wait3A_93 = arith.constant 0 : i32
      %dma_wait3A_94 = arith.constant 0 : i32
      %dma_wait3A_95 = tpu.memref_slice %arg2[%dma_wait3A_92, %dma_wait3A_93, %dma_wait3A_94] : memref<10000x5x16xf32, #tpu.memory_space<hbm>> -> memref<128x5x16xf32, #tpu.memory_space<hbm>>
      tpu.wait_dma2 semaphore(%arg17 : memref<!tpu.dma_semaphore, #tpu.memory_space<semaphore_mem>>) src(%dma_wait3A_95 : memref<128x5x16xf32, #tpu.memory_space<hbm>>) dst(%arg10 : memref<128x5x16xf32, #tpu.memory_space<vmem>>)
      %dma_wait3A_96 = arith.constant 0 : i32
      %dma_wait3A_97 = arith.constant 0 : i32
      %dma_wait3A_98 = arith.constant 0 : i32
      %dma_wait3A_99 = tpu.memref_slice %arg3[%dma_wait3A_96, %dma_wait3A_97, %dma_wait3A_98] : memref<10016x2x16xf32, #tpu.memory_space<hbm>> -> memref<128x2x16xf32, #tpu.memory_space<hbm>>
      %dma_wait3A_100 = arith.constant 0 : i32
      %dma_wait3A_101 = arith.constant 0 : i32
      %dma_wait3A_102 = arith.constant 0 : i32
      %dma_wait3A_103 = tpu.memref_slice %arg3[%dma_wait3A_100, %dma_wait3A_101, %dma_wait3A_102] : memref<10016x2x16xf32, #tpu.memory_space<hbm>> -> memref<128x2x16xf32, #tpu.memory_space<hbm>>
      tpu.wait_dma2 semaphore(%arg17 : memref<!tpu.dma_semaphore, #tpu.memory_space<semaphore_mem>>) src(%dma_wait3A_103 : memref<128x2x16xf32, #tpu.memory_space<hbm>>) dst(%arg12 : memref<128x2x16xf32, #tpu.memory_space<vmem>>)
      %scan3A_104 = arith.constant 0 : i32
      %scan3A_105 = arith.constant 0 : i32
      %scan3A_106 = arith.constant 128 : i32
      %scan3A_107 = arith.addi %scan3A_105, %scan3A_106 : i32
      %scan3A_108 = arith.constant 1 : i32
      scf.for %scan3A_164 = %scan3A_105 to %scan3A_107 step %scan3A_108  : i32 {
        %get3A = arith.constant 4 : i32
        %get3A_165 = arith.index_cast %scan3A_164 : i32 to index
        %get3A_166 = arith.index_cast %get3A : i32 to index
        %get3A_167 = arith.constant 0 : index
        %get3A_168 = tpu.vector_load %arg10[%get3A_165, %get3A_166, %get3A_167] {strides = array<i32>} : memref<128x5x16xf32, #tpu.memory_space<vmem>>, vector<1x1x16xf32>,
        %get3A_169 = vector.shape_cast %get3A_168 : vector<1x1x16xf32> to vector<16xf32>
        %get3A_170 = arith.constant 0 : i32
        %get3A_171 = arith.index_cast %scan3A_164 : i32 to index
        %get3A_172 = arith.index_cast %get3A_170 : i32 to index
        %get3A_173 = arith.constant 0 : index
        %get3A_174 = tpu.vector_load %arg12[%get3A_171, %get3A_172, %get3A_173] {strides = array<i32>} : memref<128x2x16xf32, #tpu.memory_space<vmem>>, vector<1x1x16xf32>,
        %get3A_175 = vector.shape_cast %get3A_174 : vector<1x1x16xf32> to vector<16xf32>
        %add3A_176 = arith.addf %get3A_169, %get3A_175 : vector<16xf32>
        %ge3A_177 = arith.constant 0.000000e+00 : f32
        %ge3A_178 = vector.broadcast %ge3A_177 : f32 to vector<16xf32>
        %ge3A_179 = arith.cmpf oge, %add3A_176, %ge3A_178 : vector<16xf32>
        %mul3A_180 = arith.constant 2.000000e-01 : f32
        %mul3A_181 = vector.broadcast %mul3A_180 : f32 to vector<16xf32>
        %mul3A_182 = arith.mulf %mul3A_181, %add3A_176 : vector<16xf32>
        %select_n3A_183 = arith.select %ge3A_179, %add3A_176, %mul3A_182 : vector<16xi1>, vector<16xf32>
        %get3A_184 = arith.constant 1 : i32
        %get3A_185 = arith.index_cast %scan3A_164 : i32 to index
        %get3A_186 = arith.index_cast %get3A_184 : i32 to index
        %get3A_187 = arith.constant 0 : index
        %get3A_188 = tpu.vector_load %arg12[%get3A_185, %get3A_186, %get3A_187] {strides = array<i32>} : memref<128x2x16xf32, #tpu.memory_space<vmem>>, vector<1x1x16xf32>,
        %get3A_189 = vector.shape_cast %get3A_188 : vector<1x1x16xf32> to vector<16xf32>
        %sub3A = arith.subf %select_n3A_183, %get3A_189 : vector<16xf32>
        %exp3A = math.exp %sub3A : vector<16xf32>
        %mul3A_190 = arith.mulf %exp3A, %select_n3A : vector<16xf32>
        %swap3A = arith.constant 4 : i32
        %swap3A_191 = arith.index_cast %scan3A_164 : i32 to index
        %swap3A_192 = arith.index_cast %swap3A : i32 to index
        %swap3A_193 = arith.constant 0 : index
        %swap3A_194 = tpu.vector_load %arg14[%swap3A_191, %swap3A_192, %swap3A_193] {strides = array<i32>} : memref<128x5x16xf32, #tpu.memory_space<vmem>>, vector<1x1x16xf32>,
        %swap3A_195 = vector.shape_cast %swap3A_194 : vector<1x1x16xf32> to vector<16xf32>
        %swap3A_196 = vector.shape_cast %mul3A_190 : vector<16xf32> to vector<1x1x16xf32>
        tpu.vector_store %arg14[%swap3A_191, %swap3A_192, %swap3A_193], %swap3A_196 {strides = array<i32>} : memref<128x5x16xf32, #tpu.memory_space<vmem>>, vector<1x1x16xf32>,
        %get3A_197 = arith.constant 0 : i32
        %get3A_198 = arith.index_cast %scan3A_164 : i32 to index
        %get3A_199 = arith.index_cast %get3A_197 : i32 to index
        %get3A_200 = arith.constant 0 : index
        %get3A_201 = tpu.vector_load %arg10[%get3A_198, %get3A_199, %get3A_200] {strides = array<i32>} : memref<128x5x16xf32, #tpu.memory_space<vmem>>, vector<1x1x16xf32>,
        %get3A_202 = vector.shape_cast %get3A_201 : vector<1x1x16xf32> to vector<16xf32>
        %slice3A = vector.extract_strided_slice %exp3A {offsets = [0], sizes = [1], strides = [1]} : vector<16xf32> to vector<1xf32>
        %squeeze3A = vector.extract %slice3A[0] : f32 from vector<1xf32>
        %mul3A_203 = vector.broadcast %squeeze3A : f32 to vector<16xf32>
        %mul3A_204 = arith.mulf %get3A_202, %mul3A_203 : vector<16xf32>
        %swap3A_205 = arith.constant 0 : i32
        %swap3A_206 = arith.index_cast %scan3A_164 : i32 to index
        %swap3A_207 = arith.index_cast %swap3A_205 : i32 to index
        %swap3A_208 = arith.constant 0 : index
        %swap3A_209 = tpu.vector_load %arg14[%swap3A_206, %swap3A_207, %swap3A_208] {strides = array<i32>} : memref<128x5x16xf32, #tpu.memory_space<vmem>>, vector<1x1x16xf32>,
        %swap3A_210 = vector.shape_cast %swap3A_209 : vector<1x1x16xf32> to vector<16xf32>
        %swap3A_211 = vector.shape_cast %mul3A_204 : vector<16xf32> to vector<1x1x16xf32>
        tpu.vector_store %arg14[%swap3A_206, %swap3A_207, %swap3A_208], %swap3A_211 {strides = array<i32>} : memref<128x5x16xf32, #tpu.memory_space<vmem>>, vector<1x1x16xf32>,
        %get3A_212 = arith.constant 1 : i32
        %get3A_213 = arith.index_cast %scan3A_164 : i32 to index
        %get3A_214 = arith.index_cast %get3A_212 : i32 to index
        %get3A_215 = arith.constant 0 : index
        %get3A_216 = tpu.vector_load %arg10[%get3A_213, %get3A_214, %get3A_215] {strides = array<i32>} : memref<128x5x16xf32, #tpu.memory_space<vmem>>, vector<1x1x16xf32>,
        %get3A_217 = vector.shape_cast %get3A_216 : vector<1x1x16xf32> to vector<16xf32>
        %slice3A_218 = vector.extract_strided_slice %exp3A {offsets = [1], sizes = [1], strides = [1]} : vector<16xf32> to vector<1xf32>
        %squeeze3A_219 = vector.extract %slice3A_218[0] : f32 from vector<1xf32>
        %mul3A_220 = vector.broadcast %squeeze3A_219 : f32 to vector<16xf32>
        %mul3A_221 = arith.mulf %get3A_217, %mul3A_220 : vector<16xf32>
        %swap3A_222 = arith.constant 1 : i32
        %swap3A_223 = arith.index_cast %scan3A_164 : i32 to index
        %swap3A_224 = arith.index_cast %swap3A_222 : i32 to index
        %swap3A_225 = arith.constant 0 : index
        %swap3A_226 = tpu.vector_load %arg14[%swap3A_223, %swap3A_224, %swap3A_225] {strides = array<i32>} : memref<128x5x16xf32, #tpu.memory_space<vmem>>, vector<1x1x16xf32>,
        %swap3A_227 = vector.shape_cast %swap3A_226 : vector<1x1x16xf32> to vector<16xf32>
        %swap3A_228 = vector.shape_cast %mul3A_221 : vector<16xf32> to vector<1x1x16xf32>
        tpu.vector_store %arg14[%swap3A_223, %swap3A_224, %swap3A_225], %swap3A_228 {strides = array<i32>} : memref<128x5x16xf32, #tpu.memory_space<vmem>>, vector<1x1x16xf32>,
        %get3A_229 = arith.constant 2 : i32
        %get3A_230 = arith.index_cast %scan3A_164 : i32 to index
        %get3A_231 = arith.index_cast %get3A_229 : i32 to index
        %get3A_232 = arith.constant 0 : index
        %get3A_233 = tpu.vector_load %arg10[%get3A_230, %get3A_231, %get3A_232] {strides = array<i32>} : memref<128x5x16xf32, #tpu.memory_space<vmem>>, vector<1x1x16xf32>,
        %get3A_234 = vector.shape_cast %get3A_233 : vector<1x1x16xf32> to vector<16xf32>
        %slice3A_235 = vector.extract_strided_slice %exp3A {offsets = [2], sizes = [1], strides = [1]} : vector<16xf32> to vector<1xf32>
        %squeeze3A_236 = vector.extract %slice3A_235[0] : f32 from vector<1xf32>
        %mul3A_237 = vector.broadcast %squeeze3A_236 : f32 to vector<16xf32>
        %mul3A_238 = arith.mulf %get3A_234, %mul3A_237 : vector<16xf32>
        %swap3A_239 = arith.constant 2 : i32
        %swap3A_240 = arith.index_cast %scan3A_164 : i32 to index
        %swap3A_241 = arith.index_cast %swap3A_239 : i32 to index
        %swap3A_242 = arith.constant 0 : index
        %swap3A_243 = tpu.vector_load %arg14[%swap3A_240, %swap3A_241, %swap3A_242] {strides = array<i32>} : memref<128x5x16xf32, #tpu.memory_space<vmem>>, vector<1x1x16xf32>,
        %swap3A_244 = vector.shape_cast %swap3A_243 : vector<1x1x16xf32> to vector<16xf32>
        %swap3A_245 = vector.shape_cast %mul3A_238 : vector<16xf32> to vector<1x1x16xf32>
        tpu.vector_store %arg14[%swap3A_240, %swap3A_241, %swap3A_242], %swap3A_245 {strides = array<i32>} : memref<128x5x16xf32, #tpu.memory_space<vmem>>, vector<1x1x16xf32>,
        %get3A_246 = arith.constant 3 : i32
        %get3A_247 = arith.index_cast %scan3A_164 : i32 to index
        %get3A_248 = arith.index_cast %get3A_246 : i32 to index
        %get3A_249 = arith.constant 0 : index
        %get3A_250 = tpu.vector_load %arg10[%get3A_247, %get3A_248, %get3A_249] {strides = array<i32>} : memref<128x5x16xf32, #tpu.memory_space<vmem>>, vector<1x1x16xf32>,
        %get3A_251 = vector.shape_cast %get3A_250 : vector<1x1x16xf32> to vector<16xf32>
        %slice3A_252 = vector.extract_strided_slice %exp3A {offsets = [3], sizes = [1], strides = [1]} : vector<16xf32> to vector<1xf32>
        %squeeze3A_253 = vector.extract %slice3A_252[0] : f32 from vector<1xf32>
        %mul3A_254 = vector.broadcast %squeeze3A_253 : f32 to vector<16xf32>
        %mul3A_255 = arith.mulf %get3A_251, %mul3A_254 : vector<16xf32>
        %swap3A_256 = arith.constant 3 : i32
        %swap3A_257 = arith.index_cast %scan3A_164 : i32 to index
        %swap3A_258 = arith.index_cast %swap3A_256 : i32 to index
        %swap3A_259 = arith.constant 0 : index
        %swap3A_260 = tpu.vector_load %arg14[%swap3A_257, %swap3A_258, %swap3A_259] {strides = array<i32>} : memref<128x5x16xf32, #tpu.memory_space<vmem>>, vector<1x1x16xf32>,
        %swap3A_261 = vector.shape_cast %swap3A_260 : vector<1x1x16xf32> to vector<16xf32>
        %swap3A_262 = vector.shape_cast %mul3A_255 : vector<16xf32> to vector<1x1x16xf32>
        tpu.vector_store %arg14[%swap3A_257, %swap3A_258, %swap3A_259], %swap3A_262 {strides = array<i32>} : memref<128x5x16xf32, #tpu.memory_space<vmem>>, vector<1x1x16xf32>,
      }
      %scan3A_109 = arith.constant 128 : i32
      %mul3A_110 = arith.constant 4096 : i32
      %mul3A_111 = arith.muli %add3A_68, %mul3A_110 : i32
      %add3A_112 = arith.addi %mul3A_25, %mul3A_111 : i32
      %add3A_113 = arith.constant 128 : i32
      %add3A_114 = arith.addi %add3A_112, %add3A_113 : i32
      "tpu.region"() ({
        %run_scoped3A = tpu.sem_alloc : memref<!tpu.dma_semaphore, #tpu.memory_space<semaphore_mem>>
        %dma_start3A_164 = tpu.memref_slice %arg4[%add3A_114] : memref<671744xi32, #tpu.memory_space<hbm>> -> memref<128xi32, #tpu.memory_space<hbm>>
        %dma_start3A_165 = tpu.memref_slice %arg4[%add3A_114] : memref<671744xi32, #tpu.memory_space<hbm>> -> memref<128xi32, #tpu.memory_space<hbm>>
        tpu.enqueue_dma source(%dma_start3A_165 : memref<128xi32, #tpu.memory_space<hbm>>) target(%arg8 : memref<128xi32, #tpu.memory_space<vmem>>) target_semaphore(%run_scoped3A : memref<!tpu.dma_semaphore, #tpu.memory_space<semaphore_mem>>)
        %dma_wait3A_166 = tpu.memref_slice %arg4[%add3A_114] : memref<671744xi32, #tpu.memory_space<hbm>> -> memref<128xi32, #tpu.memory_space<hbm>>
        %dma_wait3A_167 = tpu.memref_slice %arg4[%add3A_114] : memref<671744xi32, #tpu.memory_space<hbm>> -> memref<128xi32, #tpu.memory_space<hbm>>
        tpu.wait_dma2 semaphore(%run_scoped3A : memref<!tpu.dma_semaphore, #tpu.memory_space<semaphore_mem>>) src(%dma_wait3A_167 : memref<128xi32, #tpu.memory_space<hbm>>) dst(%arg8 : memref<128xi32, #tpu.memory_space<vmem>>)
        tpu.yield
      }) : () -> ()
      %dma_start3A_115 = arith.constant 0 : i32
      %dma_start3A_116 = arith.constant 0 : i32
      %dma_start3A_117 = arith.constant 0 : i32
      %dma_start3A_118 = tpu.memref_slice %arg16[%dma_start3A_115, %dma_start3A_116, %dma_start3A_117] : memref<10016x5x16xf32, #tpu.memory_space<vmem_shared>> -> memref<10016x5x16xf32, #tpu.memory_space<vmem_shared>>
      tpu.enqueue_indirect_dma source(%arg14 : memref<128x5x16xf32, #tpu.memory_space<vmem>>) target(%dma_start3A_118 : memref<10016x5x16xf32, #tpu.memory_space<vmem_shared>>) offsets(%arg8 : memref<128xi32, #tpu.memory_space<vmem>>) semaphore(%arg19 : memref<!tpu.dma_semaphore, #tpu.memory_space<semaphore_mem>>) {add = true}
      %mul3A_119 = arith.constant 2 : i32
      %mul3A_120 = arith.muli %mul3A_119, %scan3A_64 : i32
      %add3A_121 = arith.constant 1 : i32
      %add3A_122 = arith.addi %mul3A_120, %add3A_121 : i32
      %ge3A_123 = arith.constant 1 : i32
      %ge3A_124 = arith.cmpi sge, %scan3A_64, %ge3A_123 : i32
      %convert_element_type3A_125 = arith.extui %ge3A_124 : i1 to i32
      %cond3A_126 = arith.constant 0 : i32
      %cond3A_127 = arith.cmpi ne, %convert_element_type3A_125, %cond3A_126 : i32
      scf.if %cond3A_127 {
        %dma_wait3A_164 = arith.constant 0 : i32
        %dma_wait3A_165 = arith.constant 0 : i32
        %dma_wait3A_166 = arith.constant 0 : i32
        %dma_wait3A_167 = tpu.memref_slice %arg16[%dma_wait3A_164, %dma_wait3A_165, %dma_wait3A_166] : memref<10016x5x16xf32, #tpu.memory_space<vmem_shared>> -> memref<128x5x16xf32, #tpu.memory_space<vmem_shared>>
        %dma_wait3A_168 = arith.constant 0 : i32
        %dma_wait3A_169 = arith.constant 0 : i32
        %dma_wait3A_170 = arith.constant 0 : i32
        %dma_wait3A_171 = tpu.memref_slice %arg16[%dma_wait3A_168, %dma_wait3A_169, %dma_wait3A_170] : memref<10016x5x16xf32, #tpu.memory_space<vmem_shared>> -> memref<128x5x16xf32, #tpu.memory_space<vmem_shared>>
        tpu.wait_dma2 semaphore(%arg20 : memref<!tpu.dma_semaphore, #tpu.memory_space<semaphore_mem>>) src(%arg15 : memref<128x5x16xf32, #tpu.memory_space<vmem>>) dst(%dma_wait3A_171 : memref<128x5x16xf32, #tpu.memory_space<vmem_shared>>)
      } else {
      }
      %lt3A_128 = arith.constant 40 : i32
      %lt3A_129 = arith.cmpi slt, %scan3A_64, %lt3A_128 : i32
      %convert_element_type3A_130 = arith.extui %lt3A_129 : i1 to i32
      %cond3A_131 = arith.constant 0 : i32
      %cond3A_132 = arith.cmpi ne, %convert_element_type3A_130, %cond3A_131 : i32
      scf.if %cond3A_132 {
        %add3A_164 = arith.constant 1 : i32
        %add3A_165 = arith.addi %add3A_122, %add3A_164 : i32
        %mul3A_166 = arith.constant 4096 : i32
        %mul3A_167 = arith.muli %add3A_165, %mul3A_166 : i32
        %add3A_168 = arith.addi %mul3A_25, %mul3A_167 : i32
        "tpu.region"() ({
          %run_scoped3A = tpu.sem_alloc : memref<!tpu.dma_semaphore, #tpu.memory_space<semaphore_mem>>
          %dma_start3A_181 = tpu.memref_slice %arg4[%add3A_168] : memref<671744xi32, #tpu.memory_space<hbm>> -> memref<256xi32, #tpu.memory_space<hbm>>
          %dma_start3A_182 = tpu.memref_slice %arg4[%add3A_168] : memref<671744xi32, #tpu.memory_space<hbm>> -> memref<256xi32, #tpu.memory_space<hbm>>
          tpu.enqueue_dma source(%dma_start3A_182 : memref<256xi32, #tpu.memory_space<hbm>>) target(%arg6 : memref<256xi32, #tpu.memory_space<vmem>>) target_semaphore(%run_scoped3A : memref<!tpu.dma_semaphore, #tpu.memory_space<semaphore_mem>>)
          %dma_wait3A_183 = tpu.memref_slice %arg4[%add3A_168] : memref<671744xi32, #tpu.memory_space<hbm>> -> memref<256xi32, #tpu.memory_space<hbm>>
          %dma_wait3A_184 = tpu.memref_slice %arg4[%add3A_168] : memref<671744xi32, #tpu.memory_space<hbm>> -> memref<256xi32, #tpu.memory_space<hbm>>
          tpu.wait_dma2 semaphore(%run_scoped3A : memref<!tpu.dma_semaphore, #tpu.memory_space<semaphore_mem>>) src(%dma_wait3A_184 : memref<256xi32, #tpu.memory_space<hbm>>) dst(%arg6 : memref<256xi32, #tpu.memory_space<vmem>>)
          tpu.yield
        }) : () -> ()
        %dma_start3A_169 = arith.constant 0 : i32
        %dma_start3A_170 = tpu.memref_slice %arg6[%dma_start3A_169] : memref<256xi32, #tpu.memory_space<vmem>> -> memref<128xi32, #tpu.memory_space<vmem>>
        %dma_start3A_171 = arith.constant 0 : i32
        %dma_start3A_172 = arith.constant 0 : i32
        %dma_start3A_173 = arith.constant 0 : i32
        %dma_start3A_174 = tpu.memref_slice %arg2[%dma_start3A_171, %dma_start3A_172, %dma_start3A_173] : memref<10000x5x16xf32, #tpu.memory_space<hbm>> -> memref<10000x5x16xf32, #tpu.memory_space<hbm>>
        tpu.enqueue_indirect_dma source(%dma_start3A_174 : memref<10000x5x16xf32, #tpu.memory_space<hbm>>) target(%arg10 : memref<128x5x16xf32, #tpu.memory_space<vmem>>) offsets(%dma_start3A_170 : memref<128xi32, #tpu.memory_space<vmem>>) semaphore(%arg17 : memref<!tpu.dma_semaphore, #tpu.memory_space<semaphore_mem>>)
        %dma_start3A_175 = arith.constant 128 : i32
        %dma_start3A_176 = tpu.memref_slice %arg6[%dma_start3A_175] : memref<256xi32, #tpu.memory_space<vmem>> -> memref<128xi32, #tpu.memory_space<vmem>>
        %dma_start3A_177 = arith.constant 0 : i32
        %dma_start3A_178 = arith.constant 0 : i32
        %dma_start3A_179 = arith.constant 0 : i32
        %dma_start3A_180 = tpu.memref_slice %arg3[%dma_start3A_177, %dma_start3A_178, %dma_start3A_179] : memref<10016x2x16xf32, #tpu.memory_space<hbm>> -> memref<10016x2x16xf32, #tpu.memory_space<hbm>>
        tpu.enqueue_indirect_dma source(%dma_start3A_180 : memref<10016x2x16xf32, #tpu.memory_space<hbm>>) target(%arg12 : memref<128x2x16xf32, #tpu.memory_space<vmem>>) offsets(%dma_start3A_176 : memref<128xi32, #tpu.memory_space<vmem>>) semaphore(%arg17 : memref<!tpu.dma_semaphore, #tpu.memory_space<semaphore_mem>>)
      } else {
      }
      %dma_wait3A_133 = arith.constant 0 : i32
      %dma_wait3A_134 = arith.constant 0 : i32
      %dma_wait3A_135 = arith.constant 0 : i32
      %dma_wait3A_136 = tpu.memref_slice %arg2[%dma_wait3A_133, %dma_wait3A_134, %dma_wait3A_135] : memref<10000x5x16xf32, #tpu.memory_space<hbm>> -> memref<128x5x16xf32, #tpu.memory_space<hbm>>
      %dma_wait3A_137 = arith.constant 0 : i32
      %dma_wait3A_138 = arith.constant 0 : i32
      %dma_wait3A_139 = arith.constant 0 : i32
      %dma_wait3A_140 = tpu.memref_slice %arg2[%dma_wait3A_137, %dma_wait3A_138, %dma_wait3A_139] : memref<10000x5x16xf32, #tpu.memory_space<hbm>> -> memref<128x5x16xf32, #tpu.memory_space<hbm>>
      tpu.wait_dma2 semaphore(%arg18 : memref<!tpu.dma_semaphore, #tpu.memory_space<semaphore_mem>>) src(%dma_wait3A_140 : memref<128x5x16xf32, #tpu.memory_space<hbm>>) dst(%arg11 : memref<128x5x16xf32, #tpu.memory_space<vmem>>)
      %dma_wait3A_141 = arith.constant 0 : i32
      %dma_wait3A_142 = arith.constant 0 : i32
      %dma_wait3A_143 = arith.constant 0 : i32
      %dma_wait3A_144 = tpu.memref_slice %arg3[%dma_wait3A_141, %dma_wait3A_142, %dma_wait3A_143] : memref<10016x2x16xf32, #tpu.memory_space<hbm>> -> memref<128x2x16xf32, #tpu.memory_space<hbm>>
      %dma_wait3A_145 = arith.constant 0 : i32
      %dma_wait3A_146 = arith.constant 0 : i32
      %dma_wait3A_147 = arith.constant 0 : i32
      %dma_wait3A_148 = tpu.memref_slice %arg3[%dma_wait3A_145, %dma_wait3A_146, %dma_wait3A_147] : memref<10016x2x16xf32, #tpu.memory_space<hbm>> -> memref<128x2x16xf32, #tpu.memory_space<hbm>>
      tpu.wait_dma2 semaphore(%arg18 : memref<!tpu.dma_semaphore, #tpu.memory_space<semaphore_mem>>) src(%dma_wait3A_148 : memref<128x2x16xf32, #tpu.memory_space<hbm>>) dst(%arg13 : memref<128x2x16xf32, #tpu.memory_space<vmem>>)
      %scan3A_149 = arith.constant 0 : i32
      %scan3A_150 = arith.constant 0 : i32
      %scan3A_151 = arith.constant 128 : i32
      %scan3A_152 = arith.addi %scan3A_150, %scan3A_151 : i32
      %scan3A_153 = arith.constant 1 : i32
      scf.for %scan3A_164 = %scan3A_150 to %scan3A_152 step %scan3A_153  : i32 {
        %get3A = arith.constant 4 : i32
        %get3A_165 = arith.index_cast %scan3A_164 : i32 to index
        %get3A_166 = arith.index_cast %get3A : i32 to index
        %get3A_167 = arith.constant 0 : index
        %get3A_168 = tpu.vector_load %arg11[%get3A_165, %get3A_166, %get3A_167] {strides = array<i32>} : memref<128x5x16xf32, #tpu.memory_space<vmem>>, vector<1x1x16xf32>,
        %get3A_169 = vector.shape_cast %get3A_168 : vector<1x1x16xf32> to vector<16xf32>
        %get3A_170 = arith.constant 0 : i32
        %get3A_171 = arith.index_cast %scan3A_164 : i32 to index
        %get3A_172 = arith.index_cast %get3A_170 : i32 to index
        %get3A_173 = arith.constant 0 : index
        %get3A_174 = tpu.vector_load %arg13[%get3A_171, %get3A_172, %get3A_173] {strides = array<i32>} : memref<128x2x16xf32, #tpu.memory_space<vmem>>, vector<1x1x16xf32>,
        %get3A_175 = vector.shape_cast %get3A_174 : vector<1x1x16xf32> to vector<16xf32>
        %add3A_176 = arith.addf %get3A_169, %get3A_175 : vector<16xf32>
        %ge3A_177 = arith.constant 0.000000e+00 : f32
        %ge3A_178 = vector.broadcast %ge3A_177 : f32 to vector<16xf32>
        %ge3A_179 = arith.cmpf oge, %add3A_176, %ge3A_178 : vector<16xf32>
        %mul3A_180 = arith.constant 2.000000e-01 : f32
        %mul3A_181 = vector.broadcast %mul3A_180 : f32 to vector<16xf32>
        %mul3A_182 = arith.mulf %mul3A_181, %add3A_176 : vector<16xf32>
        %select_n3A_183 = arith.select %ge3A_179, %add3A_176, %mul3A_182 : vector<16xi1>, vector<16xf32>
        %get3A_184 = arith.constant 1 : i32
        %get3A_185 = arith.index_cast %scan3A_164 : i32 to index
        %get3A_186 = arith.index_cast %get3A_184 : i32 to index
        %get3A_187 = arith.constant 0 : index
        %get3A_188 = tpu.vector_load %arg13[%get3A_185, %get3A_186, %get3A_187] {strides = array<i32>} : memref<128x2x16xf32, #tpu.memory_space<vmem>>, vector<1x1x16xf32>,
        %get3A_189 = vector.shape_cast %get3A_188 : vector<1x1x16xf32> to vector<16xf32>
        %sub3A = arith.subf %select_n3A_183, %get3A_189 : vector<16xf32>
        %exp3A = math.exp %sub3A : vector<16xf32>
        %mul3A_190 = arith.mulf %exp3A, %select_n3A : vector<16xf32>
        %swap3A = arith.constant 4 : i32
        %swap3A_191 = arith.index_cast %scan3A_164 : i32 to index
        %swap3A_192 = arith.index_cast %swap3A : i32 to index
        %swap3A_193 = arith.constant 0 : index
        %swap3A_194 = tpu.vector_load %arg15[%swap3A_191, %swap3A_192, %swap3A_193] {strides = array<i32>} : memref<128x5x16xf32, #tpu.memory_space<vmem>>, vector<1x1x16xf32>,
        %swap3A_195 = vector.shape_cast %swap3A_194 : vector<1x1x16xf32> to vector<16xf32>
        %swap3A_196 = vector.shape_cast %mul3A_190 : vector<16xf32> to vector<1x1x16xf32>
        tpu.vector_store %arg15[%swap3A_191, %swap3A_192, %swap3A_193], %swap3A_196 {strides = array<i32>} : memref<128x5x16xf32, #tpu.memory_space<vmem>>, vector<1x1x16xf32>,
        %get3A_197 = arith.constant 0 : i32
        %get3A_198 = arith.index_cast %scan3A_164 : i32 to index
        %get3A_199 = arith.index_cast %get3A_197 : i32 to index
        %get3A_200 = arith.constant 0 : index
        %get3A_201 = tpu.vector_load %arg11[%get3A_198, %get3A_199, %get3A_200] {strides = array<i32>} : memref<128x5x16xf32, #tpu.memory_space<vmem>>, vector<1x1x16xf32>,
        %get3A_202 = vector.shape_cast %get3A_201 : vector<1x1x16xf32> to vector<16xf32>
        %slice3A = vector.extract_strided_slice %exp3A {offsets = [0], sizes = [1], strides = [1]} : vector<16xf32> to vector<1xf32>
        %squeeze3A = vector.extract %slice3A[0] : f32 from vector<1xf32>
        %mul3A_203 = vector.broadcast %squeeze3A : f32 to vector<16xf32>
        %mul3A_204 = arith.mulf %get3A_202, %mul3A_203 : vector<16xf32>
        %swap3A_205 = arith.constant 0 : i32
        %swap3A_206 = arith.index_cast %scan3A_164 : i32 to index
        %swap3A_207 = arith.index_cast %swap3A_205 : i32 to index
        %swap3A_208 = arith.constant 0 : index
        %swap3A_209 = tpu.vector_load %arg15[%swap3A_206, %swap3A_207, %swap3A_208] {strides = array<i32>} : memref<128x5x16xf32, #tpu.memory_space<vmem>>, vector<1x1x16xf32>,
        %swap3A_210 = vector.shape_cast %swap3A_209 : vector<1x1x16xf32> to vector<16xf32>
        %swap3A_211 = vector.shape_cast %mul3A_204 : vector<16xf32> to vector<1x1x16xf32>
        tpu.vector_store %arg15[%swap3A_206, %swap3A_207, %swap3A_208], %swap3A_211 {strides = array<i32>} : memref<128x5x16xf32, #tpu.memory_space<vmem>>, vector<1x1x16xf32>,
        %get3A_212 = arith.constant 1 : i32
        %get3A_213 = arith.index_cast %scan3A_164 : i32 to index
        %get3A_214 = arith.index_cast %get3A_212 : i32 to index
        %get3A_215 = arith.constant 0 : index
        %get3A_216 = tpu.vector_load %arg11[%get3A_213, %get3A_214, %get3A_215] {strides = array<i32>} : memref<128x5x16xf32, #tpu.memory_space<vmem>>, vector<1x1x16xf32>,
        %get3A_217 = vector.shape_cast %get3A_216 : vector<1x1x16xf32> to vector<16xf32>
        %slice3A_218 = vector.extract_strided_slice %exp3A {offsets = [1], sizes = [1], strides = [1]} : vector<16xf32> to vector<1xf32>
        %squeeze3A_219 = vector.extract %slice3A_218[0] : f32 from vector<1xf32>
        %mul3A_220 = vector.broadcast %squeeze3A_219 : f32 to vector<16xf32>
        %mul3A_221 = arith.mulf %get3A_217, %mul3A_220 : vector<16xf32>
        %swap3A_222 = arith.constant 1 : i32
        %swap3A_223 = arith.index_cast %scan3A_164 : i32 to index
        %swap3A_224 = arith.index_cast %swap3A_222 : i32 to index
        %swap3A_225 = arith.constant 0 : index
        %swap3A_226 = tpu.vector_load %arg15[%swap3A_223, %swap3A_224, %swap3A_225] {strides = array<i32>} : memref<128x5x16xf32, #tpu.memory_space<vmem>>, vector<1x1x16xf32>,
        %swap3A_227 = vector.shape_cast %swap3A_226 : vector<1x1x16xf32> to vector<16xf32>
        %swap3A_228 = vector.shape_cast %mul3A_221 : vector<16xf32> to vector<1x1x16xf32>
        tpu.vector_store %arg15[%swap3A_223, %swap3A_224, %swap3A_225], %swap3A_228 {strides = array<i32>} : memref<128x5x16xf32, #tpu.memory_space<vmem>>, vector<1x1x16xf32>,
        %get3A_229 = arith.constant 2 : i32
        %get3A_230 = arith.index_cast %scan3A_164 : i32 to index
        %get3A_231 = arith.index_cast %get3A_229 : i32 to index
        %get3A_232 = arith.constant 0 : index
        %get3A_233 = tpu.vector_load %arg11[%get3A_230, %get3A_231, %get3A_232] {strides = array<i32>} : memref<128x5x16xf32, #tpu.memory_space<vmem>>, vector<1x1x16xf32>,
        %get3A_234 = vector.shape_cast %get3A_233 : vector<1x1x16xf32> to vector<16xf32>
        %slice3A_235 = vector.extract_strided_slice %exp3A {offsets = [2], sizes = [1], strides = [1]} : vector<16xf32> to vector<1xf32>
        %squeeze3A_236 = vector.extract %slice3A_235[0] : f32 from vector<1xf32>
        %mul3A_237 = vector.broadcast %squeeze3A_236 : f32 to vector<16xf32>
        %mul3A_238 = arith.mulf %get3A_234, %mul3A_237 : vector<16xf32>
        %swap3A_239 = arith.constant 2 : i32
        %swap3A_240 = arith.index_cast %scan3A_164 : i32 to index
        %swap3A_241 = arith.index_cast %swap3A_239 : i32 to index
        %swap3A_242 = arith.constant 0 : index
        %swap3A_243 = tpu.vector_load %arg15[%swap3A_240, %swap3A_241, %swap3A_242] {strides = array<i32>} : memref<128x5x16xf32, #tpu.memory_space<vmem>>, vector<1x1x16xf32>,
        %swap3A_244 = vector.shape_cast %swap3A_243 : vector<1x1x16xf32> to vector<16xf32>
        %swap3A_245 = vector.shape_cast %mul3A_238 : vector<16xf32> to vector<1x1x16xf32>
        tpu.vector_store %arg15[%swap3A_240, %swap3A_241, %swap3A_242], %swap3A_245 {strides = array<i32>} : memref<128x5x16xf32, #tpu.memory_space<vmem>>, vector<1x1x16xf32>,
        %get3A_246 = arith.constant 3 : i32
        %get3A_247 = arith.index_cast %scan3A_164 : i32 to index
        %get3A_248 = arith.index_cast %get3A_246 : i32 to index
        %get3A_249 = arith.constant 0 : index
        %get3A_250 = tpu.vector_load %arg11[%get3A_247, %get3A_248, %get3A_249] {strides = array<i32>} : memref<128x5x16xf32, #tpu.memory_space<vmem>>, vector<1x1x16xf32>,
        %get3A_251 = vector.shape_cast %get3A_250 : vector<1x1x16xf32> to vector<16xf32>
        %slice3A_252 = vector.extract_strided_slice %exp3A {offsets = [3], sizes = [1], strides = [1]} : vector<16xf32> to vector<1xf32>
        %squeeze3A_253 = vector.extract %slice3A_252[0] : f32 from vector<1xf32>
        %mul3A_254 = vector.broadcast %squeeze3A_253 : f32 to vector<16xf32>
        %mul3A_255 = arith.mulf %get3A_251, %mul3A_254 : vector<16xf32>
        %swap3A_256 = arith.constant 3 : i32
        %swap3A_257 = arith.index_cast %scan3A_164 : i32 to index
        %swap3A_258 = arith.index_cast %swap3A_256 : i32 to index
        %swap3A_259 = arith.constant 0 : index
        %swap3A_260 = tpu.vector_load %arg15[%swap3A_257, %swap3A_258, %swap3A_259] {strides = array<i32>} : memref<128x5x16xf32, #tpu.memory_space<vmem>>, vector<1x1x16xf32>,
        %swap3A_261 = vector.shape_cast %swap3A_260 : vector<1x1x16xf32> to vector<16xf32>
        %swap3A_262 = vector.shape_cast %mul3A_255 : vector<16xf32> to vector<1x1x16xf32>
        tpu.vector_store %arg15[%swap3A_257, %swap3A_258, %swap3A_259], %swap3A_262 {strides = array<i32>} : memref<128x5x16xf32, #tpu.memory_space<vmem>>, vector<1x1x16xf32>,
      }
      %scan3A_154 = arith.constant 128 : i32
      %mul3A_155 = arith.constant 4096 : i32
      %mul3A_156 = arith.muli %add3A_122, %mul3A_155 : i32
      %add3A_157 = arith.addi %mul3A_25, %mul3A_156 : i32
      %add3A_158 = arith.constant 128 : i32
      %add3A_159 = arith.addi %add3A_157, %add3A_158 : i32
      "tpu.region"() ({
        %run_scoped3A = tpu.sem_alloc : memref<!tpu.dma_semaphore, #tpu.memory_space<semaphore_mem>>
        %dma_start3A_164 = tpu.memref_slice %arg4[%add3A_159] : memref<671744xi32, #tpu.memory_space<hbm>> -> memref<128xi32, #tpu.memory_space<hbm>>
        %dma_start3A_165 = tpu.memref_slice %arg4[%add3A_159] : memref<671744xi32, #tpu.memory_space<hbm>> -> memref<128xi32, #tpu.memory_space<hbm>>
        tpu.enqueue_dma source(%dma_start3A_165 : memref<128xi32, #tpu.memory_space<hbm>>) target(%arg9 : memref<128xi32, #tpu.memory_space<vmem>>) target_semaphore(%run_scoped3A : memref<!tpu.dma_semaphore, #tpu.memory_space<semaphore_mem>>)
        %dma_wait3A_166 = tpu.memref_slice %arg4[%add3A_159] : memref<671744xi32, #tpu.memory_space<hbm>> -> memref<128xi32, #tpu.memory_space<hbm>>
        %dma_wait3A_167 = tpu.memref_slice %arg4[%add3A_159] : memref<671744xi32, #tpu.memory_space<hbm>> -> memref<128xi32, #tpu.memory_space<hbm>>
        tpu.wait_dma2 semaphore(%run_scoped3A : memref<!tpu.dma_semaphore, #tpu.memory_space<semaphore_mem>>) src(%dma_wait3A_167 : memref<128xi32, #tpu.memory_space<hbm>>) dst(%arg9 : memref<128xi32, #tpu.memory_space<vmem>>)
        tpu.yield
      }) : () -> ()
      %dma_start3A_160 = arith.constant 0 : i32
      %dma_start3A_161 = arith.constant 0 : i32
      %dma_start3A_162 = arith.constant 0 : i32
      %dma_start3A_163 = tpu.memref_slice %arg16[%dma_start3A_160, %dma_start3A_161, %dma_start3A_162] : memref<10016x5x16xf32, #tpu.memory_space<vmem_shared>> -> memref<10016x5x16xf32, #tpu.memory_space<vmem_shared>>
      tpu.enqueue_indirect_dma source(%arg15 : memref<128x5x16xf32, #tpu.memory_space<vmem>>) target(%dma_start3A_163 : memref<10016x5x16xf32, #tpu.memory_space<vmem_shared>>) offsets(%arg9 : memref<128xi32, #tpu.memory_space<vmem>>) semaphore(%arg20 : memref<!tpu.dma_semaphore, #tpu.memory_space<semaphore_mem>>) {add = true}
    }
    %scan3A_44 = arith.constant 41 : i32
    %dma_wait3A = arith.constant 0 : i32
    %dma_wait3A_45 = arith.constant 0 : i32
    %dma_wait3A_46 = arith.constant 0 : i32
    %dma_wait3A_47 = tpu.memref_slice %arg16[%dma_wait3A, %dma_wait3A_45, %dma_wait3A_46] : memref<10016x5x16xf32, #tpu.memory_space<vmem_shared>> -> memref<128x5x16xf32, #tpu.memory_space<vmem_shared>>
    %dma_wait3A_48 = arith.constant 0 : i32
    %dma_wait3A_49 = arith.constant 0 : i32
    %dma_wait3A_50 = arith.constant 0 : i32
    %dma_wait3A_51 = tpu.memref_slice %arg16[%dma_wait3A_48, %dma_wait3A_49, %dma_wait3A_50] : memref<10016x5x16xf32, #tpu.memory_space<vmem_shared>> -> memref<128x5x16xf32, #tpu.memory_space<vmem_shared>>
    tpu.wait_dma2 semaphore(%arg19 : memref<!tpu.dma_semaphore, #tpu.memory_space<semaphore_mem>>) src(%arg14 : memref<128x5x16xf32, #tpu.memory_space<vmem>>) dst(%dma_wait3A_51 : memref<128x5x16xf32, #tpu.memory_space<vmem_shared>>)
    %dma_wait3A_52 = arith.constant 0 : i32
    %dma_wait3A_53 = arith.constant 0 : i32
    %dma_wait3A_54 = arith.constant 0 : i32
    %dma_wait3A_55 = tpu.memref_slice %arg16[%dma_wait3A_52, %dma_wait3A_53, %dma_wait3A_54] : memref<10016x5x16xf32, #tpu.memory_space<vmem_shared>> -> memref<128x5x16xf32, #tpu.memory_space<vmem_shared>>
    %dma_wait3A_56 = arith.constant 0 : i32
    %dma_wait3A_57 = arith.constant 0 : i32
    %dma_wait3A_58 = arith.constant 0 : i32
    %dma_wait3A_59 = tpu.memref_slice %arg16[%dma_wait3A_56, %dma_wait3A_57, %dma_wait3A_58] : memref<10016x5x16xf32, #tpu.memory_space<vmem_shared>> -> memref<128x5x16xf32, #tpu.memory_space<vmem_shared>>
    tpu.wait_dma2 semaphore(%arg20 : memref<!tpu.dma_semaphore, #tpu.memory_space<semaphore_mem>>) src(%arg15 : memref<128x5x16xf32, #tpu.memory_space<vmem>>) dst(%dma_wait3A_59 : memref<128x5x16xf32, #tpu.memory_space<vmem_shared>>)
    %barrier3A_60 = arith.constant 0 : index
    tpu.barrier barrier_id(%barrier3A_60)
    %mul3A_61 = arith.constant 10016 : i32
    %mul3A_62 = arith.muli %arg0, %mul3A_61 : i32
    %add3A_63 = arith.addi %mul3A_62, %mul3A_0 : i32
    "tpu.region"() ({
      %run_scoped3A = tpu.sem_alloc : memref<!tpu.dma_semaphore, #tpu.memory_space<semaphore_mem>>
      %dma_start3A_64 = arith.constant 0 : i32
      %dma_start3A_65 = arith.constant 0 : i32
      %dma_start3A_66 = tpu.memref_slice %arg5[%add3A_63, %dma_start3A_64, %dma_start3A_65] : memref<20032x5x16xf32, #tpu.memory_space<hbm>> -> memref<626x5x16xf32, #tpu.memory_space<hbm>>
      %dma_start3A_67 = arith.constant 0 : i32
      %dma_start3A_68 = arith.constant 0 : i32
      %dma_start3A_69 = tpu.memref_slice %arg16[%mul3A_0, %dma_start3A_67, %dma_start3A_68] : memref<10016x5x16xf32, #tpu.memory_space<vmem_shared>> -> memref<626x5x16xf32, #tpu.memory_space<vmem_shared>>
      tpu.enqueue_dma source(%dma_start3A_69 : memref<626x5x16xf32, #tpu.memory_space<vmem_shared>>) target(%dma_start3A_66 : memref<626x5x16xf32, #tpu.memory_space<hbm>>) target_semaphore(%run_scoped3A : memref<!tpu.dma_semaphore, #tpu.memory_space<semaphore_mem>>)
      %dma_wait3A_70 = arith.constant 0 : i32
      %dma_wait3A_71 = arith.constant 0 : i32
      %dma_wait3A_72 = tpu.memref_slice %arg5[%add3A_63, %dma_wait3A_70, %dma_wait3A_71] : memref<20032x5x16xf32, #tpu.memory_space<hbm>> -> memref<626x5x16xf32, #tpu.memory_space<hbm>>
      %dma_wait3A_73 = arith.constant 0 : i32
      %dma_wait3A_74 = arith.constant 0 : i32
      %dma_wait3A_75 = tpu.memref_slice %arg16[%mul3A_0, %dma_wait3A_73, %dma_wait3A_74] : memref<10016x5x16xf32, #tpu.memory_space<vmem_shared>> -> memref<626x5x16xf32, #tpu.memory_space<vmem_shared>>
      tpu.wait_dma2 semaphore(%run_scoped3A : memref<!tpu.dma_semaphore, #tpu.memory_space<semaphore_mem>>) src(%dma_wait3A_75 : memref<626x5x16xf32, #tpu.memory_space<vmem_shared>>) dst(%dma_wait3A_72 : memref<626x5x16xf32, #tpu.memory_space<hbm>>)
      tpu.yield
    }) : () -> ()
    return
  }
}

module attributes {stable_mosaic.version = 14 : i64} {
  func.func @_embed_body(%arg0: memref<10000x128xf32, #tpu.memory_space<vmem>>, %arg1: memref<128x64xf32, #tpu.memory_space<vmem>>, %arg2: memref<1x64xf32, #tpu.memory_space<vmem>>, %arg3: memref<64x64xf32, #tpu.memory_space<vmem>>, %arg4: memref<64x16xf32, #tpu.memory_space<vmem>>, %arg5: memref<64x16xf32, #tpu.memory_space<vmem>>, %arg6: memref<10000x80xf32, #tpu.memory_space<vmem>>, %arg7: memref<10016x32xf32, #tpu.memory_space<vmem>>) attributes {dimension_semantics = [], scalar_prefetch = 0 : i64, scratch_operands = 0 : i64, tpu.core_type = #tpu.core_type<tc>} {
    %get3A = arith.constant 0 : index
    %get3A_0 = arith.constant 0 : index
    %get3A_1 = vector.load %arg0[%get3A, %get3A_0] : memref<10000x128xf32, #tpu.memory_space<vmem>>, vector<10000x128xf32>
    %get3A_2 = arith.constant 0 : index
    %get3A_3 = arith.constant 0 : index
    %get3A_4 = vector.load %arg1[%get3A_2, %get3A_3] : memref<128x64xf32, #tpu.memory_space<vmem>>, vector<128x64xf32>
    %dot_general3A = arith.constant dense<0.000000e+00> : vector<10000x64xf32>
    %dot_general3A_5 = tpu.matmul %get3A_1, %get3A_4, %dot_general3A {dimension_numbers = #tpu.dot_dimension_numbers<[1], [0], [0], [1], [0, 0, 1, 1], [], []>, precision = #tpu.contract_precision<fp32>, transpose_lhs_hint = false} : vector<10000x128xf32>, vector<128x64xf32>, vector<10000x64xf32> -> vector<10000x64xf32>
    %get3A_6 = arith.constant 0 : index
    %get3A_7 = arith.constant 0 : index
    %get3A_8 = vector.load %arg2[%get3A_6, %get3A_7] : memref<1x64xf32, #tpu.memory_space<vmem>>, vector<1x64xf32>
    %add3A = vector.broadcast %get3A_8 : vector<1x64xf32> to vector<10000x64xf32>
    %add3A_9 = arith.addf %dot_general3A_5, %add3A : vector<10000x64xf32>
    %get3A_10 = arith.constant 0 : index
    %get3A_11 = arith.constant 0 : index
    %get3A_12 = vector.load %arg3[%get3A_10, %get3A_11] : memref<64x64xf32, #tpu.memory_space<vmem>>, vector<64x64xf32>
    %dot_general3A_13 = arith.constant dense<0.000000e+00> : vector<10000x64xf32>
    %dot_general3A_14 = tpu.matmul %add3A_9, %get3A_12, %dot_general3A_13 {dimension_numbers = #tpu.dot_dimension_numbers<[1], [0], [0], [1], [0, 0, 1, 1], [], []>, precision = #tpu.contract_precision<fp32>, transpose_lhs_hint = false} : vector<10000x64xf32>, vector<64x64xf32>, vector<10000x64xf32> -> vector<10000x64xf32>
    %get3A_15 = arith.constant 0 : index
    %get3A_16 = arith.constant 0 : index
    %get3A_17 = vector.load %arg4[%get3A_15, %get3A_16] : memref<64x16xf32, #tpu.memory_space<vmem>>, vector<64x16xf32>
    %get3A_18 = arith.constant 0 : index
    %get3A_19 = arith.constant 0 : index
    %get3A_20 = vector.load %arg5[%get3A_18, %get3A_19] : memref<64x16xf32, #tpu.memory_space<vmem>>, vector<64x16xf32>
    %dot_general3A_21 = arith.constant dense<0.000000e+00> : vector<10000x16xf32>
    %dot_general3A_22 = tpu.matmul %dot_general3A_14, %get3A_17, %dot_general3A_21 {dimension_numbers = #tpu.dot_dimension_numbers<[1], [0], [0], [1], [0, 0, 1, 1], [], []>, precision = #tpu.contract_precision<fp32>, transpose_lhs_hint = false} : vector<10000x64xf32>, vector<64x16xf32>, vector<10000x16xf32> -> vector<10000x16xf32>
    %dot_general3A_23 = arith.constant dense<0.000000e+00> : vector<10000x16xf32>
    %dot_general3A_24 = tpu.matmul %dot_general3A_14, %get3A_20, %dot_general3A_23 {dimension_numbers = #tpu.dot_dimension_numbers<[1], [0], [0], [1], [0, 0, 1, 1], [], []>, precision = #tpu.contract_precision<fp32>, transpose_lhs_hint = false} : vector<10000x64xf32>, vector<64x16xf32>, vector<10000x16xf32> -> vector<10000x16xf32>
    %reduce_max3A = arith.constant dense<0xFF800000> : vector<16xf32>
    %reduce_max3A_25 = vector.multi_reduction <maximumf>, %dot_general3A_22, %reduce_max3A [0] : vector<10000x16xf32> to vector<16xf32>
    %broadcast_in_dim3A = vector.shape_cast %reduce_max3A_25 : vector<16xf32> to vector<1x16xf32>
    %add3A_26 = vector.broadcast %broadcast_in_dim3A : vector<1x16xf32> to vector<10000x16xf32>
    %add3A_27 = arith.addf %add3A_26, %dot_general3A_24 : vector<10000x16xf32>
    %ge3A = arith.constant 0.000000e+00 : f32
    %ge3A_28 = vector.broadcast %ge3A : f32 to vector<10000x16xf32>
    %ge3A_29 = arith.cmpf oge, %add3A_27, %ge3A_28 : vector<10000x16xf32>
    %mul3A = arith.constant 2.000000e-01 : f32
    %mul3A_30 = vector.broadcast %mul3A : f32 to vector<10000x16xf32>
    %mul3A_31 = arith.mulf %mul3A_30, %add3A_27 : vector<10000x16xf32>
    %select_n3A = arith.select %ge3A_29, %add3A_27, %mul3A_31 : vector<10000x16xi1>, vector<10000x16xf32>
    %concatenate3A = tpu.concatenate %dot_general3A_24, %select_n3A in 1 : vector<10000x16xf32>, vector<10000x16xf32> -> vector<10000x32xf32>
    %concatenate3A_32 = tpu.concatenate %dot_general3A_14, %dot_general3A_22 in 1 : vector<10000x64xf32>, vector<10000x16xf32> -> vector<10000x80xf32>
    %swap3A = arith.constant 0 : index
    %swap3A_33 = arith.constant 0 : index
    %swap3A_34 = vector.load %arg6[%swap3A, %swap3A_33] : memref<10000x80xf32, #tpu.memory_space<vmem>>, vector<10000x80xf32>
    tpu.vector_store %arg6[%swap3A, %swap3A_33], %concatenate3A_32 {strides = array<i32>} : memref<10000x80xf32, #tpu.memory_space<vmem>>, vector<10000x80xf32>,
    %swap3A_35 = arith.constant 0 : index
    %swap3A_36 = arith.constant 0 : index
    %swap3A_37 = vector.load %arg7[%swap3A_35, %swap3A_36] : memref<10016x32xf32, #tpu.memory_space<vmem>>, vector<10000x32xf32>
    tpu.vector_store %arg7[%swap3A_35, %swap3A_36], %concatenate3A {strides = array<i32>} : memref<10016x32xf32, #tpu.memory_space<vmem>>, vector<10000x32xf32>,
    %broadcast_in_dim3A_38 = arith.constant 0.000000e+00 : f32
    %broadcast_in_dim3A_39 = vector.broadcast %broadcast_in_dim3A_38 : f32 to vector<16x32xf32>
    %swap3A_40 = arith.constant 10000 : index
    %swap3A_41 = arith.constant 0 : index
    %swap3A_42 = vector.load %arg7[%swap3A_40, %swap3A_41] : memref<10016x32xf32, #tpu.memory_space<vmem>>, vector<16x32xf32>
    tpu.vector_store %arg7[%swap3A_40, %swap3A_41], %broadcast_in_dim3A_39 {strides = array<i32>} : memref<10016x32xf32, #tpu.memory_space<vmem>>, vector<16x32xf32>,
    return
  }
}

module attributes {stable_mosaic.version = 14 : i64} {
  func.func @_mid_body(%arg0: memref<10016x80xf32, #tpu.memory_space<vmem>>, %arg1: memref<10016x80xf32, #tpu.memory_space<vmem>>, %arg2: memref<1x64xf32, #tpu.memory_space<vmem>>, %arg3: memref<16x64xf32, #tpu.memory_space<vmem>>, %arg4: memref<64x64xf32, #tpu.memory_space<vmem>>, %arg5: memref<64x16xf32, #tpu.memory_space<vmem>>, %arg6: memref<64x16xf32, #tpu.memory_space<vmem>>, %arg7: memref<10000x80xf32, #tpu.memory_space<vmem>>, %arg8: memref<10016x32xf32, #tpu.memory_space<vmem>>) attributes {dimension_semantics = [], scalar_prefetch = 0 : i64, scratch_operands = 0 : i64, tpu.core_type = #tpu.core_type<tc>} {
    %get3A = arith.constant 0 : index
    %get3A_0 = arith.constant 0 : index
    %get3A_1 = vector.load %arg0[%get3A, %get3A_0] : memref<10016x80xf32, #tpu.memory_space<vmem>>, vector<10000x64xf32>
    %get3A_2 = arith.constant 0 : index
    %get3A_3 = arith.constant 0 : index
    %get3A_4 = vector.load %arg1[%get3A_2, %get3A_3] : memref<10016x80xf32, #tpu.memory_space<vmem>>, vector<10000x64xf32>
    %add3A = arith.addf %get3A_1, %get3A_4 : vector<10000x64xf32>
    %get3A_5 = arith.constant 0 : index
    %get3A_6 = arith.constant 64 : index
    %get3A_7 = vector.load %arg0[%get3A_5, %get3A_6] : memref<10016x80xf32, #tpu.memory_space<vmem>>, vector<10000x16xf32>
    %get3A_8 = arith.constant 0 : index
    %get3A_9 = arith.constant 64 : index
    %get3A_10 = vector.load %arg1[%get3A_8, %get3A_9] : memref<10016x80xf32, #tpu.memory_space<vmem>>, vector<10000x16xf32>
    %add3A_11 = arith.addf %get3A_7, %get3A_10 : vector<10000x16xf32>
    %get3A_12 = arith.constant 0 : index
    %get3A_13 = arith.constant 0 : index
    %get3A_14 = vector.load %arg3[%get3A_12, %get3A_13] : memref<16x64xf32, #tpu.memory_space<vmem>>, vector<16x64xf32>
    %dot_general3A = arith.constant dense<0.000000e+00> : vector<10000x64xf32>
    %dot_general3A_15 = tpu.matmul %add3A_11, %get3A_14, %dot_general3A {dimension_numbers = #tpu.dot_dimension_numbers<[1], [0], [0], [1], [0, 0, 1, 1], [], []>, precision = #tpu.contract_precision<fp32>, transpose_lhs_hint = false} : vector<10000x16xf32>, vector<16x64xf32>, vector<10000x64xf32> -> vector<10000x64xf32>
    %add3A_16 = arith.constant 1.000000e-16 : f32
    %add3A_17 = vector.broadcast %add3A_16 : f32 to vector<10000x64xf32>
    %add3A_18 = arith.addf %dot_general3A_15, %add3A_17 : vector<10000x64xf32>
    %div3A = arith.divf %add3A, %add3A_18 : vector<10000x64xf32>
    %get3A_19 = arith.constant 0 : index
    %get3A_20 = arith.constant 0 : index
    %get3A_21 = vector.load %arg2[%get3A_19, %get3A_20] : memref<1x64xf32, #tpu.memory_space<vmem>>, vector<1x64xf32>
    %add3A_22 = vector.broadcast %get3A_21 : vector<1x64xf32> to vector<10000x64xf32>
    %add3A_23 = arith.addf %div3A, %add3A_22 : vector<10000x64xf32>
    %max3A = arith.constant 0.000000e+00 : f32
    %max3A_24 = vector.broadcast %max3A : f32 to vector<10000x64xf32>
    %max3A_25 = arith.maximumf %add3A_23, %max3A_24 : vector<10000x64xf32>
    %get3A_26 = arith.constant 0 : index
    %get3A_27 = arith.constant 0 : index
    %get3A_28 = vector.load %arg4[%get3A_26, %get3A_27] : memref<64x64xf32, #tpu.memory_space<vmem>>, vector<64x64xf32>
    %dot_general3A_29 = arith.constant dense<0.000000e+00> : vector<10000x64xf32>
    %dot_general3A_30 = tpu.matmul %max3A_25, %get3A_28, %dot_general3A_29 {dimension_numbers = #tpu.dot_dimension_numbers<[1], [0], [0], [1], [0, 0, 1, 1], [], []>, precision = #tpu.contract_precision<fp32>, transpose_lhs_hint = false} : vector<10000x64xf32>, vector<64x64xf32>, vector<10000x64xf32> -> vector<10000x64xf32>
    %get3A_31 = arith.constant 0 : index
    %get3A_32 = arith.constant 0 : index
    %get3A_33 = vector.load %arg5[%get3A_31, %get3A_32] : memref<64x16xf32, #tpu.memory_space<vmem>>, vector<64x16xf32>
    %get3A_34 = arith.constant 0 : index
    %get3A_35 = arith.constant 0 : index
    %get3A_36 = vector.load %arg6[%get3A_34, %get3A_35] : memref<64x16xf32, #tpu.memory_space<vmem>>, vector<64x16xf32>
    %dot_general3A_37 = arith.constant dense<0.000000e+00> : vector<10000x16xf32>
    %dot_general3A_38 = tpu.matmul %dot_general3A_30, %get3A_33, %dot_general3A_37 {dimension_numbers = #tpu.dot_dimension_numbers<[1], [0], [0], [1], [0, 0, 1, 1], [], []>, precision = #tpu.contract_precision<fp32>, transpose_lhs_hint = false} : vector<10000x64xf32>, vector<64x16xf32>, vector<10000x16xf32> -> vector<10000x16xf32>
    %dot_general3A_39 = arith.constant dense<0.000000e+00> : vector<10000x16xf32>
    %dot_general3A_40 = tpu.matmul %dot_general3A_30, %get3A_36, %dot_general3A_39 {dimension_numbers = #tpu.dot_dimension_numbers<[1], [0], [0], [1], [0, 0, 1, 1], [], []>, precision = #tpu.contract_precision<fp32>, transpose_lhs_hint = false} : vector<10000x64xf32>, vector<64x16xf32>, vector<10000x16xf32> -> vector<10000x16xf32>
    %reduce_max3A = arith.constant dense<0xFF800000> : vector<16xf32>
    %reduce_max3A_41 = vector.multi_reduction <maximumf>, %dot_general3A_38, %reduce_max3A [0] : vector<10000x16xf32> to vector<16xf32>
    %broadcast_in_dim3A = vector.shape_cast %reduce_max3A_41 : vector<16xf32> to vector<1x16xf32>
    %add3A_42 = vector.broadcast %broadcast_in_dim3A : vector<1x16xf32> to vector<10000x16xf32>
    %add3A_43 = arith.addf %add3A_42, %dot_general3A_40 : vector<10000x16xf32>
    %ge3A = arith.constant 0.000000e+00 : f32
    %ge3A_44 = vector.broadcast %ge3A : f32 to vector<10000x16xf32>
    %ge3A_45 = arith.cmpf oge, %add3A_43, %ge3A_44 : vector<10000x16xf32>
    %mul3A = arith.constant 2.000000e-01 : f32
    %mul3A_46 = vector.broadcast %mul3A : f32 to vector<10000x16xf32>
    %mul3A_47 = arith.mulf %mul3A_46, %add3A_43 : vector<10000x16xf32>
    %select_n3A = arith.select %ge3A_45, %add3A_43, %mul3A_47 : vector<10000x16xi1>, vector<10000x16xf32>
    %concatenate3A = tpu.concatenate %dot_general3A_40, %select_n3A in 1 : vector<10000x16xf32>, vector<10000x16xf32> -> vector<10000x32xf32>
    %concatenate3A_48 = tpu.concatenate %dot_general3A_30, %dot_general3A_38 in 1 : vector<10000x64xf32>, vector<10000x16xf32> -> vector<10000x80xf32>
    %swap3A = arith.constant 0 : index
    %swap3A_49 = arith.constant 0 : index
    %swap3A_50 = vector.load %arg7[%swap3A, %swap3A_49] : memref<10000x80xf32, #tpu.memory_space<vmem>>, vector<10000x80xf32>
    tpu.vector_store %arg7[%swap3A, %swap3A_49], %concatenate3A_48 {strides = array<i32>} : memref<10000x80xf32, #tpu.memory_space<vmem>>, vector<10000x80xf32>,
    %swap3A_51 = arith.constant 0 : index
    %swap3A_52 = arith.constant 0 : index
    %swap3A_53 = vector.load %arg8[%swap3A_51, %swap3A_52] : memref<10016x32xf32, #tpu.memory_space<vmem>>, vector<10000x32xf32>
    tpu.vector_store %arg8[%swap3A_51, %swap3A_52], %concatenate3A {strides = array<i32>} : memref<10016x32xf32, #tpu.memory_space<vmem>>, vector<10000x32xf32>,
    %broadcast_in_dim3A_54 = arith.constant 0.000000e+00 : f32
    %broadcast_in_dim3A_55 = vector.broadcast %broadcast_in_dim3A_54 : f32 to vector<16x32xf32>
    %swap3A_56 = arith.constant 10000 : index
    %swap3A_57 = arith.constant 0 : index
    %swap3A_58 = vector.load %arg8[%swap3A_56, %swap3A_57] : memref<10016x32xf32, #tpu.memory_space<vmem>>, vector<16x32xf32>
    tpu.vector_store %arg8[%swap3A_56, %swap3A_57], %broadcast_in_dim3A_55 {strides = array<i32>} : memref<10016x32xf32, #tpu.memory_space<vmem>>, vector<16x32xf32>,
    return
  }
}

module attributes {stable_mosaic.version = 14 : i64} {
  func.func @_final_body(%arg0: memref<10016x80xf32, #tpu.memory_space<vmem>>, %arg1: memref<10016x80xf32, #tpu.memory_space<vmem>>, %arg2: memref<1x64xf32, #tpu.memory_space<vmem>>, %arg3: memref<10000x1xi32, #tpu.memory_space<vmem>>, %arg4: memref<128x64xf32, #tpu.memory_space<vmem>>, %arg5: memref<1x64xf32, #tpu.memory_space<vmem>>, %arg6: memref<64x1xf32, #tpu.memory_space<vmem>>, %arg7: memref<1x1xf32, #tpu.memory_space<vmem>>, %arg8: memref<64x1xf32, #tpu.memory_space<vmem>>) attributes {dimension_semantics = [], scalar_prefetch = 0 : i64, scratch_operands = 0 : i64, tpu.core_type = #tpu.core_type<tc>} {
    %get3A = arith.constant 0 : index
    %get3A_0 = arith.constant 0 : index
    %get3A_1 = vector.load %arg0[%get3A, %get3A_0] : memref<10016x80xf32, #tpu.memory_space<vmem>>, vector<10000x64xf32>
    %get3A_2 = arith.constant 0 : index
    %get3A_3 = arith.constant 0 : index
    %get3A_4 = vector.load %arg1[%get3A_2, %get3A_3] : memref<10016x80xf32, #tpu.memory_space<vmem>>, vector<10000x64xf32>
    %add3A = arith.addf %get3A_1, %get3A_4 : vector<10000x64xf32>
    %get3A_5 = arith.constant 0 : index
    %get3A_6 = arith.constant 64 : index
    %get3A_7 = vector.load %arg0[%get3A_5, %get3A_6] : memref<10016x80xf32, #tpu.memory_space<vmem>>, vector<10000x16xf32>
    %get3A_8 = arith.constant 0 : index
    %get3A_9 = arith.constant 64 : index
    %get3A_10 = vector.load %arg1[%get3A_8, %get3A_9] : memref<10016x80xf32, #tpu.memory_space<vmem>>, vector<10000x16xf32>
    %add3A_11 = arith.addf %get3A_7, %get3A_10 : vector<10000x16xf32>
    %iota3A = tpu.iota {dimensions = array<i32: 1>} : vector<1x64xi32>
    %iota3A_12 = vector.shape_cast %iota3A : vector<1x64xi32> to vector<64xi32>
    %broadcast_in_dim3A = vector.shape_cast %iota3A_12 : vector<64xi32> to vector<1x64xi32>
    %jit3A = arith.constant 16 : i32
    %div3A = vector.broadcast %jit3A : i32 to vector<1x64xi32>
    %div3A_13 = arith.divsi %broadcast_in_dim3A, %div3A : vector<1x64xi32>
    %sign3A = arith.constant 0 : i32
    %sign3A_14 = vector.broadcast %sign3A : i32 to vector<1x64xi32>
    %sign3A_15 = arith.cmpi sgt, %broadcast_in_dim3A, %sign3A_14 : vector<1x64xi32>
    %sign3A_16 = arith.extui %sign3A_15 : vector<1x64xi1> to vector<1x64xi32>
    %sign3A_17 = arith.constant 0 : i32
    %sign3A_18 = vector.broadcast %sign3A_17 : i32 to vector<1x64xi32>
    %sign3A_19 = arith.cmpi slt, %broadcast_in_dim3A, %sign3A_18 : vector<1x64xi32>
    %sign3A_20 = arith.extui %sign3A_19 : vector<1x64xi1> to vector<1x64xi32>
    %sign3A_21 = arith.subi %sign3A_16, %sign3A_20 : vector<1x64xi32>
    %sign3A_22 = arith.constant 0 : i32
    %sign3A_23 = arith.cmpi sgt, %jit3A, %sign3A_22 : i32
    %sign3A_24 = arith.extui %sign3A_23 : i1 to i32
    %sign3A_25 = arith.constant 0 : i32
    %sign3A_26 = arith.cmpi slt, %jit3A, %sign3A_25 : i32
    %sign3A_27 = arith.extui %sign3A_26 : i1 to i32
    %sign3A_28 = arith.subi %sign3A_24, %sign3A_27 : i32
    %ne3A = vector.broadcast %sign3A_28 : i32 to vector<1x64xi32>
    %ne3A_29 = arith.cmpi ne, %sign3A_21, %ne3A : vector<1x64xi32>
    %rem3A = vector.broadcast %jit3A : i32 to vector<1x64xi32>
    %rem3A_30 = arith.remsi %broadcast_in_dim3A, %rem3A : vector<1x64xi32>
    %ne3A_31 = arith.constant 0 : i32
    %ne3A_32 = vector.broadcast %ne3A_31 : i32 to vector<1x64xi32>
    %ne3A_33 = arith.cmpi ne, %rem3A_30, %ne3A_32 : vector<1x64xi32>
    %and3A = arith.andi %ne3A_29, %ne3A_33 : vector<1x64xi1>
    %sub3A = arith.constant 1 : i32
    %sub3A_34 = vector.broadcast %sub3A : i32 to vector<1x64xi32>
    %sub3A_35 = arith.subi %div3A_13, %sub3A_34 : vector<1x64xi32>
    %select_n3A = arith.select %and3A, %sub3A_35, %div3A_13 : vector<1x64xi1>, vector<1x64xi32>
    %iota3A_36 = tpu.iota {dimensions = array<i32: 1>} : vector<1x16xi32>
    %iota3A_37 = vector.shape_cast %iota3A_36 : vector<1x16xi32> to vector<16xi32>
    %broadcast_in_dim3A_38 = vector.shape_cast %iota3A_37 : vector<16xi32> to vector<16x1xi32>
    %eq3A = vector.broadcast %select_n3A : vector<1x64xi32> to vector<16x64xi32>
    %eq3A_39 = vector.broadcast %broadcast_in_dim3A_38 : vector<16x1xi32> to vector<16x64xi32>
    %eq3A_40 = arith.cmpi eq, %eq3A, %eq3A_39 : vector<16x64xi32>
    %convert_element_type3A = arith.extui %eq3A_40 : vector<16x64xi1> to vector<16x64xi32>
    %convert_element_type3A_41 = arith.sitofp %convert_element_type3A : vector<16x64xi32> to vector<16x64xf32>
    %dot_general3A = arith.constant dense<0.000000e+00> : vector<10000x64xf32>
    %dot_general3A_42 = tpu.matmul %add3A_11, %convert_element_type3A_41, %dot_general3A {dimension_numbers = #tpu.dot_dimension_numbers<[1], [0], [0], [1], [0, 0, 1, 1], [], []>, precision = #tpu.contract_precision<fp32>, transpose_lhs_hint = false} : vector<10000x16xf32>, vector<16x64xf32>, vector<10000x64xf32> -> vector<10000x64xf32>
    %add3A_43 = arith.constant 1.000000e-16 : f32
    %add3A_44 = vector.broadcast %add3A_43 : f32 to vector<10000x64xf32>
    %add3A_45 = arith.addf %dot_general3A_42, %add3A_44 : vector<10000x64xf32>
    %div3A_46 = arith.divf %add3A, %add3A_45 : vector<10000x64xf32>
    %get3A_47 = arith.constant 0 : index
    %get3A_48 = arith.constant 0 : index
    %get3A_49 = vector.load %arg2[%get3A_47, %get3A_48] : memref<1x64xf32, #tpu.memory_space<vmem>>, vector<1x64xf32>
    %add3A_50 = vector.broadcast %get3A_49 : vector<1x64xf32> to vector<10000x64xf32>
    %add3A_51 = arith.addf %div3A_46, %add3A_50 : vector<10000x64xf32>
    %max3A = arith.constant 0.000000e+00 : f32
    %max3A_52 = vector.broadcast %max3A : f32 to vector<10000x64xf32>
    %max3A_53 = arith.maximumf %add3A_51, %max3A_52 : vector<10000x64xf32>
    %iota3A_54 = tpu.iota {dimensions = array<i32: 1>} : vector<10000x64xi32>
    %get3A_55 = arith.constant 0 : index
    %get3A_56 = arith.constant 0 : index
    %get3A_57 = vector.load %arg3[%get3A_55, %get3A_56] : memref<10000x1xi32, #tpu.memory_space<vmem>>, vector<10000x1xi32>
    %eq3A_58 = vector.broadcast %get3A_57 : vector<10000x1xi32> to vector<10000x64xi32>
    %eq3A_59 = arith.cmpi eq, %eq3A_58, %iota3A_54 : vector<10000x64xi32>
    %convert_element_type3A_60 = arith.extui %eq3A_59 : vector<10000x64xi1> to vector<10000x64xi32>
    %convert_element_type3A_61 = arith.sitofp %convert_element_type3A_60 : vector<10000x64xi32> to vector<10000x64xf32>
    %dot_general3A_62 = arith.constant dense<0.000000e+00> : vector<64x64xf32>
    %dot_general3A_63 = tpu.matmul %convert_element_type3A_61, %max3A_53, %dot_general3A_62 {dimension_numbers = #tpu.dot_dimension_numbers<[0], [0], [1], [1], [0, 1, 1, 1], [], []>, precision = #tpu.contract_precision<fp32>, transpose_lhs_hint = false} : vector<10000x64xf32>, vector<10000x64xf32>, vector<64x64xf32> -> vector<64x64xf32>
    %broadcast_in_dim3A_64 = arith.constant 1.000000e+00 : f32
    %broadcast_in_dim3A_65 = vector.broadcast %broadcast_in_dim3A_64 : f32 to vector<10000x1xf32>
    %dot_general3A_66 = arith.constant dense<0.000000e+00> : vector<64x1xf32>
    %dot_general3A_67 = tpu.matmul %convert_element_type3A_61, %broadcast_in_dim3A_65, %dot_general3A_66 {dimension_numbers = #tpu.dot_dimension_numbers<[0], [0], [1], [1], [0, 1, 1, 1], [], []>, precision = #tpu.contract_precision<fp32>, transpose_lhs_hint = false} : vector<10000x64xf32>, vector<10000x1xf32>, vector<64x1xf32> -> vector<64x1xf32>
    %max3A_68 = arith.constant 1.000000e+00 : f32
    %max3A_69 = vector.broadcast %max3A_68 : f32 to vector<64x1xf32>
    %max3A_70 = arith.maximumf %dot_general3A_67, %max3A_69 : vector<64x1xf32>
    %div3A_71 = vector.broadcast %max3A_70 : vector<64x1xf32> to vector<64x64xf32>
    %div3A_72 = arith.divf %dot_general3A_63, %div3A_71 : vector<64x64xf32>
    %concatenate3A = tpu.concatenate %dot_general3A_63, %div3A_72 in 1 : vector<64x64xf32>, vector<64x64xf32> -> vector<64x128xf32>
    %get3A_73 = arith.constant 0 : index
    %get3A_74 = arith.constant 0 : index
    %get3A_75 = vector.load %arg4[%get3A_73, %get3A_74] : memref<128x64xf32, #tpu.memory_space<vmem>>, vector<128x64xf32>
    %dot_general3A_76 = arith.constant dense<0.000000e+00> : vector<64x64xf32>
    %dot_general3A_77 = tpu.matmul %concatenate3A, %get3A_75, %dot_general3A_76 {dimension_numbers = #tpu.dot_dimension_numbers<[1], [0], [0], [1], [0, 0, 1, 1], [], []>, precision = #tpu.contract_precision<fp32>, transpose_lhs_hint = false} : vector<64x128xf32>, vector<128x64xf32>, vector<64x64xf32> -> vector<64x64xf32>
    %get3A_78 = arith.constant 0 : index
    %get3A_79 = arith.constant 0 : index
    %get3A_80 = vector.load %arg5[%get3A_78, %get3A_79] : memref<1x64xf32, #tpu.memory_space<vmem>>, vector<1x64xf32>
    %add3A_81 = vector.broadcast %get3A_80 : vector<1x64xf32> to vector<64x64xf32>
    %add3A_82 = arith.addf %dot_general3A_77, %add3A_81 : vector<64x64xf32>
    %max3A_83 = arith.constant 0.000000e+00 : f32
    %max3A_84 = vector.broadcast %max3A_83 : f32 to vector<64x64xf32>
    %max3A_85 = arith.maximumf %add3A_82, %max3A_84 : vector<64x64xf32>
    %get3A_86 = arith.constant 0 : index
    %get3A_87 = arith.constant 0 : index
    %get3A_88 = vector.load %arg6[%get3A_86, %get3A_87] : memref<64x1xf32, #tpu.memory_space<vmem>>, vector<64x1xf32>
    %dot_general3A_89 = arith.constant dense<0.000000e+00> : vector<64x1xf32>
    %dot_general3A_90 = tpu.matmul %max3A_85, %get3A_88, %dot_general3A_89 {dimension_numbers = #tpu.dot_dimension_numbers<[1], [0], [0], [1], [0, 0, 1, 1], [], []>, precision = #tpu.contract_precision<fp32>, transpose_lhs_hint = false} : vector<64x64xf32>, vector<64x1xf32>, vector<64x1xf32> -> vector<64x1xf32>
    %get3A_91 = arith.constant 0 : index
    %get3A_92 = arith.constant 0 : index
    %get3A_93 = vector.load %arg7[%get3A_91, %get3A_92] : memref<1x1xf32, #tpu.memory_space<vmem>>, vector<1x1xf32>
    %add3A_94 = vector.broadcast %get3A_93 : vector<1x1xf32> to vector<64x1xf32>
    %add3A_95 = arith.addf %dot_general3A_90, %add3A_94 : vector<64x1xf32>
    %swap3A = arith.constant 0 : index
    %swap3A_96 = arith.constant 0 : index
    %swap3A_97 = vector.load %arg8[%swap3A, %swap3A_96] : memref<64x1xf32, #tpu.memory_space<vmem>>, vector<64x1xf32>
    tpu.vector_store %arg8[%swap3A, %swap3A_96], %add3A_95 {strides = array<i32>} : memref<64x1xf32, #tpu.memory_space<vmem>>, vector<64x1xf32>,
    return
  }
}

</mosaic_0001>

<sc_bundles>
// kernel: kernel.12.cloned.1.call-start
scs
__scs_entry_jumppad:
0x0: {  	(pc) =	sbr.rel $0x88, $3  }
0x1: {  	(tag) =	ssettag $0x0;
	lr =	simm.s32 $0x1  }
0x2: {  	[smem:$0x3F8C] =	sst lr;
	_ =	strace $0xD0000000  }
0x3: {  	_ = 	snop  }
0x4: {  	_ = 	snop  }
0x5: {  	_ = 	snop  }
0x6: {  	_ = 	snop  }
0x7: {  	_ = 	snop  }
__scs_overlays_trampoline_lowered:
0x8: {  	[smem:$0x3F9B] =	sst s0  }
0x9: {  	[smem:$0x3F9C] =	sst s1  }
0xa: {  	[smem:$0x3F9D] =	sst s2  }
0xb: {  	[smem:$0x3F9E] =	sst s3  }
0xc: {  	[smem:$0x3F9F] =	sst s4  }
0xd: {  	[smem:$0x3FA0] =	sst s5  }
0xe: {  	[smem:$0x3FA1] =	sst s6  }
0xf: {  	[smem:$0x3FA2] =	sst s7  }
0x10: {  	[smem:$0x3FA3] =	sst s8  }
0x11: {  	[smem:$0x3FA4] =	sst s9;
	s0 =	simm.s32 @!p0 $0x0  }
0x12: {  	s1 =	sld [smem:$0x3F8A];
	s0 =	simm.s32 @p0 $0x1  }
0x13: {  	[smem:$0x3FA5] =	sst s0;
	s0 =	simm.s32 @!p1 $0x0  }
0x14: {  	s2 =	sld [smem:$0x3F89];
	s0 =	simm.s32 @p1 $0x1  }
0x15: {  	[smem:$0x3FA6] =	sst s0;
	s0 =	simm.s32 @!p2 $0x0  }
0x16: {  	s3 =	sld [smem:$0x3FDB];
	s0 =	simm.s32 @p2 $0x1  }
0x17: {  	s4 =	simm.s32 $0x1BF5;
	[smem:$0x3FA8] =	sst s0  }
0x18: {  	s0 =	sld [smem:$0x3F8B];
	_ =	swait.ge [sflag:s4], $0x0  }
0x19: {  	s7 =	sld [smem:$0x3F8C]  }
0x1a: {  	s8 =	sadd.s32 $0xFFFFE003, lr  }
0x1b: {  	s9 =	sadd.s32 $0xFFFFFEF7, lr;
	s5 =	simm.s32 $0xFFFFFFFF;
	p2 =	slt.u32 s8, $0xFFFFF086  }
0x1c: {  	p1 =	slt.u32 s9, $0xF7A;
	s5 =	simm.s32 @!p2 $0x0  }
0x1d: {  	s5 =	simm.s32 @p1 $0x1;
	p0 =	seq.s32 s7, s2  }
0x1e: {  	s7 =	smul.u32 @!p0 $0xF7A, s2;
	p2 =	seq.s32 @!p0 s5, $0x0  }
0x1f: {  	s9 =	smul.u32 $0xF7A, s1;
	s8 =	simm.s32 @!p0 $0x1BF5;
	p2 =	por !p2, p0  }
0x20: {  	[sflag:s8] =	ssyncset.s32 @!p0 $0xFFFFF086;
	s6 =	sadd.s32 @!p0 s3, s7;
	s7 =	simm.s32 @!p0 $0x108  }
0x21: {  	s3 =	sadd.s32 s3, s9;
	s6 =	sadd.s32 @!p0 $0x88, s6;
	s7 =	simm.s32 @p2 $0x1082  }
0x22: {  	[simem:s7], [sflag:s8] =	dma.local @!p0 [hbm:s6], $0xF7A  }
0x23: {  	s9 =	sor.u32 $0xD0000000, s2;
	s6 =	simm.s32 $0x108;
	_ =	swait.ge @!p0 [sflag:s8], $0x0  }
0x24: {  	s3 =	sadd.s32 $0x88, s3;
	s6 =	simm.s32 @!p1 $0x1082;
	[sflag:s4] =	ssyncset.s32 $0xFFFFF086  }
0x25: {  	[simem:s6], [sflag:s4] =	dma.local [hbm:s3], $0xF7A  }
0x26: {  	[smem:$0x3F8C] =	sst s1;
	(tag) =	ssettag s2;
	_ =	strace s9  }
0x27: {  	s1 =	sld [smem:$0x3F9C]  }
0x28: {  	s2 =	sld [smem:$0x3F9D]  }
0x29: {  	s4 =	sld [smem:$0x3F9F]  }
0x2a: {  	p0 =	seq.s32 s5, $0x0;
	s5 =	sld [smem:$0x3FA0]  }
0x2b: {  	s6 =	sld [smem:$0x3FA1]  }
0x2c: {  	s7 =	sld [smem:$0x3FA2]  }
0x2d: {  	s3 =	simm.s32 $0x108;
	s8 =	sld [smem:$0x3FA3]  }
0x2e: {  	s3 =	simm.s32 @!p0 $0x1082;
	s9 =	sld [smem:$0x3FA4]  }
0x2f: {  	lr =	sadd.s32 s0, s3;
	s0 =	sld [smem:$0x3F9B]  }
0x30: {  	s3 =	sld [smem:$0x3F9E]  }
0x31: {  	[smem:$0x3FA7] =	sst s10  }
0x32: {  	s10 =	sld [smem:$0x3FA5];
	_ =	sdelay $0x3  }
0x33: {  	p0 =	seq.s32 s10, $0x1;
	s10 =	sld [smem:$0x3FA7];
	_ =	sdelay $0x3  }
0x34: {  	[smem:$0x3FA7] =	sst s10  }
0x35: {  	s10 =	sld [smem:$0x3FA6];
	_ =	sdelay $0x3  }
0x36: {  	p1 =	seq.s32 s10, $0x1;
	s10 =	sld [smem:$0x3FA7];
	_ =	sdelay $0x3  }
0x37: {  	[smem:$0x3FA7] =	sst s10  }
0x38: {  	s10 =	sld [smem:$0x3FA8]  }
0x39: {  	_ = 	snop;
	(pc) =	sbr.ind lr, $3  }
0x3a: {  	_ = 	snop  }
0x3b: {  	_ = 	snop  }
0x3c: {  	p2 =	seq.s32 s10, $0x1;
	s10 =	sld [smem:$0x3FA7]  }
0x3d: {  	_ =	shalt  }
0x3e: {  	_ =	shalt  }
0x3f: {  	_ =	shalt  }
0x40: {  	_ =	shalt  }
0x41: {  	_ =	shalt  }
0x42: {  	_ =	shalt  }
0x43: {  	_ =	shalt  }
0x44: {  	_ =	shalt  }
0x45: {  	_ =	shalt  }
0x46: {  	_ =	shalt  }
0x47: {  	_ =	shalt  }
0x48: {  	_ =	shalt  }
0x49: {  	_ =	shalt  }
0x4a: {  	_ =	shalt  }
0x4b: {  	_ =	shalt  }
0x4c: {  	_ =	shalt  }
0x4d: {  	_ =	shalt  }
0x4e: {  	_ =	shalt  }
0x4f: {  	_ =	shalt  }
0x50: {  	_ =	shalt  }
0x51: {  	_ =	shalt  }
0x52: {  	_ =	shalt  }
0x53: {  	_ =	shalt  }
0x54: {  	_ =	shalt  }
0x55: {  	_ =	shalt  }
0x56: {  	_ =	shalt  }
0x57: {  	_ =	shalt  }
0x58: {  	_ =	shalt  }
0x59: {  	_ =	shalt  }
0x5a: {  	_ =	shalt  }
0x5b: {  	_ =	shalt  }
0x5c: {  	_ =	shalt  }
0x5d: {  	_ =	shalt  }
0x5e: {  	_ =	shalt  }
0x5f: {  	_ =	shalt  }
0x60: {  	_ =	shalt  }
0x61: {  	_ =	shalt  }
0x62: {  	_ =	shalt  }
0x63: {  	_ =	shalt  }
0x64: {  	_ =	shalt  }
0x65: {  	_ =	shalt  }
0x66: {  	_ =	shalt  }
0x67: {  	_ =	shalt  }
0x68: {  	_ =	shalt  }
0x69: {  	_ =	shalt  }
0x6a: {  	_ =	shalt  }
0x6b: {  	_ =	shalt  }
0x6c: {  	_ =	shalt  }
0x6d: {  	_ =	shalt  }
0x6e: {  	_ =	shalt  }
0x6f: {  	_ =	shalt  }
0x70: {  	_ =	shalt  }
0x71: {  	_ =	shalt  }
0x72: {  	_ =	shalt  }
0x73: {  	_ =	shalt  }
0x74: {  	_ =	shalt  }
0x75: {  	_ =	shalt  }
0x76: {  	_ =	shalt  }
0x77: {  	_ =	shalt  }
0x78: {  	_ =	shalt  }
0x79: {  	_ =	shalt  }
0x7a: {  	_ =	shalt  }
0x7b: {  	_ =	shalt  }
0x7c: {  	_ =	shalt  }
0x7d: {  	_ =	shalt  }
0x7e: {  	_ =	shalt  }
0x7f: {  	_ =	shalt  }
0x80: {  	_ =	shalt  }
0x81: {  	_ =	shalt  }
0x82: {  	_ =	shalt  }
0x83: {  	_ =	shalt  }
0x84: {  	_ =	shalt  }
0x85: {  	_ =	shalt  }
0x86: {  	_ =	shalt  }
0x87: {  	_ =	shalt  }
.Lfunc_end0:
.L_simem_size_0:
called_computation.1_lowered:
.L_overlay_start_0:
0x88: {  	s2 =	sld [smem:$0x3FD9]  }
0x89: {  	s3 =	sld [smem:$0x3FFE];
	_ =	sdelay $0x1  }
0x8a: {  	s1 =	srdreg.scid  }
0x8b: {  	s0 =	sand.u32 $0x1, s1  }
0x8c: {  	s16 =	sshll.u32 s0, $0xA;
	s2 =	sadd.s32 s3, s2  }
0x8d: {  	s2 =	sadd.s32 s2, s16  }
0x8e: {  	[smem:$0x3FB3] =	sst s2  }
0x8f: {  	_ = 	snop  }
0x90: {  	(tm) =	ssettm $0x1  }
0x91: {  	s17 =	sld [smem:$0x3FFB];
	_ =	sdelay $0x3  }
0x92: {  	_ =	strace s17  }
0x93: {  	s2 =	sld [smem:$0x3FFC];
	_ =	sdelay $0x3  }
0x94: {  	_ =	strace s2  }
0x95: {  	s2 =	sld [smem:$0x3FFD];
	_ =	sdelay $0x3  }
0x96: {  	_ =	strace s2  }
0x97: {  	_ =	strace $0x8FFFFFFF  }
0x98: {  	s18 =	sld [smem:$0x3FDB];
	_ =	sdelay $0x1  }
0x99: {  	s19 =	simm.s32 $_scs_section_size  }
0x9a: {  	s4 =	simm.s32 $_size__tile_overlayer_lowered;
	s5 =	simm.s32 $_tile_overlayer_lowered  }
0x9b: {  	s22 =	simm.s32 $0x1BFF;
	s21 =	sshll.u32 s5, $0x1;
	s2 =	sadd.s32 s19, s18  }
0x9c: {  	s6 =	simm.s32 $0x0;
	s20 =	sshll.u32 s4, $0x1;
	s4 =	sadd.s32 s21, s2  }
0x9d: {  	[timem:s6], [sflag:s22] =	dma.local [hbm:s4], s20  }
0x9e: {  	_ =	swait.ge [sflag:s22], s20  }
0x9f: {  	s3 =	ssub.s32 $0x0, s20;
	[sflag:s22] =	ssyncset.done $0x0  }
0xa0: {  	[sflag:s22] =	ssyncadd.s32 s3;
	_ =	sdelay $0x1  }
0xa1: {  	s23 =	simm.s32 $0x1B8B  }
0xa2: {  	_ =	swait.ge [sflag:s23], $0x1  }
0xa3: {  	[sflag:s23] =	ssyncset.done $0x0  }
0xa4: {  	s25 =	simm.s32 $0x1B8E;
	s24 =	sld [smem:$0x3FFE];
	[sflag:s23] =	ssyncadd.s32 $0xFFFFFFFF  }
0xa5: {  	s26 =	simm.s32 $execute0_lowered;
	[smem:$0x3FD2] =	sst s25  }
0xa6: {  	s4 =	sshll.u32 s26, $0x1;
	_ =	strace $0x80000049;
	[dreg:$0x1] =	wrdreg $0xFFFFFFFF  }
0xa7: {  	s28 =	simm.s32 $_size_execute0_lowered;
	s2 =	sadd.s32 s2, s4;
	[dreg:$0x0] =	wrdreg $0x0  }
0xa8: {  	s4 =	sshll.u32 s28, $0x1;
	[dreg:$0x2] =	wrdreg s2  }
0xa9: {  	[dreg:$0x3] =	wrdreg s4  }
0xaa: {  	[dreg:$0x4] =	wrdreg $0xC0  }
0xab: {  	_ =	task [dreg:s6], $0x5FFFF  }
0xac: {  	[dreg:$0x1] =	wrdreg $0xFFFFFFFF  }
0xad: {  	[dreg:$0x0] =	wrdreg $0x60  }
0xae: {  	[dreg:$0x2] =	wrdreg s24  }
0xaf: {  	[dreg:$0x3] =	wrdreg $0xC3000  }
0xb0: {  	[dreg:$0x4] =	wrdreg $0x9  }
0xb1: {  	_ =	task.clear_ibuf [dreg:s6], $0x5FFFF;
	_ =	strace $0x90000049  }
0xb2: {  	s29 =	simm.s32 $0x9;
	_ =	strace $0x8000004B  }
0xb3: {  	_ =	swait.ge [sflag:s29], $0x1  }
0xb4: {  	[sflag:s29] =	ssyncadd.s32 $0xFFFFFFFF  }
0xb5: {  	_ =	strace $0x9000004B  }
0xb6: {  	_ =	sfence  }
0xb7: {  	s30 =	sld [smem:$0x0];
	_ =	sdelay $0x2  }
0xb8: {  	s31 =	sshll.u32 s1, $0xD;
	s1 =	sshrl.u32 s1, $0x2  }
0xb9: {  	s3 =	sand.u32 $0x4000, s31;
	s1 =	sadd.s32 s1, s30  }
0xba: {  	s0 =	sor.u32 s3, s0;
	s1 =	sshll.u32 s1, $0x11  }
0xbb: {  	s0 =	sor.u32 s1, s0  }
0xbc: {  	s0 =	sadd.s32 $0x8F2B, s0  }
0xbd: {  	[sflag:s0] =	ssyncadd.remote.s32 $0x1  }
0xbe: {  	_ =	sfence.sel $0xFFFF  }
0xbf: {  	[dreg:$0x0] =	wrdreg $0xFFFFFFFF;
	(pc) =	sbr.abs _section_cstart, $3  }
0xc0: {  	[dreg:$0x1] =	wrdreg $0xFFFFFFFF  }
0xc1: {  	_ =	task.clear_ibuf [dreg:s6], $0x2FFFF;
	_ =	strace $0x9FFFFFFF  }
0xc2: {  	(tm) =	ssettm $0x7FFFFFFF  }
0xc3: {  	_ =	shalt  }
tec
execute0_lowered:
.L_overlay_start_1:
0x0: {  	(tag) =	ssettag $0x1  }
0x1: {  	s0 =	rddreg [dreg:$0x0]  }
0x2: {  	s2 =	rddreg [dreg:$0x1]  }
0x3: {  	s3 =	simm.s32 $0x0;
	s1 =	srdreg.scid;
	s11 =	stileid.u32  }
0x4: {  	s19 =	simm.s32 $0x7300;
	s20 =	simm.s32 $0x5;
	s28 =	simm.s32 $0x6300  }
0x5: {  	s29 =	simm.s32 $0x1;
	s30 =	simm.s32 $0x200;
	s31 =	simm.s32 $0x2  }
0x6: {  	s12 =	simm.s32 $0x0;
	[smem:$0x7FF] =	sst s3;
	s1 =	sand.u32 $0x1, s1  }
0x7: {  	s7 =	smul.u32 $0x1874, s11;
	s4 =	sadd.s32 $0x15A600, s0;
	s5 =	sadd.s32 $0x3800, s0  }
0x8: {  	s9 =	smul.u32 $0x30E80, s11;
	s6 =	sadd.s32 $0xD600, s0;
	s15 =	sadd.s32 $0xD610, s0  }
0x9: {  	_ =	strace $0x8000004A;
	s8 =	smul.u32 $0x18740, s1;
	s21 =	ssub.s32 $0x2, s1  }
0xa: {  	s1 =	smul.u32 $0x520, s1;
	s10 =	sshrl.u32 s21, $0x1;
	s9 =	sshrl.u32 s9, $0x2  }
0xb: {  	s7 =	sadd.s32 s7, s8;
	s8 =	ssub.s32 s21, s10;
	s10 =	sadd.s32 s9, s2  }
0xc: {  	s1 =	sor.u32 s11, s1;
	s21 =	simm.s32 $0x80;
	s7 =	sadd.s32 s7, s0  }
0xd: {  	s9 =	sadd.s32 $0x2800, s10;
	s22 =	sadd.s32 $0x5000, s10;
	[dreg:$0x3] =	wrdreg s10  }
0xe: {  	s23 =	sadd.s32 $0x7800, s10;
	s11 =	sshll.u32 s1, $0x8;
	[dreg:$0x4] =	wrdreg s9  }
0xf: {  	s1 =	sshll.u32 s1, $0x5;
	s24 =	sadd.s32 $0xA000, s10;
	[dreg:$0x5] =	wrdreg s22  }
0x10: {  	s26 =	smax.u32 s8, $0x1;
	s0 =	simm.s32 $0x280;
	[dreg:$0x6] =	wrdreg s23  }
0x11: {  	s8 =	simm.s32 $0x0;
	[dreg:$0x7] =	wrdreg s24;
	s1 =	sadd.s32 s6, s1  }
0x12: {  	s14 =	sor.u32 $0x1000, s11;
	s16 =	sadd.s32 $0x2000, s11;
	s25 =	sadd.s32 $0x21E00, s7  }
0x13: {  	[dreg:$0xa] =	wrdreg s26;
	s22 =	simm.s32 $0x300;
	s23 =	simm.s32 $0x5300  }
0x14: {  	v0 =	vimm.f32 $0.0e+00;
	vm0 =	vcmask $0xF00;
	s24 =	simm.s32 $0x100;
	s26 =	simm.s32 $0x180;
	[dreg:$0x8] =	wrdreg s1  }
0x15: {  	v1 =	vsel vm0, $0x3F800000, v0;
	[dreg:$0x9] =	wrdreg s25;
	s25 =	simm.s32 $0x2B00;
	s1 =	simm.s32 $0x9B00  }
.LBB2_1:
0x16: {  	[dreg:$0xb] =	wrdreg s8;
	s8 =	simm.s32 $0x140;
	s7 =	simm.s32 $0x0  }
.LBB2_2:
0x17: {  	p0 =	sne.s32 s8, $0x9EC0;
	[tilespmem:s7+$0x7340] =	vst v0;
	s9 =	smov.u32 s8;
	s8 =	sadd.s32 $0x140, s8  }
.Ltmp0:
0x18: {  	[tilespmem:s7+$0x7330] =	vst v0;
	(pc) =	sbr.rel @p0 .LBB2_2-.Ltmp0, $4  }
0x19: {  	[tilespmem:s7+$0x7320] =	vst v0  }
0x1a: {  	[tilespmem:s7+$0x7300] =	vst v0  }
0x1b: {  	[tilespmem:s7+$0x7310] =	vst v0  }
0x1c: {  	s7 =	sshra.s32 s9, $0x2  }
0x1d: {  	[tilespmem:s7+$0x7340] =	vst v0  }
0x1e: {  	[tilespmem:s7+$0x7330] =	vst v0  }
0x1f: {  	[tilespmem:s7+$0x7320] =	vst v0  }
0x20: {  	[tilespmem:s7+$0x7300] =	vst v0  }
0x21: {  	[tilespmem:s7+$0x7310] =	vst v0  }
0x22: {  	[spmem:s10] =	stream.linear.scatter [tilespmem:s19], [sflag:$0x5], $0x2800, $0x38;
	[tilespmem:$0x186A0] =	vst v63  }
0x23: {  	_ =	swait.ge [sflag:s20], $0x2800  }
0x24: {  	[sflag:s20] =	ssyncset.done $0x0  }
0x25: {  	s9 =	rddreg [dreg:$0x4];
	[sflag:s20] =	ssyncadd.s32 $0xFFFFD800  }
0x26: {  	[spmem:s9] =	stream.linear.scatter [tilespmem:s19], [sflag:$0x5], $0x2800, $0x38;
	[tilespmem:$0x186A0] =	vst v63  }
0x27: {  	_ =	swait.ge [sflag:s20], $0x2800  }
0x28: {  	[sflag:s20] =	ssyncset.done $0x0  }
0x29: {  	s10 =	rddreg [dreg:$0x5];
	[sflag:s20] =	ssyncadd.s32 $0xFFFFD800  }
0x2a: {  	[spmem:s10] =	stream.linear.scatter [tilespmem:s19], [sflag:$0x5], $0x2800, $0x38;
	[tilespmem:$0x186A0] =	vst v63  }
0x2b: {  	_ =	swait.ge [sflag:s20], $0x2800  }
0x2c: {  	[sflag:s20] =	ssyncset.done $0x0  }
0x2d: {  	s13 =	rddreg [dreg:$0x6];
	[sflag:s20] =	ssyncadd.s32 $0xFFFFD800  }
0x2e: {  	[spmem:s13] =	stream.linear.scatter [tilespmem:s19], [sflag:$0x5], $0x2800, $0x38;
	[tilespmem:$0x186A0] =	vst v63  }
0x2f: {  	_ =	swait.ge [sflag:s20], $0x2800  }
0x30: {  	[sflag:s20] =	ssyncset.done $0x0  }
0x31: {  	s17 =	rddreg [dreg:$0x7];
	[sflag:s20] =	ssyncadd.s32 $0xFFFFD800  }
0x32: {  	[spmem:s17] =	stream.linear.scatter [tilespmem:s19], [sflag:$0x5], $0x23A0, $0x38;
	[tilespmem:$0x186A0] =	vst v63  }
0x33: {  	_ =	swait.ge [sflag:s20], $0x23A0  }
0x34: {  	[sflag:s20] =	ssyncset.done $0x0  }
0x35: {  	[sflag:s20] =	ssyncadd.s32 $0xFFFFDC60  }
0x36: {  	[bflag:$0x0] =	sbarrier.arrive $0xFFFF  }
0x37: {  	s18 =	rddreg [dreg:$0x8]  }
0x38: {  	[tilespmem:s12], [sflag:$0x5] =	stream.linear.gather [hbm4b:s18+s12], $0x100, $0x38;
	[tilespmem:$0x186A0] =	vst v63  }
0x39: {  	_ =	swait.ge [sflag:s20], $0x100  }
0x3a: {  	[sflag:s20] =	ssyncset.done $0x0  }
0x3b: {  	[sflag:s20] =	ssyncadd.s32 $0xFFFFFF00  }
0x3c: {  	[tilespmem:s22], [sflag:$0x1] =	stream.indirect.gather [hbm4b:s4+s21], $0x50, s12, s21, $0xb8;
	[tilespmem:$0x186A0] =	vst v63  }
0x3d: {  	s13 =	simm.s32 $0x0  }
0x3e: {  	[tilespmem:s23], [sflag:$0x1] =	stream.indirect.gather [hbm4b:s5+s21], $0x20, s21, s21, $0xb8;
	[tilespmem:$0x186A0] =	vst v63  }
.LBB2_4:
0x3f: {  	p0 =	seq.s32 s13, $0x0  }
0x40: {  	s18 =	sshll.u32 s13, $0xD;
	s7 =	simm.s32 @!p0 $0x3  }
0x41: {  	s8 =	sadd.s32 s18, s14;
	_ =	swait.ge @!p0 [sflag:s7], $0x2800  }
0x42: {  	s17 =	sshrl.u32 s8, $0x3;
	[sflag:s7] =	ssyncset.done @!p0 $0x0  }
0x43: {  	s10 =	sadd.s32 s6, s17;
	[sflag:s7] =	ssyncadd.s32 @!p0 $0xFFFFD800  }
0x44: {  	[tilespmem:s24], [sflag:$0x5] =	stream.linear.gather [hbm4b:s10+s12], $0x100, $0x38;
	[tilespmem:$0x186A0] =	vst v63  }
0x45: {  	_ =	swait.ge [sflag:s20], $0x100  }
0x46: {  	[sflag:s20] =	ssyncset.done $0x0  }
0x47: {  	[sflag:s20] =	ssyncadd.s32 $0xFFFFFF00  }
0x48: {  	[tilespmem:s25], [sflag:$0x2] =	stream.indirect.gather [hbm4b:s4+s21], $0x50, s24, s21, $0xb8;
	[tilespmem:$0x186A0] =	vst v63  }
0x49: {  	_ = 	snop  }
0x4a: {  	[tilespmem:s28], [sflag:$0x2] =	stream.indirect.gather [hbm4b:s5+s21], $0x20, s26, s21, $0xb8;
	[tilespmem:$0x186A0] =	vst v63  }
0x4b: {  	_ =	swait.ge [sflag:s29], $0x2800  }
0x4c: {  	[sflag:s29] =	ssyncset.done $0x0  }
0x4d: {  	[sflag:s29] =	ssyncadd.s32 $0xFFFFD800  }
0x4e: {  	_ =	swait.ge [sflag:s29], $0x1000  }
0x4f: {  	[sflag:s29] =	ssyncset.done $0x0  }
0x50: {  	s8 =	simm.s32 $0x0;
	[sflag:s29] =	ssyncadd.s32 $0xFFFFF000  }
0x51: {  	s9 =	simm.s32 $0x5310;
	v2 =	vld [tilespmem:s8+$0x340]  }
0x52: {  	v3 =	vld [tilespmem:s9+$0xFFFFFFF0];
	_ =	sdelay $0x4  }
0x53: {  	v4 =	vld [tilespmem:s9+$0x0];
	v2 =	vadd.f32 v3, v2;
	_ =	sdelay $0x1  }
0x54: {  	v3 =	vmul.f32 $2.000000030e-01, v2  }
0x55: {  	vm0 =	vge.f32 v2, $0.0e+00  }
0x56: {  	v2 =	vsel vm0, v2, v3  }
0x57: {  	v2 =	vsub.f32 v2, v4;
	_ =	sdelay $0x1  }
0x58: {  	v2 =	vmul.f32 $1.442695020e+00, v2;
	_ =	sdelay $0x1  }
0x59: {  	(erf) = vpow2.f32 v2;
	_ =	sdelay $0x5  }
0x5a: {  	v5 =	vld [tilespmem:s8+$0x320]  }
0x5b: {  	v3 =	vld [tilespmem:s8+$0x300]  }
0x5c: {  	v4 =	vld [tilespmem:s8+$0x310]  }
0x5d: {  	s7 =	simm.s32 $0x140;
	v2 =	vld [tilespmem:s8+$0x330];
	v6 =	vpop (erf)  }
.LBB2_5:
0x5e: {  	p1 =	sne.s32 s7, $0x9EC0  }
0x5f: {  	v7 =	vmul.f32 v1, v6;
	v8 =	vbroadcast v6, $0x2;
	s9 =	sadd.s32 $0x20, s9;
	s10 =	smov.u32 s7;
	s7 =	sadd.s32 $0x140, s7  }
0x60: {  	v9 =	vbroadcast v6, $0x1  }
0x61: {  	[tilespmem:s8+$0x7340] =	vst v7;
	v7 =	vbroadcast v6, $0x0;
	v5 =	vmul.f32 v8, v5  }
0x62: {  	s10 =	sshra.s32 s10, $0x2;
	v6 =	vbroadcast v6, $0x3;
	v4 =	vmul.f32 v9, v4  }
0x63: {  	v8 =	vld [tilespmem:s10+$0x340];
	v3 =	vmul.f32 v7, v3;
	[tilespmem:s8+$0x7320] =	vst v5  }
0x64: {  	[tilespmem:s8+$0x7310] =	vst v4;
	v4 =	vmul.f32 v2, v6;
	v2 =	vld [tilespmem:s10+$0x330]  }
0x65: {  	[tilespmem:s8+$0x7300] =	vst v3  }
0x66: {  	[tilespmem:s8+$0x7330] =	vst v4;
	s8 =	smov.u32 s10  }
0x67: {  	v3 =	vld [tilespmem:s9+$0xFFFFFFF0];
	_ =	sdelay $0x2  }
0x68: {  	v4 =	vld [tilespmem:s9+$0x0];
	_ =	sdelay $0x1  }
0x69: {  	v3 =	vadd.f32 v3, v8;
	_ =	sdelay $0x1  }
0x6a: {  	vm0 =	vge.f32 v3, $0.0e+00;
	v5 =	vmul.f32 $2.000000030e-01, v3;
	_ =	sdelay $0x1  }
0x6b: {  	v3 =	vsel vm0, v3, v5  }
0x6c: {  	v3 =	vsub.f32 v3, v4;
	_ =	sdelay $0x1  }
0x6d: {  	v3 =	vmul.f32 $1.442695020e+00, v3;
	_ =	sdelay $0x1  }
0x6e: {  	(erf) = vpow2.f32 v3;
	_ =	sdelay $0x4  }
.Ltmp1:
0x6f: {  	(pc) =	sbr.rel @p1 .LBB2_5-.Ltmp1, $4  }
0x70: {  	_ = 	snop  }
0x71: {  	v5 =	vld [tilespmem:s8+$0x320]  }
0x72: {  	v4 =	vld [tilespmem:s8+$0x310]  }
0x73: {  	v3 =	vld [tilespmem:s8+$0x300];
	v6 =	vpop (erf)  }
0x74: {  	v7 =	vbroadcast v6, $0x2  }
0x75: {  	v8 =	vmul.f32 v1, v6;
	v9 =	vbroadcast v6, $0x1  }
0x76: {  	v5 =	vmul.f32 v7, v5;
	v7 =	vbroadcast v6, $0x0  }
0x77: {  	[tilespmem:s8+$0x7340] =	vst v8;
	v6 =	vbroadcast v6, $0x3;
	v4 =	vmul.f32 v9, v4  }
0x78: {  	v3 =	vmul.f32 v7, v3;
	[tilespmem:s8+$0x7320] =	vst v5  }
0x79: {  	s7 =	sadd.s32 s11, s18;
	v2 =	vmul.f32 v2, v6;
	[tilespmem:s8+$0x7310] =	vst v4  }
0x7a: {  	s7 =	sshrl.u32 s7, $0x3;
	[tilespmem:s8+$0x7300] =	vst v3  }
0x7b: {  	s7 =	sadd.s32 s7, s15;
	[tilespmem:s8+$0x7330] =	vst v2  }
0x7c: {  	[tilespmem:s30], [sflag:$0x5] =	stream.linear.gather [hbm4b:s7+s3], $0x80, $0x38;
	[tilespmem:$0x186A0] =	vst v63  }
0x7d: {  	_ =	swait.ge [sflag:s20], $0x80  }
0x7e: {  	[sflag:s20] =	ssyncset.done $0x0  }
0x7f: {  	s7 =	simm.s32 @!p0 $0x4;
	[sflag:s20] =	ssyncadd.s32 $0xFFFFFF80  }
0x80: {  	[spmem:s2] =	stream.indirect.scatter.add.f32 [tilespmem:s19], [sflag:$0x3], $0x50, s30, s21, $0xb8;
	[tilespmem:$0x186A0] =	vst v63  }
0x81: {  	p1 =	seq.s32 @!p0 s13, $0x28;
	_ =	swait.ge @!p0 [sflag:s7], $0x2800  }
0x82: {  	p1 =	por p0, !p1;
	[sflag:s7] =	ssyncset.done @!p0 $0x0  }
0x83: {  	[sflag:s7] =	ssyncadd.s32 @!p0 $0xFFFFD800;
	s7 =	sadd.s32 @p1 s18, s16  }
0x84: {  	s7 =	sshrl.u32 @p1 s7, $0x3  }
0x85: {  	s7 =	sadd.s32 @p1 s6, s7  }
0x86: {  	[tilespmem:s3], [sflag:$0x5] =	stream.linear.gather @p1 [hbm4b:s7+s3], $0x100, $0x38;
	[tilespmem:$0x186A0] =	vst v63  }
0x87: {  	_ =	swait.ge @p1 [sflag:s20], $0x100  }
0x88: {  	[sflag:s20] =	ssyncset.done @p1 $0x0  }
0x89: {  	[sflag:s20] =	ssyncadd.s32 @p1 $0xFFFFFF00  }
0x8a: {  	[tilespmem:s22], [sflag:$0x1] =	stream.indirect.gather @p1 [hbm4b:s4+s21], $0x50, s3, s21, $0xb8;
	[tilespmem:$0x186A0] =	vst v63  }
0x8b: {  	_ = 	snop  }
0x8c: {  	[tilespmem:s23], [sflag:$0x1] =	stream.indirect.gather @p1 [hbm4b:s5+s21], $0x20, s21, s21, $0xb8;
	[tilespmem:$0x186A0] =	vst v63  }
0x8d: {  	_ =	swait.ge [sflag:s31], $0x2800  }
0x8e: {  	[sflag:s31] =	ssyncset.done $0x0  }
0x8f: {  	[sflag:s31] =	ssyncadd.s32 $0xFFFFD800  }
0x90: {  	_ =	swait.ge [sflag:s31], $0x1000  }
0x91: {  	[sflag:s31] =	ssyncset.done $0x0  }
0x92: {  	s8 =	simm.s32 $0x0;
	[sflag:s31] =	ssyncadd.s32 $0xFFFFF000  }
0x93: {  	s9 =	simm.s32 $0x6310;
	v2 =	vld [tilespmem:s8+$0x2B40]  }
0x94: {  	v3 =	vld [tilespmem:s9+$0xFFFFFFF0];
	_ =	sdelay $0x4  }
0x95: {  	v4 =	vld [tilespmem:s9+$0x0];
	v2 =	vadd.f32 v3, v2;
	_ =	sdelay $0x1  }
0x96: {  	v3 =	vmul.f32 $2.000000030e-01, v2  }
0x97: {  	vm0 =	vge.f32 v2, $0.0e+00  }
0x98: {  	v2 =	vsel vm0, v2, v3  }
0x99: {  	v2 =	vsub.f32 v2, v4;
	_ =	sdelay $0x1  }
0x9a: {  	v2 =	vmul.f32 $1.442695020e+00, v2;
	_ =	sdelay $0x1  }
0x9b: {  	(erf) = vpow2.f32 v2;
	_ =	sdelay $0x5  }
0x9c: {  	v5 =	vld [tilespmem:s8+$0x2B20]  }
0x9d: {  	v3 =	vld [tilespmem:s8+$0x2B00]  }
0x9e: {  	v4 =	vld [tilespmem:s8+$0x2B10]  }
0x9f: {  	s7 =	simm.s32 $0x140;
	v2 =	vld [tilespmem:s8+$0x2B30];
	v6 =	vpop (erf)  }
.LBB2_7:
0xa0: {  	p0 =	sne.s32 s7, $0x9EC0  }
0xa1: {  	v7 =	vmul.f32 v1, v6;
	v8 =	vbroadcast v6, $0x2;
	s9 =	sadd.s32 $0x20, s9;
	s10 =	smov.u32 s7;
	s7 =	sadd.s32 $0x140, s7  }
0xa2: {  	v9 =	vbroadcast v6, $0x1  }
0xa3: {  	[tilespmem:s8+$0x9B40] =	vst v7;
	v7 =	vbroadcast v6, $0x0;
	v5 =	vmul.f32 v8, v5  }
0xa4: {  	s10 =	sshra.s32 s10, $0x2;
	v6 =	vbroadcast v6, $0x3;
	v4 =	vmul.f32 v9, v4  }
0xa5: {  	v8 =	vld [tilespmem:s10+$0x2B40];
	v3 =	vmul.f32 v7, v3;
	[tilespmem:s8+$0x9B20] =	vst v5  }
0xa6: {  	[tilespmem:s8+$0x9B10] =	vst v4;
	v4 =	vmul.f32 v2, v6;
	v2 =	vld [tilespmem:s10+$0x2B30]  }
0xa7: {  	[tilespmem:s8+$0x9B00] =	vst v3  }
0xa8: {  	[tilespmem:s8+$0x9B30] =	vst v4;
	s8 =	smov.u32 s10  }
0xa9: {  	v3 =	vld [tilespmem:s9+$0xFFFFFFF0];
	_ =	sdelay $0x2  }
0xaa: {  	v4 =	vld [tilespmem:s9+$0x0];
	_ =	sdelay $0x1  }
0xab: {  	v3 =	vadd.f32 v3, v8;
	_ =	sdelay $0x1  }
0xac: {  	vm0 =	vge.f32 v3, $0.0e+00;
	v5 =	vmul.f32 $2.000000030e-01, v3;
	_ =	sdelay $0x1  }
0xad: {  	v3 =	vsel vm0, v3, v5  }
0xae: {  	v3 =	vsub.f32 v3, v4;
	_ =	sdelay $0x1  }
0xaf: {  	v3 =	vmul.f32 $1.442695020e+00, v3;
	_ =	sdelay $0x1  }
0xb0: {  	(erf) = vpow2.f32 v3;
	_ =	sdelay $0x4  }
.Ltmp2:
0xb1: {  	(pc) =	sbr.rel @p0 .LBB2_7-.Ltmp2, $4  }
0xb2: {  	_ = 	snop  }
0xb3: {  	v5 =	vld [tilespmem:s8+$0x2B20]  }
0xb4: {  	v4 =	vld [tilespmem:s8+$0x2B10]  }
0xb5: {  	v3 =	vld [tilespmem:s8+$0x2B00];
	v6 =	vpop (erf)  }
0xb6: {  	v7 =	vbroadcast v6, $0x2  }
0xb7: {  	v8 =	vmul.f32 v1, v6;
	v63 =	vbroadcast v6, $0x3  }
0xb8: {  	v9 =	vbroadcast v6, $0x1;
	v5 =	vmul.f32 v7, v5  }
0xb9: {  	v62 =	vbroadcast v6, $0x0;
	[tilespmem:s8+$0x9B40] =	vst v8;
	v2 =	vmul.f32 v2, v63  }
0xba: {  	v4 =	vmul.f32 v9, v4;
	[tilespmem:s8+$0x9B20] =	vst v5  }
0xbb: {  	v3 =	vmul.f32 v62, v3;
	[tilespmem:s8+$0x9B30] =	vst v2  }
0xbc: {  	s13 =	sadd.s32 $0x1, s13;
	[tilespmem:s8+$0x9B10] =	vst v4  }
0xbd: {  	s7 =	sadd.s32 s17, s15;
	p0 =	sne.s32 s13, $0x29;
	[tilespmem:s8+$0x9B00] =	vst v3  }
0xbe: {  	[tilespmem:s0], [sflag:$0x5] =	stream.linear.gather [hbm4b:s7+s3], $0x80, $0x38;
	[tilespmem:$0x186A0] =	vst v63  }
.Ltmp3:
0xbf: {  	_ = 	snop;
	(pc) =	sbr.rel @p0 .LBB2_4-.Ltmp3, $4  }
0xc0: {  	_ =	swait.ge [sflag:s20], $0x80  }
0xc1: {  	[sflag:s20] =	ssyncset.done $0x0  }
0xc2: {  	[sflag:s20] =	ssyncadd.s32 $0xFFFFFF80  }
0xc3: {  	[spmem:s2] =	stream.indirect.scatter.add.f32 [tilespmem:s1], [sflag:$0x4], $0x50, s0, s21, $0xb8;
	[tilespmem:$0x186A0] =	vst v63  }
0xc4: {  	s7 =	simm.s32 $0x3  }
0xc5: {  	_ =	swait.ge [sflag:s7], $0x2800  }
0xc6: {  	[sflag:s7] =	ssyncset.done $0x0  }
0xc7: {  	s10 =	simm.s32 $0x4;
	[sflag:s7] =	ssyncadd.s32 $0xFFFFD800  }
0xc8: {  	_ =	swait.ge [sflag:s10], $0x2800  }
0xc9: {  	[sflag:s10] =	ssyncset.done $0x0  }
0xca: {  	[sflag:s10] =	ssyncadd.s32 $0xFFFFD800  }
0xcb: {  	s13 =	stileid.u32;
	[bflag:$0x0] =	sbarrier.arrive $0xFFFF  }
0xcc: {  	s7 =	sshll.u32 s13, $0x6;
	s10 =	rddreg [dreg:$0x3]  }
0xcd: {  	s7 =	sor.u32 $0x1C05, s7;
	s9 =	rddreg [dreg:$0x9];
	s8 =	sshrl.u32 s10, $0x3  }
0xce: {  	[hbm:s9], [sflag:s7] =	dma.local [spmem:s8], $0x1874  }
0xcf: {  	_ =	swait.ge [sflag:s20], $0x1874  }
0xd0: {  	s17 =	rddreg [dreg:$0xb]  }
0xd1: {  	s18 =	rddreg [dreg:$0xa];
	s8 =	sadd.s32 $0x1, s17  }
0xd2: {  	p0 =	sne.s32 s8, s18  }
.Ltmp4:
0xd3: {  	_ = 	snop;
	(pc) =	sbr.rel @p0 .LBB2_1-.Ltmp4, $3  }
0xd4: {  	_ =	sdelay $0x1  }
0xd5: {  	[sflag:s20] =	ssyncset.done $0x0  }
0xd6: {  	[sflag:s20] =	ssyncadd.s32 $0xFFFFE78C  }
0xd7: {  	_ =	sfence.sel $0x180000  }
0xd8: {  	[bflag:$0x0] =	sbarrier.arrive $0xFFFF  }
0xd9: {  	_ =	strace $0x9000004A  }
0xda: {  	s0 =	stileid.u32;
	[bflag:$0x2] =	sbarrier.arrive $0xFFFF  }
0xdb: {  	p0 =	sne.s32 s0, $0x0;
	s0 =	rddreg [dreg:$0x2]  }
0xdc: {  	s0 =	sadd.s32 @!p0 $0x100000, s0  }
0xdd: {  	[sflag:s0] =	ssyncadd.tile.s32 @!p0 $0x1;
	_ =	shalt  }
.Lfunc_end2:
_tile_overlayer_lowered:
.L_overlay_start_2:
0xde: {  	(tag) =	ssettag $0x2  }
0xdf: {  	s0 =	rddreg [dreg:$0x0];
	s2 =	stileid.u32  }
0xe0: {  	s1 =	rddreg [dreg:$0x1];
	p0 =	sne.s32 s2, $0x0  }
0xe1: {  	s3 =	rddreg [dreg:$0x2];
	[bflag:$0x3] =	sbarrier.arrive $0xFFFF;
	s2 =	simm.s32 @!p0 $0x1C05  }
0xe2: {  	[timem:s3], [sflag:s2] =	dma.local @!p0 [hbm:s0], s1  }
0xe3: {  	s0 =	simm.s32 @!p0 $0x5  }
0xe4: {  	_ =	swait.ge @!p0 [sflag:s0], s1  }
0xe5: {  	s1 =	ssub.s32 @!p0 $0x0, s1;
	[sflag:s0] =	ssyncset.done @!p0 $0x0  }
0xe6: {  	[sflag:s0] =	ssyncadd.s32 @!p0 s1  }
0xe7: {  	[bflag:$0x3] =	sbarrier.arrive $0xFFFF  }
0xe8: {  	_ =	shalt  }

// kernel: kernel.15.cloned.1.call-start
scs
__scs_entry_jumppad:
0x0: {  	(pc) =	sbr.rel $0x88, $3  }
0x1: {  	(tag) =	ssettag $0x0;
	lr =	simm.s32 $0x1  }
0x2: {  	[smem:$0x3F8C] =	sst lr;
	_ =	strace $0xD0000000  }
0x3: {  	_ = 	snop  }
0x4: {  	_ = 	snop  }
0x5: {  	_ = 	snop  }
0x6: {  	_ = 	snop  }
0x7: {  	_ = 	snop  }
__scs_overlays_trampoline_lowered:
0x8: {  	[smem:$0x3F9B] =	sst s0  }
0x9: {  	[smem:$0x3F9C] =	sst s1  }
0xa: {  	[smem:$0x3F9D] =	sst s2  }
0xb: {  	[smem:$0x3F9E] =	sst s3  }
0xc: {  	[smem:$0x3F9F] =	sst s4  }
0xd: {  	[smem:$0x3FA0] =	sst s5  }
0xe: {  	[smem:$0x3FA1] =	sst s6  }
0xf: {  	[smem:$0x3FA2] =	sst s7  }
0x10: {  	[smem:$0x3FA3] =	sst s8  }
0x11: {  	[smem:$0x3FA4] =	sst s9;
	s0 =	simm.s32 @!p0 $0x0  }
0x12: {  	s1 =	sld [smem:$0x3F8A];
	s0 =	simm.s32 @p0 $0x1  }
0x13: {  	[smem:$0x3FA5] =	sst s0;
	s0 =	simm.s32 @!p1 $0x0  }
0x14: {  	s2 =	sld [smem:$0x3F89];
	s0 =	simm.s32 @p1 $0x1  }
0x15: {  	[smem:$0x3FA6] =	sst s0;
	s0 =	simm.s32 @!p2 $0x0  }
0x16: {  	s3 =	sld [smem:$0x3FDB];
	s0 =	simm.s32 @p2 $0x1  }
0x17: {  	s4 =	simm.s32 $0x1BF5;
	[smem:$0x3FA8] =	sst s0  }
0x18: {  	s0 =	sld [smem:$0x3F8B];
	_ =	swait.ge [sflag:s4], $0x0  }
0x19: {  	s7 =	sld [smem:$0x3F8C]  }
0x1a: {  	s8 =	sadd.s32 $0xFFFFE003, lr  }
0x1b: {  	s9 =	sadd.s32 $0xFFFFFEF7, lr;
	s5 =	simm.s32 $0xFFFFFFFF;
	p2 =	slt.u32 s8, $0xFFFFF086  }
0x1c: {  	p1 =	slt.u32 s9, $0xF7A;
	s5 =	simm.s32 @!p2 $0x0  }
0x1d: {  	s5 =	simm.s32 @p1 $0x1;
	p0 =	seq.s32 s7, s2  }
0x1e: {  	s7 =	smul.u32 @!p0 $0xF7A, s2;
	p2 =	seq.s32 @!p0 s5, $0x0  }
0x1f: {  	s9 =	smul.u32 $0xF7A, s1;
	s8 =	simm.s32 @!p0 $0x1BF5;
	p2 =	por !p2, p0  }
0x20: {  	[sflag:s8] =	ssyncset.s32 @!p0 $0xFFFFF086;
	s6 =	sadd.s32 @!p0 s3, s7;
	s7 =	simm.s32 @!p0 $0x108  }
0x21: {  	s3 =	sadd.s32 s3, s9;
	s6 =	sadd.s32 @!p0 $0x88, s6;
	s7 =	simm.s32 @p2 $0x1082  }
0x22: {  	[simem:s7], [sflag:s8] =	dma.local @!p0 [hbm:s6], $0xF7A  }
0x23: {  	s9 =	sor.u32 $0xD0000000, s2;
	s6 =	simm.s32 $0x108;
	_ =	swait.ge @!p0 [sflag:s8], $0x0  }
0x24: {  	s3 =	sadd.s32 $0x88, s3;
	s6 =	simm.s32 @!p1 $0x1082;
	[sflag:s4] =	ssyncset.s32 $0xFFFFF086  }
0x25: {  	[simem:s6], [sflag:s4] =	dma.local [hbm:s3], $0xF7A  }
0x26: {  	[smem:$0x3F8C] =	sst s1;
	(tag) =	ssettag s2;
	_ =	strace s9  }
0x27: {  	s1 =	sld [smem:$0x3F9C]  }
0x28: {  	s2 =	sld [smem:$0x3F9D]  }
0x29: {  	s4 =	sld [smem:$0x3F9F]  }
0x2a: {  	p0 =	seq.s32 s5, $0x0;
	s5 =	sld [smem:$0x3FA0]  }
0x2b: {  	s6 =	sld [smem:$0x3FA1]  }
0x2c: {  	s7 =	sld [smem:$0x3FA2]  }
0x2d: {  	s3 =	simm.s32 $0x108;
	s8 =	sld [smem:$0x3FA3]  }
0x2e: {  	s3 =	simm.s32 @!p0 $0x1082;
	s9 =	sld [smem:$0x3FA4]  }
0x2f: {  	lr =	sadd.s32 s0, s3;
	s0 =	sld [smem:$0x3F9B]  }
0x30: {  	s3 =	sld [smem:$0x3F9E]  }
0x31: {  	[smem:$0x3FA7] =	sst s10  }
0x32: {  	s10 =	sld [smem:$0x3FA5];
	_ =	sdelay $0x3  }
0x33: {  	p0 =	seq.s32 s10, $0x1;
	s10 =	sld [smem:$0x3FA7];
	_ =	sdelay $0x3  }
0x34: {  	[smem:$0x3FA7] =	sst s10  }
0x35: {  	s10 =	sld [smem:$0x3FA6];
	_ =	sdelay $0x3  }
0x36: {  	p1 =	seq.s32 s10, $0x1;
	s10 =	sld [smem:$0x3FA7];
	_ =	sdelay $0x3  }
0x37: {  	[smem:$0x3FA7] =	sst s10  }
0x38: {  	s10 =	sld [smem:$0x3FA8]  }
0x39: {  	_ = 	snop;
	(pc) =	sbr.ind lr, $3  }
0x3a: {  	_ = 	snop  }
0x3b: {  	_ = 	snop  }
0x3c: {  	p2 =	seq.s32 s10, $0x1;
	s10 =	sld [smem:$0x3FA7]  }
0x3d: {  	_ =	shalt  }
0x3e: {  	_ =	shalt  }
0x3f: {  	_ =	shalt  }
0x40: {  	_ =	shalt  }
0x41: {  	_ =	shalt  }
0x42: {  	_ =	shalt  }
0x43: {  	_ =	shalt  }
0x44: {  	_ =	shalt  }
0x45: {  	_ =	shalt  }
0x46: {  	_ =	shalt  }
0x47: {  	_ =	shalt  }
0x48: {  	_ =	shalt  }
0x49: {  	_ =	shalt  }
0x4a: {  	_ =	shalt  }
0x4b: {  	_ =	shalt  }
0x4c: {  	_ =	shalt  }
0x4d: {  	_ =	shalt  }
0x4e: {  	_ =	shalt  }
0x4f: {  	_ =	shalt  }
0x50: {  	_ =	shalt  }
0x51: {  	_ =	shalt  }
0x52: {  	_ =	shalt  }
0x53: {  	_ =	shalt  }
0x54: {  	_ =	shalt  }
0x55: {  	_ =	shalt  }
0x56: {  	_ =	shalt  }
0x57: {  	_ =	shalt  }
0x58: {  	_ =	shalt  }
0x59: {  	_ =	shalt  }
0x5a: {  	_ =	shalt  }
0x5b: {  	_ =	shalt  }
0x5c: {  	_ =	shalt  }
0x5d: {  	_ =	shalt  }
0x5e: {  	_ =	shalt  }
0x5f: {  	_ =	shalt  }
0x60: {  	_ =	shalt  }
0x61: {  	_ =	shalt  }
0x62: {  	_ =	shalt  }
0x63: {  	_ =	shalt  }
0x64: {  	_ =	shalt  }
0x65: {  	_ =	shalt  }
0x66: {  	_ =	shalt  }
0x67: {  	_ =	shalt  }
0x68: {  	_ =	shalt  }
0x69: {  	_ =	shalt  }
0x6a: {  	_ =	shalt  }
0x6b: {  	_ =	shalt  }
0x6c: {  	_ =	shalt  }
0x6d: {  	_ =	shalt  }
0x6e: {  	_ =	shalt  }
0x6f: {  	_ =	shalt  }
0x70: {  	_ =	shalt  }
0x71: {  	_ =	shalt  }
0x72: {  	_ =	shalt  }
0x73: {  	_ =	shalt  }
0x74: {  	_ =	shalt  }
0x75: {  	_ =	shalt  }
0x76: {  	_ =	shalt  }
0x77: {  	_ =	shalt  }
0x78: {  	_ =	shalt  }
0x79: {  	_ =	shalt  }
0x7a: {  	_ =	shalt  }
0x7b: {  	_ =	shalt  }
0x7c: {  	_ =	shalt  }
0x7d: {  	_ =	shalt  }
0x7e: {  	_ =	shalt  }
0x7f: {  	_ =	shalt  }
0x80: {  	_ =	shalt  }
0x81: {  	_ =	shalt  }
0x82: {  	_ =	shalt  }
0x83: {  	_ =	shalt  }
0x84: {  	_ =	shalt  }
0x85: {  	_ =	shalt  }
0x86: {  	_ =	shalt  }
0x87: {  	_ =	shalt  }
.Lfunc_end0:
.L_simem_size_0:
called_computation.2_lowered:
.L_overlay_start_0:
0x88: {  	s2 =	sld [smem:$0x3FD9]  }
0x89: {  	s3 =	sld [smem:$0x3FFE];
	_ =	sdelay $0x1  }
0x8a: {  	s1 =	srdreg.scid  }
0x8b: {  	s0 =	sand.u32 $0x1, s1  }
0x8c: {  	s16 =	sshll.u32 s0, $0xA;
	s2 =	sadd.s32 s3, s2  }
0x8d: {  	s2 =	sadd.s32 s2, s16  }
0x8e: {  	[smem:$0x3FB3] =	sst s2  }
0x8f: {  	_ = 	snop  }
0x90: {  	(tm) =	ssettm $0x1  }
0x91: {  	s17 =	sld [smem:$0x3FFB];
	_ =	sdelay $0x3  }
0x92: {  	_ =	strace s17  }
0x93: {  	s2 =	sld [smem:$0x3FFC];
	_ =	sdelay $0x3  }
0x94: {  	_ =	strace s2  }
0x95: {  	s2 =	sld [smem:$0x3FFD];
	_ =	sdelay $0x3  }
0x96: {  	_ =	strace s2  }
0x97: {  	_ =	strace $0x8FFFFFFF  }
0x98: {  	s18 =	sld [smem:$0x3FDB];
	_ =	sdelay $0x1  }
0x99: {  	s19 =	simm.s32 $_scs_section_size  }
0x9a: {  	s4 =	simm.s32 $_size__tile_overlayer_lowered;
	s5 =	simm.s32 $_tile_overlayer_lowered  }
0x9b: {  	s22 =	simm.s32 $0x1BFF;
	s21 =	sshll.u32 s5, $0x1;
	s2 =	sadd.s32 s19, s18  }
0x9c: {  	s6 =	simm.s32 $0x0;
	s20 =	sshll.u32 s4, $0x1;
	s4 =	sadd.s32 s21, s2  }
0x9d: {  	[timem:s6], [sflag:s22] =	dma.local [hbm:s4], s20  }
0x9e: {  	_ =	swait.ge [sflag:s22], s20  }
0x9f: {  	s3 =	ssub.s32 $0x0, s20;
	[sflag:s22] =	ssyncset.done $0x0  }
0xa0: {  	[sflag:s22] =	ssyncadd.s32 s3;
	_ =	sdelay $0x1  }
0xa1: {  	s23 =	simm.s32 $0x1B8B  }
0xa2: {  	_ =	swait.ge [sflag:s23], $0x1  }
0xa3: {  	[sflag:s23] =	ssyncset.done $0x0  }
0xa4: {  	s25 =	simm.s32 $0x1B8E;
	s24 =	sld [smem:$0x3FFE];
	[sflag:s23] =	ssyncadd.s32 $0xFFFFFFFF  }
0xa5: {  	s26 =	simm.s32 $execute0_lowered;
	[smem:$0x3FD2] =	sst s25  }
0xa6: {  	s4 =	sshll.u32 s26, $0x1;
	_ =	strace $0x8000004C;
	[dreg:$0x1] =	wrdreg $0xFFFFFFFF  }
0xa7: {  	s28 =	simm.s32 $_size_execute0_lowered;
	s2 =	sadd.s32 s2, s4;
	[dreg:$0x0] =	wrdreg $0x0  }
0xa8: {  	s4 =	sshll.u32 s28, $0x1;
	[dreg:$0x2] =	wrdreg s2  }
0xa9: {  	[dreg:$0x3] =	wrdreg s4  }
0xaa: {  	[dreg:$0x4] =	wrdreg $0xC0  }
0xab: {  	_ =	task [dreg:s6], $0x5FFFF  }
0xac: {  	[dreg:$0x1] =	wrdreg $0xFFFFFFFF  }
0xad: {  	[dreg:$0x0] =	wrdreg $0x60  }
0xae: {  	[dreg:$0x2] =	wrdreg s24  }
0xaf: {  	[dreg:$0x3] =	wrdreg $0xC3000  }
0xb0: {  	[dreg:$0x4] =	wrdreg $0x9  }
0xb1: {  	_ =	task.clear_ibuf [dreg:s6], $0x5FFFF;
	_ =	strace $0x9000004C  }
0xb2: {  	s29 =	simm.s32 $0x9;
	_ =	strace $0x8000004E  }
0xb3: {  	_ =	swait.ge [sflag:s29], $0x1  }
0xb4: {  	[sflag:s29] =	ssyncadd.s32 $0xFFFFFFFF  }
0xb5: {  	_ =	strace $0x9000004E  }
0xb6: {  	_ =	sfence  }
0xb7: {  	s30 =	sld [smem:$0x0];
	_ =	sdelay $0x2  }
0xb8: {  	s31 =	sshll.u32 s1, $0xD;
	s1 =	sshrl.u32 s1, $0x2  }
0xb9: {  	s3 =	sand.u32 $0x4000, s31;
	s1 =	sadd.s32 s1, s30  }
0xba: {  	s0 =	sor.u32 s3, s0;
	s1 =	sshll.u32 s1, $0x11  }
0xbb: {  	s0 =	sor.u32 s1, s0  }
0xbc: {  	s0 =	sadd.s32 $0x8F2B, s0  }
0xbd: {  	[sflag:s0] =	ssyncadd.remote.s32 $0x1  }
0xbe: {  	_ =	sfence.sel $0xFFFF  }
0xbf: {  	[dreg:$0x0] =	wrdreg $0xFFFFFFFF;
	(pc) =	sbr.abs _section_cstart, $3  }
0xc0: {  	[dreg:$0x1] =	wrdreg $0xFFFFFFFF  }
0xc1: {  	_ =	task.clear_ibuf [dreg:s6], $0x2FFFF;
	_ =	strace $0x9FFFFFFF  }
0xc2: {  	(tm) =	ssettm $0x7FFFFFFF  }
0xc3: {  	_ =	shalt  }
tec
execute0_lowered:
.L_overlay_start_1:
0x0: {  	(tag) =	ssettag $0x1  }
0x1: {  	s0 =	rddreg [dreg:$0x0]  }
0x2: {  	s2 =	rddreg [dreg:$0x1]  }
0x3: {  	s3 =	simm.s32 $0x0;
	s1 =	srdreg.scid;
	s11 =	stileid.u32  }
0x4: {  	s19 =	simm.s32 $0x7300;
	s20 =	simm.s32 $0x5;
	s28 =	simm.s32 $0x6300  }
0x5: {  	s29 =	simm.s32 $0x1;
	s30 =	simm.s32 $0x200;
	s31 =	simm.s32 $0x2  }
0x6: {  	s12 =	simm.s32 $0x0;
	[smem:$0x7FF] =	sst s3;
	s1 =	sand.u32 $0x1, s1  }
0x7: {  	s7 =	smul.u32 $0x1874, s11;
	s4 =	sadd.s32 $0x15A600, s0;
	s5 =	sadd.s32 $0x3000, s0  }
0x8: {  	s9 =	smul.u32 $0x30E80, s11;
	s6 =	sadd.s32 $0xD600, s0;
	s15 =	sadd.s32 $0xD610, s0  }
0x9: {  	_ =	strace $0x8000004D;
	s8 =	smul.u32 $0x18740, s1;
	s21 =	ssub.s32 $0x2, s1  }
0xa: {  	s1 =	smul.u32 $0x520, s1;
	s10 =	sshrl.u32 s21, $0x1;
	s9 =	sshrl.u32 s9, $0x2  }
0xb: {  	s7 =	sadd.s32 s7, s8;
	s8 =	ssub.s32 s21, s10;
	s10 =	sadd.s32 s9, s2  }
0xc: {  	s1 =	sor.u32 s11, s1;
	s21 =	simm.s32 $0x80;
	s7 =	sadd.s32 s7, s0  }
0xd: {  	s9 =	sadd.s32 $0x2800, s10;
	s22 =	sadd.s32 $0x5000, s10;
	[dreg:$0x3] =	wrdreg s10  }
0xe: {  	s23 =	sadd.s32 $0x7800, s10;
	s11 =	sshll.u32 s1, $0x8;
	[dreg:$0x4] =	wrdreg s9  }
0xf: {  	s1 =	sshll.u32 s1, $0x5;
	s24 =	sadd.s32 $0xA000, s10;
	[dreg:$0x5] =	wrdreg s22  }
0x10: {  	s26 =	smax.u32 s8, $0x1;
	s0 =	simm.s32 $0x280;
	[dreg:$0x6] =	wrdreg s23  }
0x11: {  	s8 =	simm.s32 $0x0;
	[dreg:$0x7] =	wrdreg s24;
	s1 =	sadd.s32 s6, s1  }
0x12: {  	s14 =	sor.u32 $0x1000, s11;
	s16 =	sadd.s32 $0x2000, s11;
	s25 =	sadd.s32 $0x21E00, s7  }
0x13: {  	[dreg:$0xa] =	wrdreg s26;
	s22 =	simm.s32 $0x300;
	s23 =	simm.s32 $0x5300  }
0x14: {  	v0 =	vimm.f32 $0.0e+00;
	vm0 =	vcmask $0xF00;
	s24 =	simm.s32 $0x100;
	s26 =	simm.s32 $0x180;
	[dreg:$0x8] =	wrdreg s1  }
0x15: {  	v1 =	vsel vm0, $0x3F800000, v0;
	[dreg:$0x9] =	wrdreg s25;
	s25 =	simm.s32 $0x2B00;
	s1 =	simm.s32 $0x9B00  }
.LBB2_1:
0x16: {  	[dreg:$0xb] =	wrdreg s8;
	s8 =	simm.s32 $0x140;
	s7 =	simm.s32 $0x0  }
.LBB2_2:
0x17: {  	p0 =	sne.s32 s8, $0x9EC0;
	[tilespmem:s7+$0x7340] =	vst v0;
	s9 =	smov.u32 s8;
	s8 =	sadd.s32 $0x140, s8  }
.Ltmp0:
0x18: {  	[tilespmem:s7+$0x7330] =	vst v0;
	(pc) =	sbr.rel @p0 .LBB2_2-.Ltmp0, $4  }
0x19: {  	[tilespmem:s7+$0x7320] =	vst v0  }
0x1a: {  	[tilespmem:s7+$0x7300] =	vst v0  }
0x1b: {  	[tilespmem:s7+$0x7310] =	vst v0  }
0x1c: {  	s7 =	sshra.s32 s9, $0x2  }
0x1d: {  	[tilespmem:s7+$0x7340] =	vst v0  }
0x1e: {  	[tilespmem:s7+$0x7330] =	vst v0  }
0x1f: {  	[tilespmem:s7+$0x7320] =	vst v0  }
0x20: {  	[tilespmem:s7+$0x7300] =	vst v0  }
0x21: {  	[tilespmem:s7+$0x7310] =	vst v0  }
0x22: {  	[spmem:s10] =	stream.linear.scatter [tilespmem:s19], [sflag:$0x5], $0x2800, $0x38;
	[tilespmem:$0x186A0] =	vst v63  }
0x23: {  	_ =	swait.ge [sflag:s20], $0x2800  }
0x24: {  	[sflag:s20] =	ssyncset.done $0x0  }
0x25: {  	s9 =	rddreg [dreg:$0x4];
	[sflag:s20] =	ssyncadd.s32 $0xFFFFD800  }
0x26: {  	[spmem:s9] =	stream.linear.scatter [tilespmem:s19], [sflag:$0x5], $0x2800, $0x38;
	[tilespmem:$0x186A0] =	vst v63  }
0x27: {  	_ =	swait.ge [sflag:s20], $0x2800  }
0x28: {  	[sflag:s20] =	ssyncset.done $0x0  }
0x29: {  	s10 =	rddreg [dreg:$0x5];
	[sflag:s20] =	ssyncadd.s32 $0xFFFFD800  }
0x2a: {  	[spmem:s10] =	stream.linear.scatter [tilespmem:s19], [sflag:$0x5], $0x2800, $0x38;
	[tilespmem:$0x186A0] =	vst v63  }
0x2b: {  	_ =	swait.ge [sflag:s20], $0x2800  }
0x2c: {  	[sflag:s20] =	ssyncset.done $0x0  }
0x2d: {  	s13 =	rddreg [dreg:$0x6];
	[sflag:s20] =	ssyncadd.s32 $0xFFFFD800  }
0x2e: {  	[spmem:s13] =	stream.linear.scatter [tilespmem:s19], [sflag:$0x5], $0x2800, $0x38;
	[tilespmem:$0x186A0] =	vst v63  }
0x2f: {  	_ =	swait.ge [sflag:s20], $0x2800  }
0x30: {  	[sflag:s20] =	ssyncset.done $0x0  }
0x31: {  	s17 =	rddreg [dreg:$0x7];
	[sflag:s20] =	ssyncadd.s32 $0xFFFFD800  }
0x32: {  	[spmem:s17] =	stream.linear.scatter [tilespmem:s19], [sflag:$0x5], $0x23A0, $0x38;
	[tilespmem:$0x186A0] =	vst v63  }
0x33: {  	_ =	swait.ge [sflag:s20], $0x23A0  }
0x34: {  	[sflag:s20] =	ssyncset.done $0x0  }
0x35: {  	[sflag:s20] =	ssyncadd.s32 $0xFFFFDC60  }
0x36: {  	[bflag:$0x0] =	sbarrier.arrive $0xFFFF  }
0x37: {  	s18 =	rddreg [dreg:$0x8]  }
0x38: {  	[tilespmem:s12], [sflag:$0x5] =	stream.linear.gather [hbm4b:s18+s12], $0x100, $0x38;
	[tilespmem:$0x186A0] =	vst v63  }
0x39: {  	_ =	swait.ge [sflag:s20], $0x100  }
0x3a: {  	[sflag:s20] =	ssyncset.done $0x0  }
0x3b: {  	[sflag:s20] =	ssyncadd.s32 $0xFFFFFF00  }
0x3c: {  	[tilespmem:s22], [sflag:$0x1] =	stream.indirect.gather [hbm4b:s4+s21], $0x50, s12, s21, $0xb8;
	[tilespmem:$0x186A0] =	vst v63  }
0x3d: {  	s13 =	simm.s32 $0x0  }
0x3e: {  	[tilespmem:s23], [sflag:$0x1] =	stream.indirect.gather [hbm4b:s5+s21], $0x20, s21, s21, $0xb8;
	[tilespmem:$0x186A0] =	vst v63  }
.LBB2_4:
0x3f: {  	p0 =	seq.s32 s13, $0x0  }
0x40: {  	s18 =	sshll.u32 s13, $0xD;
	s7 =	simm.s32 @!p0 $0x3  }
0x41: {  	s8 =	sadd.s32 s18, s14;
	_ =	swait.ge @!p0 [sflag:s7], $0x2800  }
0x42: {  	s17 =	sshrl.u32 s8, $0x3;
	[sflag:s7] =	ssyncset.done @!p0 $0x0  }
0x43: {  	s10 =	sadd.s32 s6, s17;
	[sflag:s7] =	ssyncadd.s32 @!p0 $0xFFFFD800  }
0x44: {  	[tilespmem:s24], [sflag:$0x5] =	stream.linear.gather [hbm4b:s10+s12], $0x100, $0x38;
	[tilespmem:$0x186A0] =	vst v63  }
0x45: {  	_ =	swait.ge [sflag:s20], $0x100  }
0x46: {  	[sflag:s20] =	ssyncset.done $0x0  }
0x47: {  	[sflag:s20] =	ssyncadd.s32 $0xFFFFFF00  }
0x48: {  	[tilespmem:s25], [sflag:$0x2] =	stream.indirect.gather [hbm4b:s4+s21], $0x50, s24, s21, $0xb8;
	[tilespmem:$0x186A0] =	vst v63  }
0x49: {  	_ = 	snop  }
0x4a: {  	[tilespmem:s28], [sflag:$0x2] =	stream.indirect.gather [hbm4b:s5+s21], $0x20, s26, s21, $0xb8;
	[tilespmem:$0x186A0] =	vst v63  }
0x4b: {  	_ =	swait.ge [sflag:s29], $0x2800  }
0x4c: {  	[sflag:s29] =	ssyncset.done $0x0  }
0x4d: {  	[sflag:s29] =	ssyncadd.s32 $0xFFFFD800  }
0x4e: {  	_ =	swait.ge [sflag:s29], $0x1000  }
0x4f: {  	[sflag:s29] =	ssyncset.done $0x0  }
0x50: {  	s8 =	simm.s32 $0x0;
	[sflag:s29] =	ssyncadd.s32 $0xFFFFF000  }
0x51: {  	s9 =	simm.s32 $0x5310;
	v2 =	vld [tilespmem:s8+$0x340]  }
0x52: {  	v3 =	vld [tilespmem:s9+$0xFFFFFFF0];
	_ =	sdelay $0x4  }
0x53: {  	v4 =	vld [tilespmem:s9+$0x0];
	v2 =	vadd.f32 v3, v2;
	_ =	sdelay $0x1  }
0x54: {  	v3 =	vmul.f32 $2.000000030e-01, v2  }
0x55: {  	vm0 =	vge.f32 v2, $0.0e+00  }
0x56: {  	v2 =	vsel vm0, v2, v3  }
0x57: {  	v2 =	vsub.f32 v2, v4;
	_ =	sdelay $0x1  }
0x58: {  	v2 =	vmul.f32 $1.442695020e+00, v2;
	_ =	sdelay $0x1  }
0x59: {  	(erf) = vpow2.f32 v2;
	_ =	sdelay $0x5  }
0x5a: {  	v5 =	vld [tilespmem:s8+$0x320]  }
0x5b: {  	v3 =	vld [tilespmem:s8+$0x300]  }
0x5c: {  	v4 =	vld [tilespmem:s8+$0x310]  }
0x5d: {  	s7 =	simm.s32 $0x140;
	v2 =	vld [tilespmem:s8+$0x330];
	v6 =	vpop (erf)  }
.LBB2_5:
0x5e: {  	p1 =	sne.s32 s7, $0x9EC0  }
0x5f: {  	v7 =	vmul.f32 v1, v6;
	v8 =	vbroadcast v6, $0x2;
	s9 =	sadd.s32 $0x20, s9;
	s10 =	smov.u32 s7;
	s7 =	sadd.s32 $0x140, s7  }
0x60: {  	v9 =	vbroadcast v6, $0x1  }
0x61: {  	[tilespmem:s8+$0x7340] =	vst v7;
	v7 =	vbroadcast v6, $0x0;
	v5 =	vmul.f32 v8, v5  }
0x62: {  	s10 =	sshra.s32 s10, $0x2;
	v6 =	vbroadcast v6, $0x3;
	v4 =	vmul.f32 v9, v4  }
0x63: {  	v8 =	vld [tilespmem:s10+$0x340];
	v3 =	vmul.f32 v7, v3;
	[tilespmem:s8+$0x7320] =	vst v5  }
0x64: {  	[tilespmem:s8+$0x7310] =	vst v4;
	v4 =	vmul.f32 v2, v6;
	v2 =	vld [tilespmem:s10+$0x330]  }
0x65: {  	[tilespmem:s8+$0x7300] =	vst v3  }
0x66: {  	[tilespmem:s8+$0x7330] =	vst v4;
	s8 =	smov.u32 s10  }
0x67: {  	v3 =	vld [tilespmem:s9+$0xFFFFFFF0];
	_ =	sdelay $0x2  }
0x68: {  	v4 =	vld [tilespmem:s9+$0x0];
	_ =	sdelay $0x1  }
0x69: {  	v3 =	vadd.f32 v3, v8;
	_ =	sdelay $0x1  }
0x6a: {  	vm0 =	vge.f32 v3, $0.0e+00;
	v5 =	vmul.f32 $2.000000030e-01, v3;
	_ =	sdelay $0x1  }
0x6b: {  	v3 =	vsel vm0, v3, v5  }
0x6c: {  	v3 =	vsub.f32 v3, v4;
	_ =	sdelay $0x1  }
0x6d: {  	v3 =	vmul.f32 $1.442695020e+00, v3;
	_ =	sdelay $0x1  }
0x6e: {  	(erf) = vpow2.f32 v3;
	_ =	sdelay $0x4  }
.Ltmp1:
0x6f: {  	(pc) =	sbr.rel @p1 .LBB2_5-.Ltmp1, $4  }
0x70: {  	_ = 	snop  }
0x71: {  	v5 =	vld [tilespmem:s8+$0x320]  }
0x72: {  	v4 =	vld [tilespmem:s8+$0x310]  }
0x73: {  	v3 =	vld [tilespmem:s8+$0x300];
	v6 =	vpop (erf)  }
0x74: {  	v7 =	vbroadcast v6, $0x2  }
0x75: {  	v8 =	vmul.f32 v1, v6;
	v9 =	vbroadcast v6, $0x1  }
0x76: {  	v5 =	vmul.f32 v7, v5;
	v7 =	vbroadcast v6, $0x0  }
0x77: {  	[tilespmem:s8+$0x7340] =	vst v8;
	v6 =	vbroadcast v6, $0x3;
	v4 =	vmul.f32 v9, v4  }
0x78: {  	v3 =	vmul.f32 v7, v3;
	[tilespmem:s8+$0x7320] =	vst v5  }
0x79: {  	s7 =	sadd.s32 s11, s18;
	v2 =	vmul.f32 v2, v6;
	[tilespmem:s8+$0x7310] =	vst v4  }
0x7a: {  	s7 =	sshrl.u32 s7, $0x3;
	[tilespmem:s8+$0x7300] =	vst v3  }
0x7b: {  	s7 =	sadd.s32 s7, s15;
	[tilespmem:s8+$0x7330] =	vst v2  }
0x7c: {  	[tilespmem:s30], [sflag:$0x5] =	stream.linear.gather [hbm4b:s7+s3], $0x80, $0x38;
	[tilespmem:$0x186A0] =	vst v63  }
0x7d: {  	_ =	swait.ge [sflag:s20], $0x80  }
0x7e: {  	[sflag:s20] =	ssyncset.done $0x0  }
0x7f: {  	s7 =	simm.s32 @!p0 $0x4;
	[sflag:s20] =	ssyncadd.s32 $0xFFFFFF80  }
0x80: {  	[spmem:s2] =	stream.indirect.scatter.add.f32 [tilespmem:s19], [sflag:$0x3], $0x50, s30, s21, $0xb8;
	[tilespmem:$0x186A0] =	vst v63  }
0x81: {  	p1 =	seq.s32 @!p0 s13, $0x28;
	_ =	swait.ge @!p0 [sflag:s7], $0x2800  }
0x82: {  	p1 =	por p0, !p1;
	[sflag:s7] =	ssyncset.done @!p0 $0x0  }
0x83: {  	[sflag:s7] =	ssyncadd.s32 @!p0 $0xFFFFD800;
	s7 =	sadd.s32 @p1 s18, s16  }
0x84: {  	s7 =	sshrl.u32 @p1 s7, $0x3  }
0x85: {  	s7 =	sadd.s32 @p1 s6, s7  }
0x86: {  	[tilespmem:s3], [sflag:$0x5] =	stream.linear.gather @p1 [hbm4b:s7+s3], $0x100, $0x38;
	[tilespmem:$0x186A0] =	vst v63  }
0x87: {  	_ =	swait.ge @p1 [sflag:s20], $0x100  }
0x88: {  	[sflag:s20] =	ssyncset.done @p1 $0x0  }
0x89: {  	[sflag:s20] =	ssyncadd.s32 @p1 $0xFFFFFF00  }
0x8a: {  	[tilespmem:s22], [sflag:$0x1] =	stream.indirect.gather @p1 [hbm4b:s4+s21], $0x50, s3, s21, $0xb8;
	[tilespmem:$0x186A0] =	vst v63  }
0x8b: {  	_ = 	snop  }
0x8c: {  	[tilespmem:s23], [sflag:$0x1] =	stream.indirect.gather @p1 [hbm4b:s5+s21], $0x20, s21, s21, $0xb8;
	[tilespmem:$0x186A0] =	vst v63  }
0x8d: {  	_ =	swait.ge [sflag:s31], $0x2800  }
0x8e: {  	[sflag:s31] =	ssyncset.done $0x0  }
0x8f: {  	[sflag:s31] =	ssyncadd.s32 $0xFFFFD800  }
0x90: {  	_ =	swait.ge [sflag:s31], $0x1000  }
0x91: {  	[sflag:s31] =	ssyncset.done $0x0  }
0x92: {  	s8 =	simm.s32 $0x0;
	[sflag:s31] =	ssyncadd.s32 $0xFFFFF000  }
0x93: {  	s9 =	simm.s32 $0x6310;
	v2 =	vld [tilespmem:s8+$0x2B40]  }
0x94: {  	v3 =	vld [tilespmem:s9+$0xFFFFFFF0];
	_ =	sdelay $0x4  }
0x95: {  	v4 =	vld [tilespmem:s9+$0x0];
	v2 =	vadd.f32 v3, v2;
	_ =	sdelay $0x1  }
0x96: {  	v3 =	vmul.f32 $2.000000030e-01, v2  }
0x97: {  	vm0 =	vge.f32 v2, $0.0e+00  }
0x98: {  	v2 =	vsel vm0, v2, v3  }
0x99: {  	v2 =	vsub.f32 v2, v4;
	_ =	sdelay $0x1  }
0x9a: {  	v2 =	vmul.f32 $1.442695020e+00, v2;
	_ =	sdelay $0x1  }
0x9b: {  	(erf) = vpow2.f32 v2;
	_ =	sdelay $0x5  }
0x9c: {  	v5 =	vld [tilespmem:s8+$0x2B20]  }
0x9d: {  	v3 =	vld [tilespmem:s8+$0x2B00]  }
0x9e: {  	v4 =	vld [tilespmem:s8+$0x2B10]  }
0x9f: {  	s7 =	simm.s32 $0x140;
	v2 =	vld [tilespmem:s8+$0x2B30];
	v6 =	vpop (erf)  }
.LBB2_7:
0xa0: {  	p0 =	sne.s32 s7, $0x9EC0  }
0xa1: {  	v7 =	vmul.f32 v1, v6;
	v8 =	vbroadcast v6, $0x2;
	s9 =	sadd.s32 $0x20, s9;
	s10 =	smov.u32 s7;
	s7 =	sadd.s32 $0x140, s7  }
0xa2: {  	v9 =	vbroadcast v6, $0x1  }
0xa3: {  	[tilespmem:s8+$0x9B40] =	vst v7;
	v7 =	vbroadcast v6, $0x0;
	v5 =	vmul.f32 v8, v5  }
0xa4: {  	s10 =	sshra.s32 s10, $0x2;
	v6 =	vbroadcast v6, $0x3;
	v4 =	vmul.f32 v9, v4  }
0xa5: {  	v8 =	vld [tilespmem:s10+$0x2B40];
	v3 =	vmul.f32 v7, v3;
	[tilespmem:s8+$0x9B20] =	vst v5  }
0xa6: {  	[tilespmem:s8+$0x9B10] =	vst v4;
	v4 =	vmul.f32 v2, v6;
	v2 =	vld [tilespmem:s10+$0x2B30]  }
0xa7: {  	[tilespmem:s8+$0x9B00] =	vst v3  }
0xa8: {  	[tilespmem:s8+$0x9B30] =	vst v4;
	s8 =	smov.u32 s10  }
0xa9: {  	v3 =	vld [tilespmem:s9+$0xFFFFFFF0];
	_ =	sdelay $0x2  }
0xaa: {  	v4 =	vld [tilespmem:s9+$0x0];
	_ =	sdelay $0x1  }
0xab: {  	v3 =	vadd.f32 v3, v8;
	_ =	sdelay $0x1  }
0xac: {  	vm0 =	vge.f32 v3, $0.0e+00;
	v5 =	vmul.f32 $2.000000030e-01, v3;
	_ =	sdelay $0x1  }
0xad: {  	v3 =	vsel vm0, v3, v5  }
0xae: {  	v3 =	vsub.f32 v3, v4;
	_ =	sdelay $0x1  }
0xaf: {  	v3 =	vmul.f32 $1.442695020e+00, v3;
	_ =	sdelay $0x1  }
0xb0: {  	(erf) = vpow2.f32 v3;
	_ =	sdelay $0x4  }
.Ltmp2:
0xb1: {  	(pc) =	sbr.rel @p0 .LBB2_7-.Ltmp2, $4  }
0xb2: {  	_ = 	snop  }
0xb3: {  	v5 =	vld [tilespmem:s8+$0x2B20]  }
0xb4: {  	v4 =	vld [tilespmem:s8+$0x2B10]  }
0xb5: {  	v3 =	vld [tilespmem:s8+$0x2B00];
	v6 =	vpop (erf)  }
0xb6: {  	v7 =	vbroadcast v6, $0x2  }
0xb7: {  	v8 =	vmul.f32 v1, v6;
	v63 =	vbroadcast v6, $0x3  }
0xb8: {  	v9 =	vbroadcast v6, $0x1;
	v5 =	vmul.f32 v7, v5  }
0xb9: {  	v62 =	vbroadcast v6, $0x0;
	[tilespmem:s8+$0x9B40] =	vst v8;
	v2 =	vmul.f32 v2, v63  }
0xba: {  	v4 =	vmul.f32 v9, v4;
	[tilespmem:s8+$0x9B20] =	vst v5  }
0xbb: {  	v3 =	vmul.f32 v62, v3;
	[tilespmem:s8+$0x9B30] =	vst v2  }
0xbc: {  	s13 =	sadd.s32 $0x1, s13;
	[tilespmem:s8+$0x9B10] =	vst v4  }
0xbd: {  	s7 =	sadd.s32 s17, s15;
	p0 =	sne.s32 s13, $0x29;
	[tilespmem:s8+$0x9B00] =	vst v3  }
0xbe: {  	[tilespmem:s0], [sflag:$0x5] =	stream.linear.gather [hbm4b:s7+s3], $0x80, $0x38;
	[tilespmem:$0x186A0] =	vst v63  }
.Ltmp3:
0xbf: {  	_ = 	snop;
	(pc) =	sbr.rel @p0 .LBB2_4-.Ltmp3, $4  }
0xc0: {  	_ =	swait.ge [sflag:s20], $0x80  }
0xc1: {  	[sflag:s20] =	ssyncset.done $0x0  }
0xc2: {  	[sflag:s20] =	ssyncadd.s32 $0xFFFFFF80  }
0xc3: {  	[spmem:s2] =	stream.indirect.scatter.add.f32 [tilespmem:s1], [sflag:$0x4], $0x50, s0, s21, $0xb8;
	[tilespmem:$0x186A0] =	vst v63  }
0xc4: {  	s7 =	simm.s32 $0x3  }
0xc5: {  	_ =	swait.ge [sflag:s7], $0x2800  }
0xc6: {  	[sflag:s7] =	ssyncset.done $0x0  }
0xc7: {  	s10 =	simm.s32 $0x4;
	[sflag:s7] =	ssyncadd.s32 $0xFFFFD800  }
0xc8: {  	_ =	swait.ge [sflag:s10], $0x2800  }
0xc9: {  	[sflag:s10] =	ssyncset.done $0x0  }
0xca: {  	[sflag:s10] =	ssyncadd.s32 $0xFFFFD800  }
0xcb: {  	s13 =	stileid.u32;
	[bflag:$0x0] =	sbarrier.arrive $0xFFFF  }
0xcc: {  	s7 =	sshll.u32 s13, $0x6;
	s10 =	rddreg [dreg:$0x3]  }
0xcd: {  	s7 =	sor.u32 $0x1C05, s7;
	s9 =	rddreg [dreg:$0x9];
	s8 =	sshrl.u32 s10, $0x3  }
0xce: {  	[hbm:s9], [sflag:s7] =	dma.local [spmem:s8], $0x1874  }
0xcf: {  	_ =	swait.ge [sflag:s20], $0x1874  }
0xd0: {  	s17 =	rddreg [dreg:$0xb]  }
0xd1: {  	s18 =	rddreg [dreg:$0xa];
	s8 =	sadd.s32 $0x1, s17  }
0xd2: {  	p0 =	sne.s32 s8, s18  }
.Ltmp4:
0xd3: {  	_ = 	snop;
	(pc) =	sbr.rel @p0 .LBB2_1-.Ltmp4, $3  }
0xd4: {  	_ =	sdelay $0x1  }
0xd5: {  	[sflag:s20] =	ssyncset.done $0x0  }
0xd6: {  	[sflag:s20] =	ssyncadd.s32 $0xFFFFE78C  }
0xd7: {  	_ =	sfence.sel $0x180000  }
0xd8: {  	[bflag:$0x0] =	sbarrier.arrive $0xFFFF  }
0xd9: {  	_ =	strace $0x9000004D  }
0xda: {  	s0 =	stileid.u32;
	[bflag:$0x2] =	sbarrier.arrive $0xFFFF  }
0xdb: {  	p0 =	sne.s32 s0, $0x0;
	s0 =	rddreg [dreg:$0x2]  }
0xdc: {  	s0 =	sadd.s32 @!p0 $0x100000, s0  }
0xdd: {  	[sflag:s0] =	ssyncadd.tile.s32 @!p0 $0x1;
	_ =	shalt  }
.Lfunc_end2:
_tile_overlayer_lowered:
.L_overlay_start_2:
0xde: {  	(tag) =	ssettag $0x2  }
0xdf: {  	s0 =	rddreg [dreg:$0x0];
	s2 =	stileid.u32  }
0xe0: {  	s1 =	rddreg [dreg:$0x1];
	p0 =	sne.s32 s2, $0x0  }
0xe1: {  	s3 =	rddreg [dreg:$0x2];
	[bflag:$0x3] =	sbarrier.arrive $0xFFFF;
	s2 =	simm.s32 @!p0 $0x1C05  }
0xe2: {  	[timem:s3], [sflag:s2] =	dma.local @!p0 [hbm:s0], s1  }
0xe3: {  	s0 =	simm.s32 @!p0 $0x5  }
0xe4: {  	_ =	swait.ge @!p0 [sflag:s0], s1  }
0xe5: {  	s1 =	ssub.s32 @!p0 $0x0, s1;
	[sflag:s0] =	ssyncset.done @!p0 $0x0  }
0xe6: {  	[sflag:s0] =	ssyncadd.s32 @!p0 s1  }
0xe7: {  	[bflag:$0x3] =	sbarrier.arrive $0xFFFF  }
0xe8: {  	_ =	shalt  }

// kernel: kernel.9.cloned.1.call-start
scs
__scs_entry_jumppad:
0x0: {  	(pc) =	sbr.rel $0x88, $3  }
0x1: {  	(tag) =	ssettag $0x0;
	lr =	simm.s32 $0x1  }
0x2: {  	[smem:$0x3F8C] =	sst lr;
	_ =	strace $0xD0000000  }
0x3: {  	_ = 	snop  }
0x4: {  	_ = 	snop  }
0x5: {  	_ = 	snop  }
0x6: {  	_ = 	snop  }
0x7: {  	_ = 	snop  }
__scs_overlays_trampoline_lowered:
0x8: {  	[smem:$0x3F9B] =	sst s0  }
0x9: {  	[smem:$0x3F9C] =	sst s1  }
0xa: {  	[smem:$0x3F9D] =	sst s2  }
0xb: {  	[smem:$0x3F9E] =	sst s3  }
0xc: {  	[smem:$0x3F9F] =	sst s4  }
0xd: {  	[smem:$0x3FA0] =	sst s5  }
0xe: {  	[smem:$0x3FA1] =	sst s6  }
0xf: {  	[smem:$0x3FA2] =	sst s7  }
0x10: {  	[smem:$0x3FA3] =	sst s8  }
0x11: {  	[smem:$0x3FA4] =	sst s9;
	s0 =	simm.s32 @!p0 $0x0  }
0x12: {  	s1 =	sld [smem:$0x3F8A];
	s0 =	simm.s32 @p0 $0x1  }
0x13: {  	[smem:$0x3FA5] =	sst s0;
	s0 =	simm.s32 @!p1 $0x0  }
0x14: {  	s2 =	sld [smem:$0x3F89];
	s0 =	simm.s32 @p1 $0x1  }
0x15: {  	[smem:$0x3FA6] =	sst s0;
	s0 =	simm.s32 @!p2 $0x0  }
0x16: {  	s3 =	sld [smem:$0x3FDB];
	s0 =	simm.s32 @p2 $0x1  }
0x17: {  	s4 =	simm.s32 $0x1BF5;
	[smem:$0x3FA8] =	sst s0  }
0x18: {  	s0 =	sld [smem:$0x3F8B];
	_ =	swait.ge [sflag:s4], $0x0  }
0x19: {  	s7 =	sld [smem:$0x3F8C]  }
0x1a: {  	s8 =	sadd.s32 $0xFFFFE003, lr  }
0x1b: {  	s9 =	sadd.s32 $0xFFFFFEF7, lr;
	s5 =	simm.s32 $0xFFFFFFFF;
	p2 =	slt.u32 s8, $0xFFFFF086  }
0x1c: {  	p1 =	slt.u32 s9, $0xF7A;
	s5 =	simm.s32 @!p2 $0x0  }
0x1d: {  	s5 =	simm.s32 @p1 $0x1;
	p0 =	seq.s32 s7, s2  }
0x1e: {  	s7 =	smul.u32 @!p0 $0xF7A, s2;
	p2 =	seq.s32 @!p0 s5, $0x0  }
0x1f: {  	s9 =	smul.u32 $0xF7A, s1;
	s8 =	simm.s32 @!p0 $0x1BF5;
	p2 =	por !p2, p0  }
0x20: {  	[sflag:s8] =	ssyncset.s32 @!p0 $0xFFFFF086;
	s6 =	sadd.s32 @!p0 s3, s7;
	s7 =	simm.s32 @!p0 $0x108  }
0x21: {  	s3 =	sadd.s32 s3, s9;
	s6 =	sadd.s32 @!p0 $0x88, s6;
	s7 =	simm.s32 @p2 $0x1082  }
0x22: {  	[simem:s7], [sflag:s8] =	dma.local @!p0 [hbm:s6], $0xF7A  }
0x23: {  	s9 =	sor.u32 $0xD0000000, s2;
	s6 =	simm.s32 $0x108;
	_ =	swait.ge @!p0 [sflag:s8], $0x0  }
0x24: {  	s3 =	sadd.s32 $0x88, s3;
	s6 =	simm.s32 @!p1 $0x1082;
	[sflag:s4] =	ssyncset.s32 $0xFFFFF086  }
0x25: {  	[simem:s6], [sflag:s4] =	dma.local [hbm:s3], $0xF7A  }
0x26: {  	[smem:$0x3F8C] =	sst s1;
	(tag) =	ssettag s2;
	_ =	strace s9  }
0x27: {  	s1 =	sld [smem:$0x3F9C]  }
0x28: {  	s2 =	sld [smem:$0x3F9D]  }
0x29: {  	s4 =	sld [smem:$0x3F9F]  }
0x2a: {  	p0 =	seq.s32 s5, $0x0;
	s5 =	sld [smem:$0x3FA0]  }
0x2b: {  	s6 =	sld [smem:$0x3FA1]  }
0x2c: {  	s7 =	sld [smem:$0x3FA2]  }
0x2d: {  	s3 =	simm.s32 $0x108;
	s8 =	sld [smem:$0x3FA3]  }
0x2e: {  	s3 =	simm.s32 @!p0 $0x1082;
	s9 =	sld [smem:$0x3FA4]  }
0x2f: {  	lr =	sadd.s32 s0, s3;
	s0 =	sld [smem:$0x3F9B]  }
0x30: {  	s3 =	sld [smem:$0x3F9E]  }
0x31: {  	[smem:$0x3FA7] =	sst s10  }
0x32: {  	s10 =	sld [smem:$0x3FA5];
	_ =	sdelay $0x3  }
0x33: {  	p0 =	seq.s32 s10, $0x1;
	s10 =	sld [smem:$0x3FA7];
	_ =	sdelay $0x3  }
0x34: {  	[smem:$0x3FA7] =	sst s10  }
0x35: {  	s10 =	sld [smem:$0x3FA6];
	_ =	sdelay $0x3  }
0x36: {  	p1 =	seq.s32 s10, $0x1;
	s10 =	sld [smem:$0x3FA7];
	_ =	sdelay $0x3  }
0x37: {  	[smem:$0x3FA7] =	sst s10  }
0x38: {  	s10 =	sld [smem:$0x3FA8]  }
0x39: {  	_ = 	snop;
	(pc) =	sbr.ind lr, $3  }
0x3a: {  	_ = 	snop  }
0x3b: {  	_ = 	snop  }
0x3c: {  	p2 =	seq.s32 s10, $0x1;
	s10 =	sld [smem:$0x3FA7]  }
0x3d: {  	_ =	shalt  }
0x3e: {  	_ =	shalt  }
0x3f: {  	_ =	shalt  }
0x40: {  	_ =	shalt  }
0x41: {  	_ =	shalt  }
0x42: {  	_ =	shalt  }
0x43: {  	_ =	shalt  }
0x44: {  	_ =	shalt  }
0x45: {  	_ =	shalt  }
0x46: {  	_ =	shalt  }
0x47: {  	_ =	shalt  }
0x48: {  	_ =	shalt  }
0x49: {  	_ =	shalt  }
0x4a: {  	_ =	shalt  }
0x4b: {  	_ =	shalt  }
0x4c: {  	_ =	shalt  }
0x4d: {  	_ =	shalt  }
0x4e: {  	_ =	shalt  }
0x4f: {  	_ =	shalt  }
0x50: {  	_ =	shalt  }
0x51: {  	_ =	shalt  }
0x52: {  	_ =	shalt  }
0x53: {  	_ =	shalt  }
0x54: {  	_ =	shalt  }
0x55: {  	_ =	shalt  }
0x56: {  	_ =	shalt  }
0x57: {  	_ =	shalt  }
0x58: {  	_ =	shalt  }
0x59: {  	_ =	shalt  }
0x5a: {  	_ =	shalt  }
0x5b: {  	_ =	shalt  }
0x5c: {  	_ =	shalt  }
0x5d: {  	_ =	shalt  }
0x5e: {  	_ =	shalt  }
0x5f: {  	_ =	shalt  }
0x60: {  	_ =	shalt  }
0x61: {  	_ =	shalt  }
0x62: {  	_ =	shalt  }
0x63: {  	_ =	shalt  }
0x64: {  	_ =	shalt  }
0x65: {  	_ =	shalt  }
0x66: {  	_ =	shalt  }
0x67: {  	_ =	shalt  }
0x68: {  	_ =	shalt  }
0x69: {  	_ =	shalt  }
0x6a: {  	_ =	shalt  }
0x6b: {  	_ =	shalt  }
0x6c: {  	_ =	shalt  }
0x6d: {  	_ =	shalt  }
0x6e: {  	_ =	shalt  }
0x6f: {  	_ =	shalt  }
0x70: {  	_ =	shalt  }
0x71: {  	_ =	shalt  }
0x72: {  	_ =	shalt  }
0x73: {  	_ =	shalt  }
0x74: {  	_ =	shalt  }
0x75: {  	_ =	shalt  }
0x76: {  	_ =	shalt  }
0x77: {  	_ =	shalt  }
0x78: {  	_ =	shalt  }
0x79: {  	_ =	shalt  }
0x7a: {  	_ =	shalt  }
0x7b: {  	_ =	shalt  }
0x7c: {  	_ =	shalt  }
0x7d: {  	_ =	shalt  }
0x7e: {  	_ =	shalt  }
0x7f: {  	_ =	shalt  }
0x80: {  	_ =	shalt  }
0x81: {  	_ =	shalt  }
0x82: {  	_ =	shalt  }
0x83: {  	_ =	shalt  }
0x84: {  	_ =	shalt  }
0x85: {  	_ =	shalt  }
0x86: {  	_ =	shalt  }
0x87: {  	_ =	shalt  }
.Lfunc_end0:
.L_simem_size_0:
called_computation_lowered:
.L_overlay_start_0:
0x88: {  	s2 =	sld [smem:$0x3FD9]  }
0x89: {  	s3 =	sld [smem:$0x3FFE];
	_ =	sdelay $0x1  }
0x8a: {  	s1 =	srdreg.scid  }
0x8b: {  	s0 =	sand.u32 $0x1, s1  }
0x8c: {  	s16 =	sshll.u32 s0, $0xA;
	s2 =	sadd.s32 s3, s2  }
0x8d: {  	s2 =	sadd.s32 s2, s16  }
0x8e: {  	[smem:$0x3FB3] =	sst s2  }
0x8f: {  	_ = 	snop  }
0x90: {  	(tm) =	ssettm $0x1  }
0x91: {  	s17 =	sld [smem:$0x3FFB];
	_ =	sdelay $0x3  }
0x92: {  	_ =	strace s17  }
0x93: {  	s2 =	sld [smem:$0x3FFC];
	_ =	sdelay $0x3  }
0x94: {  	_ =	strace s2  }
0x95: {  	s2 =	sld [smem:$0x3FFD];
	_ =	sdelay $0x3  }
0x96: {  	_ =	strace s2  }
0x97: {  	_ =	strace $0x8FFFFFFF  }
0x98: {  	s18 =	sld [smem:$0x3FDB];
	_ =	sdelay $0x1  }
0x99: {  	s19 =	simm.s32 $_scs_section_size  }
0x9a: {  	s4 =	simm.s32 $_size__tile_overlayer_lowered;
	s5 =	simm.s32 $_tile_overlayer_lowered  }
0x9b: {  	s22 =	simm.s32 $0x1BFF;
	s21 =	sshll.u32 s5, $0x1;
	s2 =	sadd.s32 s19, s18  }
0x9c: {  	s6 =	simm.s32 $0x0;
	s20 =	sshll.u32 s4, $0x1;
	s4 =	sadd.s32 s21, s2  }
0x9d: {  	[timem:s6], [sflag:s22] =	dma.local [hbm:s4], s20  }
0x9e: {  	_ =	swait.ge [sflag:s22], s20  }
0x9f: {  	s3 =	ssub.s32 $0x0, s20;
	[sflag:s22] =	ssyncset.done $0x0  }
0xa0: {  	[sflag:s22] =	ssyncadd.s32 s3;
	_ =	sdelay $0x1  }
0xa1: {  	s23 =	simm.s32 $0x1B8B  }
0xa2: {  	_ =	swait.ge [sflag:s23], $0x1  }
0xa3: {  	[sflag:s23] =	ssyncset.done $0x0  }
0xa4: {  	s25 =	simm.s32 $0x1B8E;
	s24 =	sld [smem:$0x3FFE];
	[sflag:s23] =	ssyncadd.s32 $0xFFFFFFFF  }
0xa5: {  	s26 =	simm.s32 $execute0_lowered;
	[smem:$0x3FD2] =	sst s25  }
0xa6: {  	s4 =	sshll.u32 s26, $0x1;
	_ =	strace $0x80000046;
	[dreg:$0x1] =	wrdreg $0xFFFFFFFF  }
0xa7: {  	s28 =	simm.s32 $_size_execute0_lowered;
	s2 =	sadd.s32 s2, s4;
	[dreg:$0x0] =	wrdreg $0x0  }
0xa8: {  	s4 =	sshll.u32 s28, $0x1;
	[dreg:$0x2] =	wrdreg s2  }
0xa9: {  	[dreg:$0x3] =	wrdreg s4  }
0xaa: {  	[dreg:$0x4] =	wrdreg $0xC0  }
0xab: {  	_ =	task [dreg:s6], $0x5FFFF  }
0xac: {  	[dreg:$0x1] =	wrdreg $0xFFFFFFFF  }
0xad: {  	[dreg:$0x0] =	wrdreg $0x60  }
0xae: {  	[dreg:$0x2] =	wrdreg s24  }
0xaf: {  	[dreg:$0x3] =	wrdreg $0xC3000  }
0xb0: {  	[dreg:$0x4] =	wrdreg $0x9  }
0xb1: {  	_ =	task.clear_ibuf [dreg:s6], $0x5FFFF;
	_ =	strace $0x90000046  }
0xb2: {  	s29 =	simm.s32 $0x9;
	_ =	strace $0x80000048  }
0xb3: {  	_ =	swait.ge [sflag:s29], $0x1  }
0xb4: {  	[sflag:s29] =	ssyncadd.s32 $0xFFFFFFFF  }
0xb5: {  	_ =	strace $0x90000048  }
0xb6: {  	_ =	sfence  }
0xb7: {  	s30 =	sld [smem:$0x0];
	_ =	sdelay $0x2  }
0xb8: {  	s31 =	sshll.u32 s1, $0xD;
	s1 =	sshrl.u32 s1, $0x2  }
0xb9: {  	s3 =	sand.u32 $0x4000, s31;
	s1 =	sadd.s32 s1, s30  }
0xba: {  	s0 =	sor.u32 s3, s0;
	s1 =	sshll.u32 s1, $0x11  }
0xbb: {  	s0 =	sor.u32 s1, s0  }
0xbc: {  	s0 =	sadd.s32 $0x8F2B, s0  }
0xbd: {  	[sflag:s0] =	ssyncadd.remote.s32 $0x1  }
0xbe: {  	_ =	sfence.sel $0xFFFF  }
0xbf: {  	[dreg:$0x0] =	wrdreg $0xFFFFFFFF;
	(pc) =	sbr.abs _section_cstart, $3  }
0xc0: {  	[dreg:$0x1] =	wrdreg $0xFFFFFFFF  }
0xc1: {  	_ =	task.clear_ibuf [dreg:s6], $0x2FFFF;
	_ =	strace $0x9FFFFFFF  }
0xc2: {  	(tm) =	ssettm $0x7FFFFFFF  }
0xc3: {  	_ =	shalt  }
tec
execute0_lowered:
.L_overlay_start_1:
0x0: {  	(tag) =	ssettag $0x1  }
0x1: {  	s0 =	rddreg [dreg:$0x0]  }
0x2: {  	s2 =	rddreg [dreg:$0x1]  }
0x3: {  	s3 =	simm.s32 $0x0;
	s1 =	srdreg.scid;
	s11 =	stileid.u32  }
0x4: {  	s19 =	simm.s32 $0x7300;
	s20 =	simm.s32 $0x5;
	s28 =	simm.s32 $0x6300  }
0x5: {  	s29 =	simm.s32 $0x1;
	s30 =	simm.s32 $0x200;
	s31 =	simm.s32 $0x2  }
0x6: {  	s12 =	simm.s32 $0x0;
	[smem:$0x7FF] =	sst s3;
	s1 =	sand.u32 $0x1, s1  }
0x7: {  	s7 =	smul.u32 $0x1874, s11;
	s4 =	sadd.s32 $0x13C000, s0;
	s5 =	sadd.s32 $0x3800, s0  }
0x8: {  	s9 =	smul.u32 $0x30E80, s11;
	s6 =	sadd.s32 $0xD600, s0;
	s15 =	sadd.s32 $0xD610, s0  }
0x9: {  	_ =	strace $0x80000047;
	s8 =	smul.u32 $0x18740, s1;
	s21 =	ssub.s32 $0x2, s1  }
0xa: {  	s1 =	smul.u32 $0x520, s1;
	s10 =	sshrl.u32 s21, $0x1;
	s9 =	sshrl.u32 s9, $0x2  }
0xb: {  	s7 =	sadd.s32 s7, s8;
	s8 =	ssub.s32 s21, s10;
	s10 =	sadd.s32 s9, s2  }
0xc: {  	s1 =	sor.u32 s11, s1;
	s21 =	simm.s32 $0x80;
	s7 =	sadd.s32 s7, s0  }
0xd: {  	s9 =	sadd.s32 $0x2800, s10;
	s22 =	sadd.s32 $0x5000, s10;
	[dreg:$0x3] =	wrdreg s10  }
0xe: {  	s23 =	sadd.s32 $0x7800, s10;
	s11 =	sshll.u32 s1, $0x8;
	[dreg:$0x4] =	wrdreg s9  }
0xf: {  	s1 =	sshll.u32 s1, $0x5;
	s24 =	sadd.s32 $0xA000, s10;
	[dreg:$0x5] =	wrdreg s22  }
0x10: {  	s26 =	smax.u32 s8, $0x1;
	s0 =	simm.s32 $0x280;
	[dreg:$0x6] =	wrdreg s23  }
0x11: {  	s8 =	simm.s32 $0x0;
	[dreg:$0x7] =	wrdreg s24;
	s1 =	sadd.s32 s6, s1  }
0x12: {  	s14 =	sor.u32 $0x1000, s11;
	s16 =	sadd.s32 $0x2000, s11;
	s25 =	sadd.s32 $0x21E00, s7  }
0x13: {  	[dreg:$0xa] =	wrdreg s26;
	s22 =	simm.s32 $0x300;
	s23 =	simm.s32 $0x5300  }
0x14: {  	v0 =	vimm.f32 $0.0e+00;
	vm0 =	vcmask $0xF00;
	s24 =	simm.s32 $0x100;
	s26 =	simm.s32 $0x180;
	[dreg:$0x8] =	wrdreg s1  }
0x15: {  	v1 =	vsel vm0, $0x3F800000, v0;
	[dreg:$0x9] =	wrdreg s25;
	s25 =	simm.s32 $0x2B00;
	s1 =	simm.s32 $0x9B00  }
.LBB2_1:
0x16: {  	[dreg:$0xb] =	wrdreg s8;
	s8 =	simm.s32 $0x140;
	s7 =	simm.s32 $0x0  }
.LBB2_2:
0x17: {  	p0 =	sne.s32 s8, $0x9EC0;
	[tilespmem:s7+$0x7340] =	vst v0;
	s9 =	smov.u32 s8;
	s8 =	sadd.s32 $0x140, s8  }
.Ltmp0:
0x18: {  	[tilespmem:s7+$0x7330] =	vst v0;
	(pc) =	sbr.rel @p0 .LBB2_2-.Ltmp0, $4  }
0x19: {  	[tilespmem:s7+$0x7320] =	vst v0  }
0x1a: {  	[tilespmem:s7+$0x7300] =	vst v0  }
0x1b: {  	[tilespmem:s7+$0x7310] =	vst v0  }
0x1c: {  	s7 =	sshra.s32 s9, $0x2  }
0x1d: {  	[tilespmem:s7+$0x7340] =	vst v0  }
0x1e: {  	[tilespmem:s7+$0x7330] =	vst v0  }
0x1f: {  	[tilespmem:s7+$0x7320] =	vst v0  }
0x20: {  	[tilespmem:s7+$0x7300] =	vst v0  }
0x21: {  	[tilespmem:s7+$0x7310] =	vst v0  }
0x22: {  	[spmem:s10] =	stream.linear.scatter [tilespmem:s19], [sflag:$0x5], $0x2800, $0x38;
	[tilespmem:$0x186A0] =	vst v63  }
0x23: {  	_ =	swait.ge [sflag:s20], $0x2800  }
0x24: {  	[sflag:s20] =	ssyncset.done $0x0  }
0x25: {  	s9 =	rddreg [dreg:$0x4];
	[sflag:s20] =	ssyncadd.s32 $0xFFFFD800  }
0x26: {  	[spmem:s9] =	stream.linear.scatter [tilespmem:s19], [sflag:$0x5], $0x2800, $0x38;
	[tilespmem:$0x186A0] =	vst v63  }
0x27: {  	_ =	swait.ge [sflag:s20], $0x2800  }
0x28: {  	[sflag:s20] =	ssyncset.done $0x0  }
0x29: {  	s10 =	rddreg [dreg:$0x5];
	[sflag:s20] =	ssyncadd.s32 $0xFFFFD800  }
0x2a: {  	[spmem:s10] =	stream.linear.scatter [tilespmem:s19], [sflag:$0x5], $0x2800, $0x38;
	[tilespmem:$0x186A0] =	vst v63  }
0x2b: {  	_ =	swait.ge [sflag:s20], $0x2800  }
0x2c: {  	[sflag:s20] =	ssyncset.done $0x0  }
0x2d: {  	s13 =	rddreg [dreg:$0x6];
	[sflag:s20] =	ssyncadd.s32 $0xFFFFD800  }
0x2e: {  	[spmem:s13] =	stream.linear.scatter [tilespmem:s19], [sflag:$0x5], $0x2800, $0x38;
	[tilespmem:$0x186A0] =	vst v63  }
0x2f: {  	_ =	swait.ge [sflag:s20], $0x2800  }
0x30: {  	[sflag:s20] =	ssyncset.done $0x0  }
0x31: {  	s17 =	rddreg [dreg:$0x7];
	[sflag:s20] =	ssyncadd.s32 $0xFFFFD800  }
0x32: {  	[spmem:s17] =	stream.linear.scatter [tilespmem:s19], [sflag:$0x5], $0x23A0, $0x38;
	[tilespmem:$0x186A0] =	vst v63  }
0x33: {  	_ =	swait.ge [sflag:s20], $0x23A0  }
0x34: {  	[sflag:s20] =	ssyncset.done $0x0  }
0x35: {  	[sflag:s20] =	ssyncadd.s32 $0xFFFFDC60  }
0x36: {  	[bflag:$0x0] =	sbarrier.arrive $0xFFFF  }
0x37: {  	s18 =	rddreg [dreg:$0x8]  }
0x38: {  	[tilespmem:s12], [sflag:$0x5] =	stream.linear.gather [hbm4b:s18+s12], $0x100, $0x38;
	[tilespmem:$0x186A0] =	vst v63  }
0x39: {  	_ =	swait.ge [sflag:s20], $0x100  }
0x3a: {  	[sflag:s20] =	ssyncset.done $0x0  }
0x3b: {  	[sflag:s20] =	ssyncadd.s32 $0xFFFFFF00  }
0x3c: {  	[tilespmem:s22], [sflag:$0x1] =	stream.indirect.gather [hbm4b:s4+s21], $0x50, s12, s21, $0xb8;
	[tilespmem:$0x186A0] =	vst v63  }
0x3d: {  	s13 =	simm.s32 $0x0  }
0x3e: {  	[tilespmem:s23], [sflag:$0x1] =	stream.indirect.gather [hbm4b:s5+s21], $0x20, s21, s21, $0xb8;
	[tilespmem:$0x186A0] =	vst v63  }
.LBB2_4:
0x3f: {  	p0 =	seq.s32 s13, $0x0  }
0x40: {  	s18 =	sshll.u32 s13, $0xD;
	s7 =	simm.s32 @!p0 $0x3  }
0x41: {  	s8 =	sadd.s32 s18, s14;
	_ =	swait.ge @!p0 [sflag:s7], $0x2800  }
0x42: {  	s17 =	sshrl.u32 s8, $0x3;
	[sflag:s7] =	ssyncset.done @!p0 $0x0  }
0x43: {  	s10 =	sadd.s32 s6, s17;
	[sflag:s7] =	ssyncadd.s32 @!p0 $0xFFFFD800  }
0x44: {  	[tilespmem:s24], [sflag:$0x5] =	stream.linear.gather [hbm4b:s10+s12], $0x100, $0x38;
	[tilespmem:$0x186A0] =	vst v63  }
0x45: {  	_ =	swait.ge [sflag:s20], $0x100  }
0x46: {  	[sflag:s20] =	ssyncset.done $0x0  }
0x47: {  	[sflag:s20] =	ssyncadd.s32 $0xFFFFFF00  }
0x48: {  	[tilespmem:s25], [sflag:$0x2] =	stream.indirect.gather [hbm4b:s4+s21], $0x50, s24, s21, $0xb8;
	[tilespmem:$0x186A0] =	vst v63  }
0x49: {  	_ = 	snop  }
0x4a: {  	[tilespmem:s28], [sflag:$0x2] =	stream.indirect.gather [hbm4b:s5+s21], $0x20, s26, s21, $0xb8;
	[tilespmem:$0x186A0] =	vst v63  }
0x4b: {  	_ =	swait.ge [sflag:s29], $0x2800  }
0x4c: {  	[sflag:s29] =	ssyncset.done $0x0  }
0x4d: {  	[sflag:s29] =	ssyncadd.s32 $0xFFFFD800  }
0x4e: {  	_ =	swait.ge [sflag:s29], $0x1000  }
0x4f: {  	[sflag:s29] =	ssyncset.done $0x0  }
0x50: {  	s8 =	simm.s32 $0x0;
	[sflag:s29] =	ssyncadd.s32 $0xFFFFF000  }
0x51: {  	s9 =	simm.s32 $0x5310;
	v2 =	vld [tilespmem:s8+$0x340]  }
0x52: {  	v3 =	vld [tilespmem:s9+$0xFFFFFFF0];
	_ =	sdelay $0x4  }
0x53: {  	v4 =	vld [tilespmem:s9+$0x0];
	v2 =	vadd.f32 v3, v2;
	_ =	sdelay $0x1  }
0x54: {  	v3 =	vmul.f32 $2.000000030e-01, v2  }
0x55: {  	vm0 =	vge.f32 v2, $0.0e+00  }
0x56: {  	v2 =	vsel vm0, v2, v3  }
0x57: {  	v2 =	vsub.f32 v2, v4;
	_ =	sdelay $0x1  }
0x58: {  	v2 =	vmul.f32 $1.442695020e+00, v2;
	_ =	sdelay $0x1  }
0x59: {  	(erf) = vpow2.f32 v2;
	_ =	sdelay $0x5  }
0x5a: {  	v5 =	vld [tilespmem:s8+$0x320]  }
0x5b: {  	v3 =	vld [tilespmem:s8+$0x300]  }
0x5c: {  	v4 =	vld [tilespmem:s8+$0x310]  }
0x5d: {  	s7 =	simm.s32 $0x140;
	v2 =	vld [tilespmem:s8+$0x330];
	v6 =	vpop (erf)  }
.LBB2_5:
0x5e: {  	p1 =	sne.s32 s7, $0x9EC0  }
0x5f: {  	v7 =	vmul.f32 v1, v6;
	v8 =	vbroadcast v6, $0x2;
	s9 =	sadd.s32 $0x20, s9;
	s10 =	smov.u32 s7;
	s7 =	sadd.s32 $0x140, s7  }
0x60: {  	v9 =	vbroadcast v6, $0x1  }
0x61: {  	[tilespmem:s8+$0x7340] =	vst v7;
	v7 =	vbroadcast v6, $0x0;
	v5 =	vmul.f32 v8, v5  }
0x62: {  	s10 =	sshra.s32 s10, $0x2;
	v6 =	vbroadcast v6, $0x3;
	v4 =	vmul.f32 v9, v4  }
0x63: {  	v8 =	vld [tilespmem:s10+$0x340];
	v3 =	vmul.f32 v7, v3;
	[tilespmem:s8+$0x7320] =	vst v5  }
0x64: {  	[tilespmem:s8+$0x7310] =	vst v4;
	v4 =	vmul.f32 v2, v6;
	v2 =	vld [tilespmem:s10+$0x330]  }
0x65: {  	[tilespmem:s8+$0x7300] =	vst v3  }
0x66: {  	[tilespmem:s8+$0x7330] =	vst v4;
	s8 =	smov.u32 s10  }
0x67: {  	v3 =	vld [tilespmem:s9+$0xFFFFFFF0];
	_ =	sdelay $0x2  }
0x68: {  	v4 =	vld [tilespmem:s9+$0x0];
	_ =	sdelay $0x1  }
0x69: {  	v3 =	vadd.f32 v3, v8;
	_ =	sdelay $0x1  }
0x6a: {  	vm0 =	vge.f32 v3, $0.0e+00;
	v5 =	vmul.f32 $2.000000030e-01, v3;
	_ =	sdelay $0x1  }
0x6b: {  	v3 =	vsel vm0, v3, v5  }
0x6c: {  	v3 =	vsub.f32 v3, v4;
	_ =	sdelay $0x1  }
0x6d: {  	v3 =	vmul.f32 $1.442695020e+00, v3;
	_ =	sdelay $0x1  }
0x6e: {  	(erf) = vpow2.f32 v3;
	_ =	sdelay $0x4  }
.Ltmp1:
0x6f: {  	(pc) =	sbr.rel @p1 .LBB2_5-.Ltmp1, $4  }
0x70: {  	_ = 	snop  }
0x71: {  	v5 =	vld [tilespmem:s8+$0x320]  }
0x72: {  	v4 =	vld [tilespmem:s8+$0x310]  }
0x73: {  	v3 =	vld [tilespmem:s8+$0x300];
	v6 =	vpop (erf)  }
0x74: {  	v7 =	vbroadcast v6, $0x2  }
0x75: {  	v8 =	vmul.f32 v1, v6;
	v9 =	vbroadcast v6, $0x1  }
0x76: {  	v5 =	vmul.f32 v7, v5;
	v7 =	vbroadcast v6, $0x0  }
0x77: {  	[tilespmem:s8+$0x7340] =	vst v8;
	v6 =	vbroadcast v6, $0x3;
	v4 =	vmul.f32 v9, v4  }
0x78: {  	v3 =	vmul.f32 v7, v3;
	[tilespmem:s8+$0x7320] =	vst v5  }
0x79: {  	s7 =	sadd.s32 s11, s18;
	v2 =	vmul.f32 v2, v6;
	[tilespmem:s8+$0x7310] =	vst v4  }
0x7a: {  	s7 =	sshrl.u32 s7, $0x3;
	[tilespmem:s8+$0x7300] =	vst v3  }
0x7b: {  	s7 =	sadd.s32 s7, s15;
	[tilespmem:s8+$0x7330] =	vst v2  }
0x7c: {  	[tilespmem:s30], [sflag:$0x5] =	stream.linear.gather [hbm4b:s7+s3], $0x80, $0x38;
	[tilespmem:$0x186A0] =	vst v63  }
0x7d: {  	_ =	swait.ge [sflag:s20], $0x80  }
0x7e: {  	[sflag:s20] =	ssyncset.done $0x0  }
0x7f: {  	s7 =	simm.s32 @!p0 $0x4;
	[sflag:s20] =	ssyncadd.s32 $0xFFFFFF80  }
0x80: {  	[spmem:s2] =	stream.indirect.scatter.add.f32 [tilespmem:s19], [sflag:$0x3], $0x50, s30, s21, $0xb8;
	[tilespmem:$0x186A0] =	vst v63  }
0x81: {  	p1 =	seq.s32 @!p0 s13, $0x28;
	_ =	swait.ge @!p0 [sflag:s7], $0x2800  }
0x82: {  	p1 =	por p0, !p1;
	[sflag:s7] =	ssyncset.done @!p0 $0x0  }
0x83: {  	[sflag:s7] =	ssyncadd.s32 @!p0 $0xFFFFD800;
	s7 =	sadd.s32 @p1 s18, s16  }
0x84: {  	s7 =	sshrl.u32 @p1 s7, $0x3  }
0x85: {  	s7 =	sadd.s32 @p1 s6, s7  }
0x86: {  	[tilespmem:s3], [sflag:$0x5] =	stream.linear.gather @p1 [hbm4b:s7+s3], $0x100, $0x38;
	[tilespmem:$0x186A0] =	vst v63  }
0x87: {  	_ =	swait.ge @p1 [sflag:s20], $0x100  }
0x88: {  	[sflag:s20] =	ssyncset.done @p1 $0x0  }
0x89: {  	[sflag:s20] =	ssyncadd.s32 @p1 $0xFFFFFF00  }
0x8a: {  	[tilespmem:s22], [sflag:$0x1] =	stream.indirect.gather @p1 [hbm4b:s4+s21], $0x50, s3, s21, $0xb8;
	[tilespmem:$0x186A0] =	vst v63  }
0x8b: {  	_ = 	snop  }
0x8c: {  	[tilespmem:s23], [sflag:$0x1] =	stream.indirect.gather @p1 [hbm4b:s5+s21], $0x20, s21, s21, $0xb8;
	[tilespmem:$0x186A0] =	vst v63  }
0x8d: {  	_ =	swait.ge [sflag:s31], $0x2800  }
0x8e: {  	[sflag:s31] =	ssyncset.done $0x0  }
0x8f: {  	[sflag:s31] =	ssyncadd.s32 $0xFFFFD800  }
0x90: {  	_ =	swait.ge [sflag:s31], $0x1000  }
0x91: {  	[sflag:s31] =	ssyncset.done $0x0  }
0x92: {  	s8 =	simm.s32 $0x0;
	[sflag:s31] =	ssyncadd.s32 $0xFFFFF000  }
0x93: {  	s9 =	simm.s32 $0x6310;
	v2 =	vld [tilespmem:s8+$0x2B40]  }
0x94: {  	v3 =	vld [tilespmem:s9+$0xFFFFFFF0];
	_ =	sdelay $0x4  }
0x95: {  	v4 =	vld [tilespmem:s9+$0x0];
	v2 =	vadd.f32 v3, v2;
	_ =	sdelay $0x1  }
0x96: {  	v3 =	vmul.f32 $2.000000030e-01, v2  }
0x97: {  	vm0 =	vge.f32 v2, $0.0e+00  }
0x98: {  	v2 =	vsel vm0, v2, v3  }
0x99: {  	v2 =	vsub.f32 v2, v4;
	_ =	sdelay $0x1  }
0x9a: {  	v2 =	vmul.f32 $1.442695020e+00, v2;
	_ =	sdelay $0x1  }
0x9b: {  	(erf) = vpow2.f32 v2;
	_ =	sdelay $0x5  }
0x9c: {  	v5 =	vld [tilespmem:s8+$0x2B20]  }
0x9d: {  	v3 =	vld [tilespmem:s8+$0x2B00]  }
0x9e: {  	v4 =	vld [tilespmem:s8+$0x2B10]  }
0x9f: {  	s7 =	simm.s32 $0x140;
	v2 =	vld [tilespmem:s8+$0x2B30];
	v6 =	vpop (erf)  }
.LBB2_7:
0xa0: {  	p0 =	sne.s32 s7, $0x9EC0  }
0xa1: {  	v7 =	vmul.f32 v1, v6;
	v8 =	vbroadcast v6, $0x2;
	s9 =	sadd.s32 $0x20, s9;
	s10 =	smov.u32 s7;
	s7 =	sadd.s32 $0x140, s7  }
0xa2: {  	v9 =	vbroadcast v6, $0x1  }
0xa3: {  	[tilespmem:s8+$0x9B40] =	vst v7;
	v7 =	vbroadcast v6, $0x0;
	v5 =	vmul.f32 v8, v5  }
0xa4: {  	s10 =	sshra.s32 s10, $0x2;
	v6 =	vbroadcast v6, $0x3;
	v4 =	vmul.f32 v9, v4  }
0xa5: {  	v8 =	vld [tilespmem:s10+$0x2B40];
	v3 =	vmul.f32 v7, v3;
	[tilespmem:s8+$0x9B20] =	vst v5  }
0xa6: {  	[tilespmem:s8+$0x9B10] =	vst v4;
	v4 =	vmul.f32 v2, v6;
	v2 =	vld [tilespmem:s10+$0x2B30]  }
0xa7: {  	[tilespmem:s8+$0x9B00] =	vst v3  }
0xa8: {  	[tilespmem:s8+$0x9B30] =	vst v4;
	s8 =	smov.u32 s10  }
0xa9: {  	v3 =	vld [tilespmem:s9+$0xFFFFFFF0];
	_ =	sdelay $0x2  }
0xaa: {  	v4 =	vld [tilespmem:s9+$0x0];
	_ =	sdelay $0x1  }
0xab: {  	v3 =	vadd.f32 v3, v8;
	_ =	sdelay $0x1  }
0xac: {  	vm0 =	vge.f32 v3, $0.0e+00;
	v5 =	vmul.f32 $2.000000030e-01, v3;
	_ =	sdelay $0x1  }
0xad: {  	v3 =	vsel vm0, v3, v5  }
0xae: {  	v3 =	vsub.f32 v3, v4;
	_ =	sdelay $0x1  }
0xaf: {  	v3 =	vmul.f32 $1.442695020e+00, v3;
	_ =	sdelay $0x1  }
0xb0: {  	(erf) = vpow2.f32 v3;
	_ =	sdelay $0x4  }
.Ltmp2:
0xb1: {  	(pc) =	sbr.rel @p0 .LBB2_7-.Ltmp2, $4  }
0xb2: {  	_ = 	snop  }
0xb3: {  	v5 =	vld [tilespmem:s8+$0x2B20]  }
0xb4: {  	v4 =	vld [tilespmem:s8+$0x2B10]  }
0xb5: {  	v3 =	vld [tilespmem:s8+$0x2B00];
	v6 =	vpop (erf)  }
0xb6: {  	v7 =	vbroadcast v6, $0x2  }
0xb7: {  	v8 =	vmul.f32 v1, v6;
	v63 =	vbroadcast v6, $0x3  }
0xb8: {  	v9 =	vbroadcast v6, $0x1;
	v5 =	vmul.f32 v7, v5  }
0xb9: {  	v62 =	vbroadcast v6, $0x0;
	[tilespmem:s8+$0x9B40] =	vst v8;
	v2 =	vmul.f32 v2, v63  }
0xba: {  	v4 =	vmul.f32 v9, v4;
	[tilespmem:s8+$0x9B20] =	vst v5  }
0xbb: {  	v3 =	vmul.f32 v62, v3;
	[tilespmem:s8+$0x9B30] =	vst v2  }
0xbc: {  	s13 =	sadd.s32 $0x1, s13;
	[tilespmem:s8+$0x9B10] =	vst v4  }
0xbd: {  	s7 =	sadd.s32 s17, s15;
	p0 =	sne.s32 s13, $0x29;
	[tilespmem:s8+$0x9B00] =	vst v3  }
0xbe: {  	[tilespmem:s0], [sflag:$0x5] =	stream.linear.gather [hbm4b:s7+s3], $0x80, $0x38;
	[tilespmem:$0x186A0] =	vst v63  }
.Ltmp3:
0xbf: {  	_ = 	snop;
	(pc) =	sbr.rel @p0 .LBB2_4-.Ltmp3, $4  }
0xc0: {  	_ =	swait.ge [sflag:s20], $0x80  }
0xc1: {  	[sflag:s20] =	ssyncset.done $0x0  }
0xc2: {  	[sflag:s20] =	ssyncadd.s32 $0xFFFFFF80  }
0xc3: {  	[spmem:s2] =	stream.indirect.scatter.add.f32 [tilespmem:s1], [sflag:$0x4], $0x50, s0, s21, $0xb8;
	[tilespmem:$0x186A0] =	vst v63  }
0xc4: {  	s7 =	simm.s32 $0x3  }
0xc5: {  	_ =	swait.ge [sflag:s7], $0x2800  }
0xc6: {  	[sflag:s7] =	ssyncset.done $0x0  }
0xc7: {  	s10 =	simm.s32 $0x4;
	[sflag:s7] =	ssyncadd.s32 $0xFFFFD800  }
0xc8: {  	_ =	swait.ge [sflag:s10], $0x2800  }
0xc9: {  	[sflag:s10] =	ssyncset.done $0x0  }
0xca: {  	[sflag:s10] =	ssyncadd.s32 $0xFFFFD800  }
0xcb: {  	s13 =	stileid.u32;
	[bflag:$0x0] =	sbarrier.arrive $0xFFFF  }
0xcc: {  	s7 =	sshll.u32 s13, $0x6;
	s10 =	rddreg [dreg:$0x3]  }
0xcd: {  	s7 =	sor.u32 $0x1C05, s7;
	s9 =	rddreg [dreg:$0x9];
	s8 =	sshrl.u32 s10, $0x3  }
0xce: {  	[hbm:s9], [sflag:s7] =	dma.local [spmem:s8], $0x1874  }
0xcf: {  	_ =	swait.ge [sflag:s20], $0x1874  }
0xd0: {  	s17 =	rddreg [dreg:$0xb]  }
0xd1: {  	s18 =	rddreg [dreg:$0xa];
	s8 =	sadd.s32 $0x1, s17  }
0xd2: {  	p0 =	sne.s32 s8, s18  }
.Ltmp4:
0xd3: {  	_ = 	snop;
	(pc) =	sbr.rel @p0 .LBB2_1-.Ltmp4, $3  }
0xd4: {  	_ =	sdelay $0x1  }
0xd5: {  	[sflag:s20] =	ssyncset.done $0x0  }
0xd6: {  	[sflag:s20] =	ssyncadd.s32 $0xFFFFE78C  }
0xd7: {  	_ =	sfence.sel $0x180000  }
0xd8: {  	[bflag:$0x0] =	sbarrier.arrive $0xFFFF  }
0xd9: {  	_ =	strace $0x90000047  }
0xda: {  	s0 =	stileid.u32;
	[bflag:$0x2] =	sbarrier.arrive $0xFFFF  }
0xdb: {  	p0 =	sne.s32 s0, $0x0;
	s0 =	rddreg [dreg:$0x2]  }
0xdc: {  	s0 =	sadd.s32 @!p0 $0x100000, s0  }
0xdd: {  	[sflag:s0] =	ssyncadd.tile.s32 @!p0 $0x1;
	_ =	shalt  }
.Lfunc_end2:
_tile_overlayer_lowered:
.L_overlay_start_2:
0xde: {  	(tag) =	ssettag $0x2  }
0xdf: {  	s0 =	rddreg [dreg:$0x0];
	s2 =	stileid.u32  }
0xe0: {  	s1 =	rddreg [dreg:$0x1];
	p0 =	sne.s32 s2, $0x0  }
0xe1: {  	s3 =	rddreg [dreg:$0x2];
	[bflag:$0x3] =	sbarrier.arrive $0xFFFF;
	s2 =	simm.s32 @!p0 $0x1C05  }
0xe2: {  	[timem:s3], [sflag:s2] =	dma.local @!p0 [hbm:s0], s1  }
0xe3: {  	s0 =	simm.s32 @!p0 $0x5  }
0xe4: {  	_ =	swait.ge @!p0 [sflag:s0], s1  }
0xe5: {  	s1 =	ssub.s32 @!p0 $0x0, s1;
	[sflag:s0] =	ssyncset.done @!p0 $0x0  }
0xe6: {  	[sflag:s0] =	ssyncadd.s32 @!p0 s1  }
0xe7: {  	[bflag:$0x3] =	sbarrier.arrive $0xFFFF  }
0xe8: {  	_ =	shalt  }

</sc_bundles>
